<compile_context>
chip_gen: v7x
topology: tpu7x:2x2x1
jax: 0.10.2.dev20260603
libtpu: 0.0.44.dev20260713+nightly
codegen_flags: <defaults>
</compile_context>

<pallas_src>
import functools

import jax
import jax.numpy as jnp
from jax import lax
from jax.experimental import pallas as pl
from jax.experimental.pallas import tpu as pltpu
from jax.experimental.pallas import tpu_sc as plsc

BATCH = 16384
D = 32
STRIP = 128
NC = 2
NS = 16
NW = NC * NS
BPW = BATCH // NW
G = 16
NG = BPW // G
NB = 8

_mesh = plsc.VectorSubcoreMesh(core_axis_name="c", subcore_axis_name="s")


@functools.partial(
    pl.kernel,
    out_type=jax.ShapeDtypeStruct((BATCH,), jnp.float32),
    mesh=_mesh,
    scratch_types=[
        pltpu.VMEM((BPW,), jnp.int32),
        pltpu.VMEM((BPW,), jnp.int32),
        pltpu.VMEM((NB, D, STRIP), jnp.float32),
        pltpu.VMEM((G, D), jnp.float32),
        pltpu.VMEM((G, D), jnp.float32),
        pltpu.VMEM((48,), jnp.float32),
        pltpu.VMEM((BPW,), jnp.float32),
        pltpu.SemaphoreType.DMA,
    ],
    compiler_params=pltpu.CompilerParams(
        needs_layout_passes=False, use_tc_tiling_on_sc=True),
)
def _gmf_sc(uid_hbm, iid_hbm, ut_hbm, it_hbm, wb_hbm, out_hbm,
            uidx, iidx, strips, urows, irows, wv, outv, sem):
    wid = lax.axis_index("s") * NC + lax.axis_index("c")
    base = wid * BPW

    pltpu.sync_copy(uid_hbm.at[pl.ds(base, BPW)], uidx)
    pltpu.sync_copy(iid_hbm.at[pl.ds(base, BPW)], iidx)
    pltpu.sync_copy(wb_hbm, wv)

    lanes = lax.iota(jnp.int32, 16)
    d_lo = lanes
    d_hi = lanes + 16

    w_lo = wv[pl.ds(0, 16)]
    w_hi = wv[pl.ds(16, 16)]
    b0 = wv[pl.ds(32, 16)][0]

    def fire_one(tab_hbm, start_vec, jj, slot):
        s = pl.multiple_of(start_vec[jj], 128)
        pltpu.async_copy(tab_hbm.at[:, pl.ds(s, STRIP)], strips.at[slot], sem)

    def group_starts(off):
        return uidx[pl.ds(off, 16)] & ~127, iidx[pl.ds(off, 16)] & ~127

    us0, _ = group_starts(0)
    for j in range(NB):
        fire_one(ut_hbm, us0, j, j)

    def group_body(g, _):
        off = pl.multiple_of(g * G, G)
        ustart, istart = group_starts(off)
        ulane = uidx[pl.ds(off, 16)] & 127
        ilane = iidx[pl.ds(off, 16)] & 127
        for fi in range(2 * G):
            slot = fi % NB
            pltpu.make_async_copy(ut_hbm.at[:, pl.ds(0, STRIP)],
                                  strips.at[slot], sem).wait()
            nxt = fi + NB
            if nxt < G:
                fire_one(ut_hbm, ustart, nxt, slot)
            elif nxt < 2 * G:
                fire_one(it_hbm, istart, nxt - G, slot)
            else:
                @pl.when(g + 1 < NG)
                def _():
                    un, _ = group_starts(off + G)
                    fire_one(ut_hbm, un, nxt - 2 * G, slot)
            jj = fi % G
            lane = ulane if fi < G else ilane
            rows_ref = urows if fi < G else irows
            sv = jnp.full((16,), slot, jnp.int32)
            wl = jnp.full((16,), lane[jj], jnp.int32)
            v_lo = plsc.load_gather(strips, [sv, d_lo, wl])
            v_hi = plsc.load_gather(strips, [sv, d_hi, wl])
            rows_ref[jj, pl.ds(0, 16)] = v_lo
            rows_ref[jj, pl.ds(16, 16)] = v_hi
        acc = jnp.zeros((16,), jnp.float32)
        for j in range(G):
            s = jnp.sum(urows[j, pl.ds(0, 16)] * irows[j, pl.ds(0, 16)] * w_lo
                        + urows[j, pl.ds(16, 16)] * irows[j, pl.ds(16, 16)] * w_hi)
            acc = jnp.where(lanes == j, s, acc)
        outv[pl.ds(off, 16)] = 1.0 / (1.0 + jnp.exp(-(acc + b0)))
        return 0

    lax.fori_loop(0, NG, group_body, 0)

    pltpu.sync_copy(outv, out_hbm.at[pl.ds(base, BPW)])


def kernel(user_ids, item_ids, user_table, item_table, W, b):
    wb = jnp.zeros((48,), jnp.float32)
    wb = wb.at[:D].set(W.reshape(D)).at[D].set(b[0])
    return _gmf_sc(user_ids.astype(jnp.int32), item_ids.astype(jnp.int32),
                   user_table.T, item_table.T, wb)

# --- scband reference (transcript-rebuilt; emitter-appended) ---
"""Pipeline reference for scband-gmf-58746562674924 (READ-ONLY COPY).

The authoritative reference and input builder live on the scoring server;
editing this copy changes nothing except your own understanding.
"""

import jax, jax.numpy as jnp
import numpy as np

NUM_USERS = 1000000
NUM_ITEMS = 1000000
EMBED_DIM = 32
BATCH = 16384

def setup_inputs(seed: int = 0) -> dict:
    key = jax.random.key(seed)
    k1, k2, k3, k4, k5 = jax.random.split(key, 5)
    user_ids = jax.random.randint(k1, (BATCH,), 0, NUM_USERS, dtype=jnp.int64) if jax.config.jax_enable_x64 else jax.random.randint(k1, (BATCH,), 0, NUM_USERS, dtype=jnp.int32)
    item_ids = jax.random.randint(k2, (BATCH,), 0, NUM_ITEMS, dtype=jnp.int32)
    user_table = jax.random.normal(k3, (NUM_USERS, EMBED_DIM), dtype=jnp.float32) * 0.01
    item_table = jax.random.normal(k4, (NUM_ITEMS, EMBED_DIM), dtype=jnp.float32) * 0.01
    # xavier uniform for Linear(embed_dim, 1): limit = sqrt(6/(fan_in+fan_out))
    limit = float(np.sqrt(6.0 / (EMBED_DIM + 1)))
    W = jax.random.uniform(k5, (1, EMBED_DIM), dtype=jnp.float32, minval=-limit, maxval=limit)
    b = jnp.zeros((1,), dtype=jnp.float32)
    return {"user_ids": user_ids, "item_ids": item_ids, "user_table": user_table, "item_table": item_table, "W": W, "b": b}

def reference(user_ids, item_ids, user_table, item_table, W, b):
    u = jnp.take(user_table, user_ids, axis=0)          # [B, D] gather
    i = jnp.take(item_table, item_ids, axis=0)          # [B, D] gather
    x = u * i                                           # elementwise product
    logits = x @ W.T + b                                # [B, 1]
    out = jax.nn.sigmoid(logits)
    return jnp.squeeze(out, axis=-1)                    # [B]

if __name__ == "__main__":
    import jax
    _d = setup_inputs()
    print(jax.jit(kernel)(*tuple(_d.values())))

</pallas_src>

<mosaic_0001>
#map = affine_map<(d0, d1) -> (0)>
#map1 = affine_map<(d0, d1) -> (0, 0)>
module attributes {stable_mosaic.version = 14 : i64} {
  func.func @_gmf_sc(%arg0: i32, %arg1: i32, %arg2: memref<16384xi32, #tpu.memory_space<hbm>>, %arg3: memref<16384xi32, #tpu.memory_space<hbm>>, %arg4: memref<32x1000000xf32, #tpu.memory_space<hbm>>, %arg5: memref<32x1000000xf32, #tpu.memory_space<hbm>>, %arg6: memref<48xf32, #tpu.memory_space<hbm>>, %arg7: memref<16384xf32, #tpu.memory_space<hbm>>, %arg8: memref<512xi32, #tpu.memory_space<vmem>>, %arg9: memref<512xi32, #tpu.memory_space<vmem>>, %arg10: memref<8x32x128xf32, #tpu.memory_space<vmem>>, %arg11: memref<16x32xf32, #tpu.memory_space<vmem>>, %arg12: memref<16x32xf32, #tpu.memory_space<vmem>>, %arg13: memref<48xf32, #tpu.memory_space<vmem>>, %arg14: memref<512xf32, #tpu.memory_space<vmem>>, %arg15: memref<!tpu.dma_semaphore, #tpu.memory_space<semaphore_mem>>) attributes {dimension_semantics = [#tpu.dimension_semantics<core_parallel>, #tpu.dimension_semantics<subcore_parallel>], iteration_bounds = array<i64: 2, 16>, scalar_prefetch = 0 : i64, scratch_operands = 8 : i64, tpu.core_type = #tpu.core_type<sc_vector_subcore>, window_params = [{transform_indices = #map}, {transform_indices = #map}, {transform_indices = #map1}, {transform_indices = #map1}, {transform_indices = #map}, {transform_indices = #map}]} {
    %mul3A = arith.constant 2 : i32
    %mul3A_0 = arith.muli %arg1, %mul3A : i32
    %add3A = arith.addi %mul3A_0, %arg0 : i32
    %mul3A_1 = arith.constant 512 : i32
    %mul3A_2 = arith.muli %add3A, %mul3A_1 : i32
    "tpu.region"() ({
      %run_scoped3A = tpu.sem_alloc : memref<!tpu.dma_semaphore, #tpu.memory_space<semaphore_mem>>
      %dma_start3A_152 = tpu.memref_slice %arg2[%mul3A_2] : memref<16384xi32, #tpu.memory_space<hbm>> -> memref<512xi32, #tpu.memory_space<hbm>>
      %dma_start3A_153 = tpu.memref_slice %arg2[%mul3A_2] : memref<16384xi32, #tpu.memory_space<hbm>> -> memref<512xi32, #tpu.memory_space<hbm>>
      tpu.enqueue_dma source(%dma_start3A_153 : memref<512xi32, #tpu.memory_space<hbm>>) target(%arg8 : memref<512xi32, #tpu.memory_space<vmem>>) target_semaphore(%run_scoped3A : memref<!tpu.dma_semaphore, #tpu.memory_space<semaphore_mem>>)
      %dma_wait3A = tpu.memref_slice %arg2[%mul3A_2] : memref<16384xi32, #tpu.memory_space<hbm>> -> memref<512xi32, #tpu.memory_space<hbm>>
      %dma_wait3A_154 = tpu.memref_slice %arg2[%mul3A_2] : memref<16384xi32, #tpu.memory_space<hbm>> -> memref<512xi32, #tpu.memory_space<hbm>>
      tpu.wait_dma2 semaphore(%run_scoped3A : memref<!tpu.dma_semaphore, #tpu.memory_space<semaphore_mem>>) src(%dma_wait3A_154 : memref<512xi32, #tpu.memory_space<hbm>>) dst(%arg8 : memref<512xi32, #tpu.memory_space<vmem>>)
      tpu.yield
    }) : () -> ()
    "tpu.region"() ({
      %run_scoped3A = tpu.sem_alloc : memref<!tpu.dma_semaphore, #tpu.memory_space<semaphore_mem>>
      %dma_start3A_152 = tpu.memref_slice %arg3[%mul3A_2] : memref<16384xi32, #tpu.memory_space<hbm>> -> memref<512xi32, #tpu.memory_space<hbm>>
      %dma_start3A_153 = tpu.memref_slice %arg3[%mul3A_2] : memref<16384xi32, #tpu.memory_space<hbm>> -> memref<512xi32, #tpu.memory_space<hbm>>
      tpu.enqueue_dma source(%dma_start3A_153 : memref<512xi32, #tpu.memory_space<hbm>>) target(%arg9 : memref<512xi32, #tpu.memory_space<vmem>>) target_semaphore(%run_scoped3A : memref<!tpu.dma_semaphore, #tpu.memory_space<semaphore_mem>>)
      %dma_wait3A = tpu.memref_slice %arg3[%mul3A_2] : memref<16384xi32, #tpu.memory_space<hbm>> -> memref<512xi32, #tpu.memory_space<hbm>>
      %dma_wait3A_154 = tpu.memref_slice %arg3[%mul3A_2] : memref<16384xi32, #tpu.memory_space<hbm>> -> memref<512xi32, #tpu.memory_space<hbm>>
      tpu.wait_dma2 semaphore(%run_scoped3A : memref<!tpu.dma_semaphore, #tpu.memory_space<semaphore_mem>>) src(%dma_wait3A_154 : memref<512xi32, #tpu.memory_space<hbm>>) dst(%arg9 : memref<512xi32, #tpu.memory_space<vmem>>)
      tpu.yield
    }) : () -> ()
    "tpu.region"() ({
      %run_scoped3A = tpu.sem_alloc : memref<!tpu.dma_semaphore, #tpu.memory_space<semaphore_mem>>
      tpu.enqueue_dma source(%arg6 : memref<48xf32, #tpu.memory_space<hbm>>) target(%arg13 : memref<48xf32, #tpu.memory_space<vmem>>) target_semaphore(%run_scoped3A : memref<!tpu.dma_semaphore, #tpu.memory_space<semaphore_mem>>)
      tpu.wait_dma2 semaphore(%run_scoped3A : memref<!tpu.dma_semaphore, #tpu.memory_space<semaphore_mem>>) src(%arg6 : memref<48xf32, #tpu.memory_space<hbm>>) dst(%arg13 : memref<48xf32, #tpu.memory_space<vmem>>)
      tpu.yield
    }) : () -> ()
    %iota3A = tpu.iota {dimensions = array<i32: 0>} : vector<16xi32>
    %add3A_3 = arith.constant 16 : i32
    %add3A_4 = vector.broadcast %add3A_3 : i32 to vector<16xi32>
    %add3A_5 = arith.addi %iota3A, %add3A_4 : vector<16xi32>
    %get3A = arith.constant 0 : index
    %get3A_6 = tpu.vector_load %arg13[%get3A] {strides = array<i32>} : memref<48xf32, #tpu.memory_space<vmem>>, vector<16xf32>,
    %get3A_7 = arith.constant 16 : index
    %get3A_8 = tpu.vector_load %arg13[%get3A_7] {strides = array<i32>} : memref<48xf32, #tpu.memory_space<vmem>>, vector<16xf32>,
    %get3A_9 = arith.constant 32 : index
    %get3A_10 = tpu.vector_load %arg13[%get3A_9] {strides = array<i32>} : memref<48xf32, #tpu.memory_space<vmem>>, vector<16xf32>,
    %slice3A = vector.extract_strided_slice %get3A_10 {offsets = [0], sizes = [1], strides = [1]} : vector<16xf32> to vector<1xf32>
    %squeeze3A = vector.extract %slice3A[0] : f32 from vector<1xf32>
    %get3A_11 = arith.constant 0 : index
    %get3A_12 = tpu.vector_load %arg8[%get3A_11] {strides = array<i32>} : memref<512xi32, #tpu.memory_space<vmem>>, vector<16xi32>,
    %and3A = arith.constant -128 : i32
    %and3A_13 = vector.broadcast %and3A : i32 to vector<16xi32>
    %and3A_14 = arith.andi %get3A_12, %and3A_13 : vector<16xi32>
    %get3A_15 = arith.constant 0 : index
    %get3A_16 = tpu.vector_load %arg9[%get3A_15] {strides = array<i32>} : memref<512xi32, #tpu.memory_space<vmem>>, vector<16xi32>,
    %and3A_17 = arith.constant -128 : i32
    %and3A_18 = vector.broadcast %and3A_17 : i32 to vector<16xi32>
    %and3A_19 = arith.andi %get3A_16, %and3A_18 : vector<16xi32>
    %slice3A_20 = vector.extract_strided_slice %and3A_14 {offsets = [0], sizes = [1], strides = [1]} : vector<16xi32> to vector<1xi32>
    %squeeze3A_21 = vector.extract %slice3A_20[0] : i32 from vector<1xi32>
    %multiple_of3A = tpu.assume_multiple %squeeze3A_21, 128 : i32
    %dma_start3A = arith.constant 0 : i32
    %dma_start3A_22 = arith.constant 0 : i32
    %dma_start3A_23 = arith.constant 0 : i32
    %dma_start3A_24 = tpu.memref_slice %arg10[%dma_start3A, %dma_start3A_22, %dma_start3A_23] : memref<8x32x128xf32, #tpu.memory_space<vmem>> -> memref<1x32x128xf32, #tpu.memory_space<vmem>>
    %dma_start3A_25 = tpu.memref_squeeze %dma_start3A_24 : memref<1x32x128xf32, #tpu.memory_space<vmem>> -> memref<32x128xf32, #tpu.memory_space<vmem>>
    %dma_start3A_26 = arith.constant 0 : i32
    %dma_start3A_27 = tpu.memref_slice %arg4[%dma_start3A_26, %multiple_of3A] : memref<32x1000000xf32, #tpu.memory_space<hbm>> -> memref<32x128xf32, #tpu.memory_space<hbm>>
    %dma_start3A_28 = arith.constant 0 : i32
    %dma_start3A_29 = arith.constant 0 : i32
    %dma_start3A_30 = tpu.memref_slice %arg10[%dma_start3A, %dma_start3A_28, %dma_start3A_29] : memref<8x32x128xf32, #tpu.memory_space<vmem>> -> memref<1x32x128xf32, #tpu.memory_space<vmem>>
    %dma_start3A_31 = tpu.memref_squeeze %dma_start3A_30 : memref<1x32x128xf32, #tpu.memory_space<vmem>> -> memref<32x128xf32, #tpu.memory_space<vmem>>
    %dma_start3A_32 = arith.constant 0 : i32
    %dma_start3A_33 = tpu.memref_slice %arg4[%dma_start3A_32, %multiple_of3A] : memref<32x1000000xf32, #tpu.memory_space<hbm>> -> memref<32x128xf32, #tpu.memory_space<hbm>>
    tpu.enqueue_dma source(%dma_start3A_33 : memref<32x128xf32, #tpu.memory_space<hbm>>) target(%dma_start3A_31 : memref<32x128xf32, #tpu.memory_space<vmem>>) target_semaphore(%arg15 : memref<!tpu.dma_semaphore, #tpu.memory_space<semaphore_mem>>)
    %slice3A_34 = vector.extract_strided_slice %and3A_14 {offsets = [1], sizes = [1], strides = [1]} : vector<16xi32> to vector<1xi32>
    %squeeze3A_35 = vector.extract %slice3A_34[0] : i32 from vector<1xi32>
    %multiple_of3A_36 = tpu.assume_multiple %squeeze3A_35, 128 : i32
    %dma_start3A_37 = arith.constant 1 : i32
    %dma_start3A_38 = arith.constant 0 : i32
    %dma_start3A_39 = arith.constant 0 : i32
    %dma_start3A_40 = tpu.memref_slice %arg10[%dma_start3A_37, %dma_start3A_38, %dma_start3A_39] : memref<8x32x128xf32, #tpu.memory_space<vmem>> -> memref<1x32x128xf32, #tpu.memory_space<vmem>>
    %dma_start3A_41 = tpu.memref_squeeze %dma_start3A_40 : memref<1x32x128xf32, #tpu.memory_space<vmem>> -> memref<32x128xf32, #tpu.memory_space<vmem>>
    %dma_start3A_42 = arith.constant 0 : i32
    %dma_start3A_43 = tpu.memref_slice %arg4[%dma_start3A_42, %multiple_of3A_36] : memref<32x1000000xf32, #tpu.memory_space<hbm>> -> memref<32x128xf32, #tpu.memory_space<hbm>>
    %dma_start3A_44 = arith.constant 0 : i32
    %dma_start3A_45 = arith.constant 0 : i32
    %dma_start3A_46 = tpu.memref_slice %arg10[%dma_start3A_37, %dma_start3A_44, %dma_start3A_45] : memref<8x32x128xf32, #tpu.memory_space<vmem>> -> memref<1x32x128xf32, #tpu.memory_space<vmem>>
    %dma_start3A_47 = tpu.memref_squeeze %dma_start3A_46 : memref<1x32x128xf32, #tpu.memory_space<vmem>> -> memref<32x128xf32, #tpu.memory_space<vmem>>
    %dma_start3A_48 = arith.constant 0 : i32
    %dma_start3A_49 = tpu.memref_slice %arg4[%dma_start3A_48, %multiple_of3A_36] : memref<32x1000000xf32, #tpu.memory_space<hbm>> -> memref<32x128xf32, #tpu.memory_space<hbm>>
    tpu.enqueue_dma source(%dma_start3A_49 : memref<32x128xf32, #tpu.memory_space<hbm>>) target(%dma_start3A_47 : memref<32x128xf32, #tpu.memory_space<vmem>>) target_semaphore(%arg15 : memref<!tpu.dma_semaphore, #tpu.memory_space<semaphore_mem>>)
    %slice3A_50 = vector.extract_strided_slice %and3A_14 {offsets = [2], sizes = [1], strides = [1]} : vector<16xi32> to vector<1xi32>
    %squeeze3A_51 = vector.extract %slice3A_50[0] : i32 from vector<1xi32>
    %multiple_of3A_52 = tpu.assume_multiple %squeeze3A_51, 128 : i32
    %dma_start3A_53 = arith.constant 2 : i32
    %dma_start3A_54 = arith.constant 0 : i32
    %dma_start3A_55 = arith.constant 0 : i32
    %dma_start3A_56 = tpu.memref_slice %arg10[%dma_start3A_53, %dma_start3A_54, %dma_start3A_55] : memref<8x32x128xf32, #tpu.memory_space<vmem>> -> memref<1x32x128xf32, #tpu.memory_space<vmem>>
    %dma_start3A_57 = tpu.memref_squeeze %dma_start3A_56 : memref<1x32x128xf32, #tpu.memory_space<vmem>> -> memref<32x128xf32, #tpu.memory_space<vmem>>
    %dma_start3A_58 = arith.constant 0 : i32
    %dma_start3A_59 = tpu.memref_slice %arg4[%dma_start3A_58, %multiple_of3A_52] : memref<32x1000000xf32, #tpu.memory_space<hbm>> -> memref<32x128xf32, #tpu.memory_space<hbm>>
    %dma_start3A_60 = arith.constant 0 : i32
    %dma_start3A_61 = arith.constant 0 : i32
    %dma_start3A_62 = tpu.memref_slice %arg10[%dma_start3A_53, %dma_start3A_60, %dma_start3A_61] : memref<8x32x128xf32, #tpu.memory_space<vmem>> -> memref<1x32x128xf32, #tpu.memory_space<vmem>>
    %dma_start3A_63 = tpu.memref_squeeze %dma_start3A_62 : memref<1x32x128xf32, #tpu.memory_space<vmem>> -> memref<32x128xf32, #tpu.memory_space<vmem>>
    %dma_start3A_64 = arith.constant 0 : i32
    %dma_start3A_65 = tpu.memref_slice %arg4[%dma_start3A_64, %multiple_of3A_52] : memref<32x1000000xf32, #tpu.memory_space<hbm>> -> memref<32x128xf32, #tpu.memory_space<hbm>>
    tpu.enqueue_dma source(%dma_start3A_65 : memref<32x128xf32, #tpu.memory_space<hbm>>) target(%dma_start3A_63 : memref<32x128xf32, #tpu.memory_space<vmem>>) target_semaphore(%arg15 : memref<!tpu.dma_semaphore, #tpu.memory_space<semaphore_mem>>)
    %slice3A_66 = vector.extract_strided_slice %and3A_14 {offsets = [3], sizes = [1], strides = [1]} : vector<16xi32> to vector<1xi32>
    %squeeze3A_67 = vector.extract %slice3A_66[0] : i32 from vector<1xi32>
    %multiple_of3A_68 = tpu.assume_multiple %squeeze3A_67, 128 : i32
    %dma_start3A_69 = arith.constant 3 : i32
    %dma_start3A_70 = arith.constant 0 : i32
    %dma_start3A_71 = arith.constant 0 : i32
    %dma_start3A_72 = tpu.memref_slice %arg10[%dma_start3A_69, %dma_start3A_70, %dma_start3A_71] : memref<8x32x128xf32, #tpu.memory_space<vmem>> -> memref<1x32x128xf32, #tpu.memory_space<vmem>>
    %dma_start3A_73 = tpu.memref_squeeze %dma_start3A_72 : memref<1x32x128xf32, #tpu.memory_space<vmem>> -> memref<32x128xf32, #tpu.memory_space<vmem>>
    %dma_start3A_74 = arith.constant 0 : i32
    %dma_start3A_75 = tpu.memref_slice %arg4[%dma_start3A_74, %multiple_of3A_68] : memref<32x1000000xf32, #tpu.memory_space<hbm>> -> memref<32x128xf32, #tpu.memory_space<hbm>>
    %dma_start3A_76 = arith.constant 0 : i32
    %dma_start3A_77 = arith.constant 0 : i32
    %dma_start3A_78 = tpu.memref_slice %arg10[%dma_start3A_69, %dma_start3A_76, %dma_start3A_77] : memref<8x32x128xf32, #tpu.memory_space<vmem>> -> memref<1x32x128xf32, #tpu.memory_space<vmem>>
    %dma_start3A_79 = tpu.memref_squeeze %dma_start3A_78 : memref<1x32x128xf32, #tpu.memory_space<vmem>> -> memref<32x128xf32, #tpu.memory_space<vmem>>
    %dma_start3A_80 = arith.constant 0 : i32
    %dma_start3A_81 = tpu.memref_slice %arg4[%dma_start3A_80, %multiple_of3A_68] : memref<32x1000000xf32, #tpu.memory_space<hbm>> -> memref<32x128xf32, #tpu.memory_space<hbm>>
    tpu.enqueue_dma source(%dma_start3A_81 : memref<32x128xf32, #tpu.memory_space<hbm>>) target(%dma_start3A_79 : memref<32x128xf32, #tpu.memory_space<vmem>>) target_semaphore(%arg15 : memref<!tpu.dma_semaphore, #tpu.memory_space<semaphore_mem>>)
    %slice3A_82 = vector.extract_strided_slice %and3A_14 {offsets = [4], sizes = [1], strides = [1]} : vector<16xi32> to vector<1xi32>
    %squeeze3A_83 = vector.extract %slice3A_82[0] : i32 from vector<1xi32>
    %multiple_of3A_84 = tpu.assume_multiple %squeeze3A_83, 128 : i32
    %dma_start3A_85 = arith.constant 4 : i32
    %dma_start3A_86 = arith.constant 0 : i32
    %dma_start3A_87 = arith.constant 0 : i32
    %dma_start3A_88 = tpu.memref_slice %arg10[%dma_start3A_85, %dma_start3A_86, %dma_start3A_87] : memref<8x32x128xf32, #tpu.memory_space<vmem>> -> memref<1x32x128xf32, #tpu.memory_space<vmem>>
    %dma_start3A_89 = tpu.memref_squeeze %dma_start3A_88 : memref<1x32x128xf32, #tpu.memory_space<vmem>> -> memref<32x128xf32, #tpu.memory_space<vmem>>
    %dma_start3A_90 = arith.constant 0 : i32
    %dma_start3A_91 = tpu.memref_slice %arg4[%dma_start3A_90, %multiple_of3A_84] : memref<32x1000000xf32, #tpu.memory_space<hbm>> -> memref<32x128xf32, #tpu.memory_space<hbm>>
    %dma_start3A_92 = arith.constant 0 : i32
    %dma_start3A_93 = arith.constant 0 : i32
    %dma_start3A_94 = tpu.memref_slice %arg10[%dma_start3A_85, %dma_start3A_92, %dma_start3A_93] : memref<8x32x128xf32, #tpu.memory_space<vmem>> -> memref<1x32x128xf32, #tpu.memory_space<vmem>>
    %dma_start3A_95 = tpu.memref_squeeze %dma_start3A_94 : memref<1x32x128xf32, #tpu.memory_space<vmem>> -> memref<32x128xf32, #tpu.memory_space<vmem>>
    %dma_start3A_96 = arith.constant 0 : i32
    %dma_start3A_97 = tpu.memref_slice %arg4[%dma_start3A_96, %multiple_of3A_84] : memref<32x1000000xf32, #tpu.memory_space<hbm>> -> memref<32x128xf32, #tpu.memory_space<hbm>>
    tpu.enqueue_dma source(%dma_start3A_97 : memref<32x128xf32, #tpu.memory_space<hbm>>) target(%dma_start3A_95 : memref<32x128xf32, #tpu.memory_space<vmem>>) target_semaphore(%arg15 : memref<!tpu.dma_semaphore, #tpu.memory_space<semaphore_mem>>)
    %slice3A_98 = vector.extract_strided_slice %and3A_14 {offsets = [5], sizes = [1], strides = [1]} : vector<16xi32> to vector<1xi32>
    %squeeze3A_99 = vector.extract %slice3A_98[0] : i32 from vector<1xi32>
    %multiple_of3A_100 = tpu.assume_multiple %squeeze3A_99, 128 : i32
    %dma_start3A_101 = arith.constant 5 : i32
    %dma_start3A_102 = arith.constant 0 : i32
    %dma_start3A_103 = arith.constant 0 : i32
    %dma_start3A_104 = tpu.memref_slice %arg10[%dma_start3A_101, %dma_start3A_102, %dma_start3A_103] : memref<8x32x128xf32, #tpu.memory_space<vmem>> -> memref<1x32x128xf32, #tpu.memory_space<vmem>>
    %dma_start3A_105 = tpu.memref_squeeze %dma_start3A_104 : memref<1x32x128xf32, #tpu.memory_space<vmem>> -> memref<32x128xf32, #tpu.memory_space<vmem>>
    %dma_start3A_106 = arith.constant 0 : i32
    %dma_start3A_107 = tpu.memref_slice %arg4[%dma_start3A_106, %multiple_of3A_100] : memref<32x1000000xf32, #tpu.memory_space<hbm>> -> memref<32x128xf32, #tpu.memory_space<hbm>>
    %dma_start3A_108 = arith.constant 0 : i32
    %dma_start3A_109 = arith.constant 0 : i32
    %dma_start3A_110 = tpu.memref_slice %arg10[%dma_start3A_101, %dma_start3A_108, %dma_start3A_109] : memref<8x32x128xf32, #tpu.memory_space<vmem>> -> memref<1x32x128xf32, #tpu.memory_space<vmem>>
    %dma_start3A_111 = tpu.memref_squeeze %dma_start3A_110 : memref<1x32x128xf32, #tpu.memory_space<vmem>> -> memref<32x128xf32, #tpu.memory_space<vmem>>
    %dma_start3A_112 = arith.constant 0 : i32
    %dma_start3A_113 = tpu.memref_slice %arg4[%dma_start3A_112, %multiple_of3A_100] : memref<32x1000000xf32, #tpu.memory_space<hbm>> -> memref<32x128xf32, #tpu.memory_space<hbm>>
    tpu.enqueue_dma source(%dma_start3A_113 : memref<32x128xf32, #tpu.memory_space<hbm>>) target(%dma_start3A_111 : memref<32x128xf32, #tpu.memory_space<vmem>>) target_semaphore(%arg15 : memref<!tpu.dma_semaphore, #tpu.memory_space<semaphore_mem>>)
    %slice3A_114 = vector.extract_strided_slice %and3A_14 {offsets = [6], sizes = [1], strides = [1]} : vector<16xi32> to vector<1xi32>
    %squeeze3A_115 = vector.extract %slice3A_114[0] : i32 from vector<1xi32>
    %multiple_of3A_116 = tpu.assume_multiple %squeeze3A_115, 128 : i32
    %dma_start3A_117 = arith.constant 6 : i32
    %dma_start3A_118 = arith.constant 0 : i32
    %dma_start3A_119 = arith.constant 0 : i32
    %dma_start3A_120 = tpu.memref_slice %arg10[%dma_start3A_117, %dma_start3A_118, %dma_start3A_119] : memref<8x32x128xf32, #tpu.memory_space<vmem>> -> memref<1x32x128xf32, #tpu.memory_space<vmem>>
    %dma_start3A_121 = tpu.memref_squeeze %dma_start3A_120 : memref<1x32x128xf32, #tpu.memory_space<vmem>> -> memref<32x128xf32, #tpu.memory_space<vmem>>
    %dma_start3A_122 = arith.constant 0 : i32
    %dma_start3A_123 = tpu.memref_slice %arg4[%dma_start3A_122, %multiple_of3A_116] : memref<32x1000000xf32, #tpu.memory_space<hbm>> -> memref<32x128xf32, #tpu.memory_space<hbm>>
    %dma_start3A_124 = arith.constant 0 : i32
    %dma_start3A_125 = arith.constant 0 : i32
    %dma_start3A_126 = tpu.memref_slice %arg10[%dma_start3A_117, %dma_start3A_124, %dma_start3A_125] : memref<8x32x128xf32, #tpu.memory_space<vmem>> -> memref<1x32x128xf32, #tpu.memory_space<vmem>>
    %dma_start3A_127 = tpu.memref_squeeze %dma_start3A_126 : memref<1x32x128xf32, #tpu.memory_space<vmem>> -> memref<32x128xf32, #tpu.memory_space<vmem>>
    %dma_start3A_128 = arith.constant 0 : i32
    %dma_start3A_129 = tpu.memref_slice %arg4[%dma_start3A_128, %multiple_of3A_116] : memref<32x1000000xf32, #tpu.memory_space<hbm>> -> memref<32x128xf32, #tpu.memory_space<hbm>>
    tpu.enqueue_dma source(%dma_start3A_129 : memref<32x128xf32, #tpu.memory_space<hbm>>) target(%dma_start3A_127 : memref<32x128xf32, #tpu.memory_space<vmem>>) target_semaphore(%arg15 : memref<!tpu.dma_semaphore, #tpu.memory_space<semaphore_mem>>)
    %slice3A_130 = vector.extract_strided_slice %and3A_14 {offsets = [7], sizes = [1], strides = [1]} : vector<16xi32> to vector<1xi32>
    %squeeze3A_131 = vector.extract %slice3A_130[0] : i32 from vector<1xi32>
    %multiple_of3A_132 = tpu.assume_multiple %squeeze3A_131, 128 : i32
    %dma_start3A_133 = arith.constant 7 : i32
    %dma_start3A_134 = arith.constant 0 : i32
    %dma_start3A_135 = arith.constant 0 : i32
    %dma_start3A_136 = tpu.memref_slice %arg10[%dma_start3A_133, %dma_start3A_134, %dma_start3A_135] : memref<8x32x128xf32, #tpu.memory_space<vmem>> -> memref<1x32x128xf32, #tpu.memory_space<vmem>>
    %dma_start3A_137 = tpu.memref_squeeze %dma_start3A_136 : memref<1x32x128xf32, #tpu.memory_space<vmem>> -> memref<32x128xf32, #tpu.memory_space<vmem>>
    %dma_start3A_138 = arith.constant 0 : i32
    %dma_start3A_139 = tpu.memref_slice %arg4[%dma_start3A_138, %multiple_of3A_132] : memref<32x1000000xf32, #tpu.memory_space<hbm>> -> memref<32x128xf32, #tpu.memory_space<hbm>>
    %dma_start3A_140 = arith.constant 0 : i32
    %dma_start3A_141 = arith.constant 0 : i32
    %dma_start3A_142 = tpu.memref_slice %arg10[%dma_start3A_133, %dma_start3A_140, %dma_start3A_141] : memref<8x32x128xf32, #tpu.memory_space<vmem>> -> memref<1x32x128xf32, #tpu.memory_space<vmem>>
    %dma_start3A_143 = tpu.memref_squeeze %dma_start3A_142 : memref<1x32x128xf32, #tpu.memory_space<vmem>> -> memref<32x128xf32, #tpu.memory_space<vmem>>
    %dma_start3A_144 = arith.constant 0 : i32
    %dma_start3A_145 = tpu.memref_slice %arg4[%dma_start3A_144, %multiple_of3A_132] : memref<32x1000000xf32, #tpu.memory_space<hbm>> -> memref<32x128xf32, #tpu.memory_space<hbm>>
    tpu.enqueue_dma source(%dma_start3A_145 : memref<32x128xf32, #tpu.memory_space<hbm>>) target(%dma_start3A_143 : memref<32x128xf32, #tpu.memory_space<vmem>>) target_semaphore(%arg15 : memref<!tpu.dma_semaphore, #tpu.memory_space<semaphore_mem>>)
    %scan3A = arith.constant 0 : i32
    %scan3A_146 = arith.constant 0 : i32
    %scan3A_147 = arith.constant 32 : i32
    %scan3A_148 = arith.addi %scan3A_146, %scan3A_147 : i32
    %scan3A_149 = arith.constant 1 : i32
    %scan3A_150 = scf.for %scan3A_152 = %scan3A_146 to %scan3A_148 step %scan3A_149 iter_args(%scan3A_153 = %scan3A) -> (i32)  : i32 {
      %mul3A_154 = arith.constant 16 : i32
      %mul3A_155 = arith.muli %scan3A_152, %mul3A_154 : i32
      %multiple_of3A_156 = tpu.assume_multiple %mul3A_155, 16 : i32
      %get3A_157 = arith.index_cast %multiple_of3A_156 : i32 to index
      %get3A_158 = tpu.vector_load %arg8[%get3A_157] {strides = array<i32>} : memref<512xi32, #tpu.memory_space<vmem>>, vector<16xi32>,
      %and3A_159 = arith.constant -128 : i32
      %and3A_160 = vector.broadcast %and3A_159 : i32 to vector<16xi32>
      %and3A_161 = arith.andi %get3A_158, %and3A_160 : vector<16xi32>
      %get3A_162 = arith.index_cast %multiple_of3A_156 : i32 to index
      %get3A_163 = tpu.vector_load %arg9[%get3A_162] {strides = array<i32>} : memref<512xi32, #tpu.memory_space<vmem>>, vector<16xi32>,
      %and3A_164 = arith.constant -128 : i32
      %and3A_165 = vector.broadcast %and3A_164 : i32 to vector<16xi32>
      %and3A_166 = arith.andi %get3A_163, %and3A_165 : vector<16xi32>
      %get3A_167 = arith.index_cast %multiple_of3A_156 : i32 to index
      %get3A_168 = tpu.vector_load %arg8[%get3A_167] {strides = array<i32>} : memref<512xi32, #tpu.memory_space<vmem>>, vector<16xi32>,
      %and3A_169 = arith.constant 127 : i32
      %and3A_170 = vector.broadcast %and3A_169 : i32 to vector<16xi32>
      %and3A_171 = arith.andi %get3A_168, %and3A_170 : vector<16xi32>
      %get3A_172 = arith.index_cast %multiple_of3A_156 : i32 to index
      %get3A_173 = tpu.vector_load %arg9[%get3A_172] {strides = array<i32>} : memref<512xi32, #tpu.memory_space<vmem>>, vector<16xi32>,
      %and3A_174 = arith.constant 127 : i32
      %and3A_175 = vector.broadcast %and3A_174 : i32 to vector<16xi32>
      %and3A_176 = arith.andi %get3A_173, %and3A_175 : vector<16xi32>
      %dma_wait3A = arith.constant 0 : i32
      %dma_wait3A_177 = arith.constant 0 : i32
      %dma_wait3A_178 = arith.constant 0 : i32
      %dma_wait3A_179 = tpu.memref_slice %arg10[%dma_wait3A, %dma_wait3A_177, %dma_wait3A_178] : memref<8x32x128xf32, #tpu.memory_space<vmem>> -> memref<1x32x128xf32, #tpu.memory_space<vmem>>
      %dma_wait3A_180 = tpu.memref_squeeze %dma_wait3A_179 : memref<1x32x128xf32, #tpu.memory_space<vmem>> -> memref<32x128xf32, #tpu.memory_space<vmem>>
      %dma_wait3A_181 = arith.constant 0 : i32
      %dma_wait3A_182 = arith.constant 0 : i32
      %dma_wait3A_183 = tpu.memref_slice %arg4[%dma_wait3A_181, %dma_wait3A_182] : memref<32x1000000xf32, #tpu.memory_space<hbm>> -> memref<32x128xf32, #tpu.memory_space<hbm>>
      %dma_wait3A_184 = arith.constant 0 : i32
      %dma_wait3A_185 = arith.constant 0 : i32
      %dma_wait3A_186 = tpu.memref_slice %arg10[%dma_wait3A, %dma_wait3A_184, %dma_wait3A_185] : memref<8x32x128xf32, #tpu.memory_space<vmem>> -> memref<1x32x128xf32, #tpu.memory_space<vmem>>
      %dma_wait3A_187 = tpu.memref_squeeze %dma_wait3A_186 : memref<1x32x128xf32, #tpu.memory_space<vmem>> -> memref<32x128xf32, #tpu.memory_space<vmem>>
      %dma_wait3A_188 = arith.constant 0 : i32
      %dma_wait3A_189 = arith.constant 0 : i32
      %dma_wait3A_190 = tpu.memref_slice %arg4[%dma_wait3A_188, %dma_wait3A_189] : memref<32x1000000xf32, #tpu.memory_space<hbm>> -> memref<32x128xf32, #tpu.memory_space<hbm>>
      tpu.wait_dma2 semaphore(%arg15 : memref<!tpu.dma_semaphore, #tpu.memory_space<semaphore_mem>>) src(%dma_wait3A_190 : memref<32x128xf32, #tpu.memory_space<hbm>>) dst(%dma_wait3A_187 : memref<32x128xf32, #tpu.memory_space<vmem>>)
      %slice3A_191 = vector.extract_strided_slice %and3A_161 {offsets = [8], sizes = [1], strides = [1]} : vector<16xi32> to vector<1xi32>
      %squeeze3A_192 = vector.extract %slice3A_191[0] : i32 from vector<1xi32>
      %multiple_of3A_193 = tpu.assume_multiple %squeeze3A_192, 128 : i32
      %dma_start3A_194 = arith.constant 0 : i32
      %dma_start3A_195 = arith.constant 0 : i32
      %dma_start3A_196 = arith.constant 0 : i32
      %dma_start3A_197 = tpu.memref_slice %arg10[%dma_start3A_194, %dma_start3A_195, %dma_start3A_196] : memref<8x32x128xf32, #tpu.memory_space<vmem>> -> memref<1x32x128xf32, #tpu.memory_space<vmem>>
      %dma_start3A_198 = tpu.memref_squeeze %dma_start3A_197 : memref<1x32x128xf32, #tpu.memory_space<vmem>> -> memref<32x128xf32, #tpu.memory_space<vmem>>
      %dma_start3A_199 = arith.constant 0 : i32
      %dma_start3A_200 = tpu.memref_slice %arg4[%dma_start3A_199, %multiple_of3A_193] : memref<32x1000000xf32, #tpu.memory_space<hbm>> -> memref<32x128xf32, #tpu.memory_space<hbm>>
      %dma_start3A_201 = arith.constant 0 : i32
      %dma_start3A_202 = arith.constant 0 : i32
      %dma_start3A_203 = tpu.memref_slice %arg10[%dma_start3A_194, %dma_start3A_201, %dma_start3A_202] : memref<8x32x128xf32, #tpu.memory_space<vmem>> -> memref<1x32x128xf32, #tpu.memory_space<vmem>>
      %dma_start3A_204 = tpu.memref_squeeze %dma_start3A_203 : memref<1x32x128xf32, #tpu.memory_space<vmem>> -> memref<32x128xf32, #tpu.memory_space<vmem>>
      %dma_start3A_205 = arith.constant 0 : i32
      %dma_start3A_206 = tpu.memref_slice %arg4[%dma_start3A_205, %multiple_of3A_193] : memref<32x1000000xf32, #tpu.memory_space<hbm>> -> memref<32x128xf32, #tpu.memory_space<hbm>>
      tpu.enqueue_dma source(%dma_start3A_206 : memref<32x128xf32, #tpu.memory_space<hbm>>) target(%dma_start3A_204 : memref<32x128xf32, #tpu.memory_space<vmem>>) target_semaphore(%arg15 : memref<!tpu.dma_semaphore, #tpu.memory_space<semaphore_mem>>)
      %broadcast_in_dim3A = arith.constant 0 : i32
      %broadcast_in_dim3A_207 = vector.broadcast %broadcast_in_dim3A : i32 to vector<16xi32>
      %slice3A_208 = vector.extract_strided_slice %and3A_171 {offsets = [0], sizes = [1], strides = [1]} : vector<16xi32> to vector<1xi32>
      %squeeze3A_209 = vector.extract %slice3A_208[0] : i32 from vector<1xi32>
      %broadcast_in_dim3A_210 = vector.broadcast %squeeze3A_209 : i32 to vector<16xi32>
      %gather3A = tpu.vector_load_idx %arg10[%broadcast_in_dim3A_207, %iota3A, %broadcast_in_dim3A_210] : memref<8x32x128xf32, #tpu.memory_space<vmem>>[vector<16xi32>, vector<16xi32>, vector<16xi32>], vector<16xf32>,
      %gather3A_211 = tpu.vector_load_idx %arg10[%broadcast_in_dim3A_207, %add3A_5, %broadcast_in_dim3A_210] : memref<8x32x128xf32, #tpu.memory_space<vmem>>[vector<16xi32>, vector<16xi32>, vector<16xi32>], vector<16xf32>,
      %swap3A = arith.constant 0 : i32
      %swap3A_212 = arith.index_cast %swap3A : i32 to index
      %swap3A_213 = arith.constant 0 : index
      %swap3A_214 = tpu.vector_load %arg11[%swap3A_212, %swap3A_213] {strides = array<i32>} : memref<16x32xf32, #tpu.memory_space<vmem>>, vector<16xf32>,
      tpu.vector_store %arg11[%swap3A_212, %swap3A_213], %gather3A {strides = array<i32>} : memref<16x32xf32, #tpu.memory_space<vmem>>, vector<16xf32>,
      %swap3A_215 = arith.constant 0 : i32
      %swap3A_216 = arith.index_cast %swap3A_215 : i32 to index
      %swap3A_217 = arith.constant 16 : index
      %swap3A_218 = tpu.vector_load %arg11[%swap3A_216, %swap3A_217] {strides = array<i32>} : memref<16x32xf32, #tpu.memory_space<vmem>>, vector<16xf32>,
      tpu.vector_store %arg11[%swap3A_216, %swap3A_217], %gather3A_211 {strides = array<i32>} : memref<16x32xf32, #tpu.memory_space<vmem>>, vector<16xf32>,
      %dma_wait3A_219 = arith.constant 1 : i32
      %dma_wait3A_220 = arith.constant 0 : i32
      %dma_wait3A_221 = arith.constant 0 : i32
      %dma_wait3A_222 = tpu.memref_slice %arg10[%dma_wait3A_219, %dma_wait3A_220, %dma_wait3A_221] : memref<8x32x128xf32, #tpu.memory_space<vmem>> -> memref<1x32x128xf32, #tpu.memory_space<vmem>>
      %dma_wait3A_223 = tpu.memref_squeeze %dma_wait3A_222 : memref<1x32x128xf32, #tpu.memory_space<vmem>> -> memref<32x128xf32, #tpu.memory_space<vmem>>
      %dma_wait3A_224 = arith.constant 0 : i32
      %dma_wait3A_225 = arith.constant 0 : i32
      %dma_wait3A_226 = tpu.memref_slice %arg4[%dma_wait3A_224, %dma_wait3A_225] : memref<32x1000000xf32, #tpu.memory_space<hbm>> -> memref<32x128xf32, #tpu.memory_space<hbm>>
      %dma_wait3A_227 = arith.constant 0 : i32
      %dma_wait3A_228 = arith.constant 0 : i32
      %dma_wait3A_229 = tpu.memref_slice %arg10[%dma_wait3A_219, %dma_wait3A_227, %dma_wait3A_228] : memref<8x32x128xf32, #tpu.memory_space<vmem>> -> memref<1x32x128xf32, #tpu.memory_space<vmem>>
      %dma_wait3A_230 = tpu.memref_squeeze %dma_wait3A_229 : memref<1x32x128xf32, #tpu.memory_space<vmem>> -> memref<32x128xf32, #tpu.memory_space<vmem>>
      %dma_wait3A_231 = arith.constant 0 : i32
      %dma_wait3A_232 = arith.constant 0 : i32
      %dma_wait3A_233 = tpu.memref_slice %arg4[%dma_wait3A_231, %dma_wait3A_232] : memref<32x1000000xf32, #tpu.memory_space<hbm>> -> memref<32x128xf32, #tpu.memory_space<hbm>>
      tpu.wait_dma2 semaphore(%arg15 : memref<!tpu.dma_semaphore, #tpu.memory_space<semaphore_mem>>) src(%dma_wait3A_233 : memref<32x128xf32, #tpu.memory_space<hbm>>) dst(%dma_wait3A_230 : memref<32x128xf32, #tpu.memory_space<vmem>>)
      %slice3A_234 = vector.extract_strided_slice %and3A_161 {offsets = [9], sizes = [1], strides = [1]} : vector<16xi32> to vector<1xi32>
      %squeeze3A_235 = vector.extract %slice3A_234[0] : i32 from vector<1xi32>
      %multiple_of3A_236 = tpu.assume_multiple %squeeze3A_235, 128 : i32
      %dma_start3A_237 = arith.constant 1 : i32
      %dma_start3A_238 = arith.constant 0 : i32
      %dma_start3A_239 = arith.constant 0 : i32
      %dma_start3A_240 = tpu.memref_slice %arg10[%dma_start3A_237, %dma_start3A_238, %dma_start3A_239] : memref<8x32x128xf32, #tpu.memory_space<vmem>> -> memref<1x32x128xf32, #tpu.memory_space<vmem>>
      %dma_start3A_241 = tpu.memref_squeeze %dma_start3A_240 : memref<1x32x128xf32, #tpu.memory_space<vmem>> -> memref<32x128xf32, #tpu.memory_space<vmem>>
      %dma_start3A_242 = arith.constant 0 : i32
      %dma_start3A_243 = tpu.memref_slice %arg4[%dma_start3A_242, %multiple_of3A_236] : memref<32x1000000xf32, #tpu.memory_space<hbm>> -> memref<32x128xf32, #tpu.memory_space<hbm>>
      %dma_start3A_244 = arith.constant 0 : i32
      %dma_start3A_245 = arith.constant 0 : i32
      %dma_start3A_246 = tpu.memref_slice %arg10[%dma_start3A_237, %dma_start3A_244, %dma_start3A_245] : memref<8x32x128xf32, #tpu.memory_space<vmem>> -> memref<1x32x128xf32, #tpu.memory_space<vmem>>
      %dma_start3A_247 = tpu.memref_squeeze %dma_start3A_246 : memref<1x32x128xf32, #tpu.memory_space<vmem>> -> memref<32x128xf32, #tpu.memory_space<vmem>>
      %dma_start3A_248 = arith.constant 0 : i32
      %dma_start3A_249 = tpu.memref_slice %arg4[%dma_start3A_248, %multiple_of3A_236] : memref<32x1000000xf32, #tpu.memory_space<hbm>> -> memref<32x128xf32, #tpu.memory_space<hbm>>
      tpu.enqueue_dma source(%dma_start3A_249 : memref<32x128xf32, #tpu.memory_space<hbm>>) target(%dma_start3A_247 : memref<32x128xf32, #tpu.memory_space<vmem>>) target_semaphore(%arg15 : memref<!tpu.dma_semaphore, #tpu.memory_space<semaphore_mem>>)
      %broadcast_in_dim3A_250 = arith.constant 1 : i32
      %broadcast_in_dim3A_251 = vector.broadcast %broadcast_in_dim3A_250 : i32 to vector<16xi32>
      %slice3A_252 = vector.extract_strided_slice %and3A_171 {offsets = [1], sizes = [1], strides = [1]} : vector<16xi32> to vector<1xi32>
      %squeeze3A_253 = vector.extract %slice3A_252[0] : i32 from vector<1xi32>
      %broadcast_in_dim3A_254 = vector.broadcast %squeeze3A_253 : i32 to vector<16xi32>
      %gather3A_255 = tpu.vector_load_idx %arg10[%broadcast_in_dim3A_251, %iota3A, %broadcast_in_dim3A_254] : memref<8x32x128xf32, #tpu.memory_space<vmem>>[vector<16xi32>, vector<16xi32>, vector<16xi32>], vector<16xf32>,
      %gather3A_256 = tpu.vector_load_idx %arg10[%broadcast_in_dim3A_251, %add3A_5, %broadcast_in_dim3A_254] : memref<8x32x128xf32, #tpu.memory_space<vmem>>[vector<16xi32>, vector<16xi32>, vector<16xi32>], vector<16xf32>,
      %swap3A_257 = arith.constant 1 : i32
      %swap3A_258 = arith.index_cast %swap3A_257 : i32 to index
      %swap3A_259 = arith.constant 0 : index
      %swap3A_260 = tpu.vector_load %arg11[%swap3A_258, %swap3A_259] {strides = array<i32>} : memref<16x32xf32, #tpu.memory_space<vmem>>, vector<16xf32>,
      tpu.vector_store %arg11[%swap3A_258, %swap3A_259], %gather3A_255 {strides = array<i32>} : memref<16x32xf32, #tpu.memory_space<vmem>>, vector<16xf32>,
      %swap3A_261 = arith.constant 1 : i32
      %swap3A_262 = arith.index_cast %swap3A_261 : i32 to index
      %swap3A_263 = arith.constant 16 : index
      %swap3A_264 = tpu.vector_load %arg11[%swap3A_262, %swap3A_263] {strides = array<i32>} : memref<16x32xf32, #tpu.memory_space<vmem>>, vector<16xf32>,
      tpu.vector_store %arg11[%swap3A_262, %swap3A_263], %gather3A_256 {strides = array<i32>} : memref<16x32xf32, #tpu.memory_space<vmem>>, vector<16xf32>,
      %dma_wait3A_265 = arith.constant 2 : i32
      %dma_wait3A_266 = arith.constant 0 : i32
      %dma_wait3A_267 = arith.constant 0 : i32
      %dma_wait3A_268 = tpu.memref_slice %arg10[%dma_wait3A_265, %dma_wait3A_266, %dma_wait3A_267] : memref<8x32x128xf32, #tpu.memory_space<vmem>> -> memref<1x32x128xf32, #tpu.memory_space<vmem>>
      %dma_wait3A_269 = tpu.memref_squeeze %dma_wait3A_268 : memref<1x32x128xf32, #tpu.memory_space<vmem>> -> memref<32x128xf32, #tpu.memory_space<vmem>>
      %dma_wait3A_270 = arith.constant 0 : i32
      %dma_wait3A_271 = arith.constant 0 : i32
      %dma_wait3A_272 = tpu.memref_slice %arg4[%dma_wait3A_270, %dma_wait3A_271] : memref<32x1000000xf32, #tpu.memory_space<hbm>> -> memref<32x128xf32, #tpu.memory_space<hbm>>
      %dma_wait3A_273 = arith.constant 0 : i32
      %dma_wait3A_274 = arith.constant 0 : i32
      %dma_wait3A_275 = tpu.memref_slice %arg10[%dma_wait3A_265, %dma_wait3A_273, %dma_wait3A_274] : memref<8x32x128xf32, #tpu.memory_space<vmem>> -> memref<1x32x128xf32, #tpu.memory_space<vmem>>
      %dma_wait3A_276 = tpu.memref_squeeze %dma_wait3A_275 : memref<1x32x128xf32, #tpu.memory_space<vmem>> -> memref<32x128xf32, #tpu.memory_space<vmem>>
      %dma_wait3A_277 = arith.constant 0 : i32
      %dma_wait3A_278 = arith.constant 0 : i32
      %dma_wait3A_279 = tpu.memref_slice %arg4[%dma_wait3A_277, %dma_wait3A_278] : memref<32x1000000xf32, #tpu.memory_space<hbm>> -> memref<32x128xf32, #tpu.memory_space<hbm>>
      tpu.wait_dma2 semaphore(%arg15 : memref<!tpu.dma_semaphore, #tpu.memory_space<semaphore_mem>>) src(%dma_wait3A_279 : memref<32x128xf32, #tpu.memory_space<hbm>>) dst(%dma_wait3A_276 : memref<32x128xf32, #tpu.memory_space<vmem>>)
      %slice3A_280 = vector.extract_strided_slice %and3A_161 {offsets = [10], sizes = [1], strides = [1]} : vector<16xi32> to vector<1xi32>
      %squeeze3A_281 = vector.extract %slice3A_280[0] : i32 from vector<1xi32>
      %multiple_of3A_282 = tpu.assume_multiple %squeeze3A_281, 128 : i32
      %dma_start3A_283 = arith.constant 2 : i32
      %dma_start3A_284 = arith.constant 0 : i32
      %dma_start3A_285 = arith.constant 0 : i32
      %dma_start3A_286 = tpu.memref_slice %arg10[%dma_start3A_283, %dma_start3A_284, %dma_start3A_285] : memref<8x32x128xf32, #tpu.memory_space<vmem>> -> memref<1x32x128xf32, #tpu.memory_space<vmem>>
      %dma_start3A_287 = tpu.memref_squeeze %dma_start3A_286 : memref<1x32x128xf32, #tpu.memory_space<vmem>> -> memref<32x128xf32, #tpu.memory_space<vmem>>
      %dma_start3A_288 = arith.constant 0 : i32
      %dma_start3A_289 = tpu.memref_slice %arg4[%dma_start3A_288, %multiple_of3A_282] : memref<32x1000000xf32, #tpu.memory_space<hbm>> -> memref<32x128xf32, #tpu.memory_space<hbm>>
      %dma_start3A_290 = arith.constant 0 : i32
      %dma_start3A_291 = arith.constant 0 : i32
      %dma_start3A_292 = tpu.memref_slice %arg10[%dma_start3A_283, %dma_start3A_290, %dma_start3A_291] : memref<8x32x128xf32, #tpu.memory_space<vmem>> -> memref<1x32x128xf32, #tpu.memory_space<vmem>>
      %dma_start3A_293 = tpu.memref_squeeze %dma_start3A_292 : memref<1x32x128xf32, #tpu.memory_space<vmem>> -> memref<32x128xf32, #tpu.memory_space<vmem>>
      %dma_start3A_294 = arith.constant 0 : i32
      %dma_start3A_295 = tpu.memref_slice %arg4[%dma_start3A_294, %multiple_of3A_282] : memref<32x1000000xf32, #tpu.memory_space<hbm>> -> memref<32x128xf32, #tpu.memory_space<hbm>>
      tpu.enqueue_dma source(%dma_start3A_295 : memref<32x128xf32, #tpu.memory_space<hbm>>) target(%dma_start3A_293 : memref<32x128xf32, #tpu.memory_space<vmem>>) target_semaphore(%arg15 : memref<!tpu.dma_semaphore, #tpu.memory_space<semaphore_mem>>)
      %broadcast_in_dim3A_296 = arith.constant 2 : i32
      %broadcast_in_dim3A_297 = vector.broadcast %broadcast_in_dim3A_296 : i32 to vector<16xi32>
      %slice3A_298 = vector.extract_strided_slice %and3A_171 {offsets = [2], sizes = [1], strides = [1]} : vector<16xi32> to vector<1xi32>
      %squeeze3A_299 = vector.extract %slice3A_298[0] : i32 from vector<1xi32>
      %broadcast_in_dim3A_300 = vector.broadcast %squeeze3A_299 : i32 to vector<16xi32>
      %gather3A_301 = tpu.vector_load_idx %arg10[%broadcast_in_dim3A_297, %iota3A, %broadcast_in_dim3A_300] : memref<8x32x128xf32, #tpu.memory_space<vmem>>[vector<16xi32>, vector<16xi32>, vector<16xi32>], vector<16xf32>,
      %gather3A_302 = tpu.vector_load_idx %arg10[%broadcast_in_dim3A_297, %add3A_5, %broadcast_in_dim3A_300] : memref<8x32x128xf32, #tpu.memory_space<vmem>>[vector<16xi32>, vector<16xi32>, vector<16xi32>], vector<16xf32>,
      %swap3A_303 = arith.constant 2 : i32
      %swap3A_304 = arith.index_cast %swap3A_303 : i32 to index
      %swap3A_305 = arith.constant 0 : index
      %swap3A_306 = tpu.vector_load %arg11[%swap3A_304, %swap3A_305] {strides = array<i32>} : memref<16x32xf32, #tpu.memory_space<vmem>>, vector<16xf32>,
      tpu.vector_store %arg11[%swap3A_304, %swap3A_305], %gather3A_301 {strides = array<i32>} : memref<16x32xf32, #tpu.memory_space<vmem>>, vector<16xf32>,
      %swap3A_307 = arith.constant 2 : i32
      %swap3A_308 = arith.index_cast %swap3A_307 : i32 to index
      %swap3A_309 = arith.constant 16 : index
      %swap3A_310 = tpu.vector_load %arg11[%swap3A_308, %swap3A_309] {strides = array<i32>} : memref<16x32xf32, #tpu.memory_space<vmem>>, vector<16xf32>,
      tpu.vector_store %arg11[%swap3A_308, %swap3A_309], %gather3A_302 {strides = array<i32>} : memref<16x32xf32, #tpu.memory_space<vmem>>, vector<16xf32>,
      %dma_wait3A_311 = arith.constant 3 : i32
      %dma_wait3A_312 = arith.constant 0 : i32
      %dma_wait3A_313 = arith.constant 0 : i32
      %dma_wait3A_314 = tpu.memref_slice %arg10[%dma_wait3A_311, %dma_wait3A_312, %dma_wait3A_313] : memref<8x32x128xf32, #tpu.memory_space<vmem>> -> memref<1x32x128xf32, #tpu.memory_space<vmem>>
      %dma_wait3A_315 = tpu.memref_squeeze %dma_wait3A_314 : memref<1x32x128xf32, #tpu.memory_space<vmem>> -> memref<32x128xf32, #tpu.memory_space<vmem>>
      %dma_wait3A_316 = arith.constant 0 : i32
      %dma_wait3A_317 = arith.constant 0 : i32
      %dma_wait3A_318 = tpu.memref_slice %arg4[%dma_wait3A_316, %dma_wait3A_317] : memref<32x1000000xf32, #tpu.memory_space<hbm>> -> memref<32x128xf32, #tpu.memory_space<hbm>>
      %dma_wait3A_319 = arith.constant 0 : i32
      %dma_wait3A_320 = arith.constant 0 : i32
      %dma_wait3A_321 = tpu.memref_slice %arg10[%dma_wait3A_311, %dma_wait3A_319, %dma_wait3A_320] : memref<8x32x128xf32, #tpu.memory_space<vmem>> -> memref<1x32x128xf32, #tpu.memory_space<vmem>>
      %dma_wait3A_322 = tpu.memref_squeeze %dma_wait3A_321 : memref<1x32x128xf32, #tpu.memory_space<vmem>> -> memref<32x128xf32, #tpu.memory_space<vmem>>
      %dma_wait3A_323 = arith.constant 0 : i32
      %dma_wait3A_324 = arith.constant 0 : i32
      %dma_wait3A_325 = tpu.memref_slice %arg4[%dma_wait3A_323, %dma_wait3A_324] : memref<32x1000000xf32, #tpu.memory_space<hbm>> -> memref<32x128xf32, #tpu.memory_space<hbm>>
      tpu.wait_dma2 semaphore(%arg15 : memref<!tpu.dma_semaphore, #tpu.memory_space<semaphore_mem>>) src(%dma_wait3A_325 : memref<32x128xf32, #tpu.memory_space<hbm>>) dst(%dma_wait3A_322 : memref<32x128xf32, #tpu.memory_space<vmem>>)
      %slice3A_326 = vector.extract_strided_slice %and3A_161 {offsets = [11], sizes = [1], strides = [1]} : vector<16xi32> to vector<1xi32>
      %squeeze3A_327 = vector.extract %slice3A_326[0] : i32 from vector<1xi32>
      %multiple_of3A_328 = tpu.assume_multiple %squeeze3A_327, 128 : i32
      %dma_start3A_329 = arith.constant 3 : i32
      %dma_start3A_330 = arith.constant 0 : i32
      %dma_start3A_331 = arith.constant 0 : i32
      %dma_start3A_332 = tpu.memref_slice %arg10[%dma_start3A_329, %dma_start3A_330, %dma_start3A_331] : memref<8x32x128xf32, #tpu.memory_space<vmem>> -> memref<1x32x128xf32, #tpu.memory_space<vmem>>
      %dma_start3A_333 = tpu.memref_squeeze %dma_start3A_332 : memref<1x32x128xf32, #tpu.memory_space<vmem>> -> memref<32x128xf32, #tpu.memory_space<vmem>>
      %dma_start3A_334 = arith.constant 0 : i32
      %dma_start3A_335 = tpu.memref_slice %arg4[%dma_start3A_334, %multiple_of3A_328] : memref<32x1000000xf32, #tpu.memory_space<hbm>> -> memref<32x128xf32, #tpu.memory_space<hbm>>
      %dma_start3A_336 = arith.constant 0 : i32
      %dma_start3A_337 = arith.constant 0 : i32
      %dma_start3A_338 = tpu.memref_slice %arg10[%dma_start3A_329, %dma_start3A_336, %dma_start3A_337] : memref<8x32x128xf32, #tpu.memory_space<vmem>> -> memref<1x32x128xf32, #tpu.memory_space<vmem>>
      %dma_start3A_339 = tpu.memref_squeeze %dma_start3A_338 : memref<1x32x128xf32, #tpu.memory_space<vmem>> -> memref<32x128xf32, #tpu.memory_space<vmem>>
      %dma_start3A_340 = arith.constant 0 : i32
      %dma_start3A_341 = tpu.memref_slice %arg4[%dma_start3A_340, %multiple_of3A_328] : memref<32x1000000xf32, #tpu.memory_space<hbm>> -> memref<32x128xf32, #tpu.memory_space<hbm>>
      tpu.enqueue_dma source(%dma_start3A_341 : memref<32x128xf32, #tpu.memory_space<hbm>>) target(%dma_start3A_339 : memref<32x128xf32, #tpu.memory_space<vmem>>) target_semaphore(%arg15 : memref<!tpu.dma_semaphore, #tpu.memory_space<semaphore_mem>>)
      %broadcast_in_dim3A_342 = arith.constant 3 : i32
      %broadcast_in_dim3A_343 = vector.broadcast %broadcast_in_dim3A_342 : i32 to vector<16xi32>
      %slice3A_344 = vector.extract_strided_slice %and3A_171 {offsets = [3], sizes = [1], strides = [1]} : vector<16xi32> to vector<1xi32>
      %squeeze3A_345 = vector.extract %slice3A_344[0] : i32 from vector<1xi32>
      %broadcast_in_dim3A_346 = vector.broadcast %squeeze3A_345 : i32 to vector<16xi32>
      %gather3A_347 = tpu.vector_load_idx %arg10[%broadcast_in_dim3A_343, %iota3A, %broadcast_in_dim3A_346] : memref<8x32x128xf32, #tpu.memory_space<vmem>>[vector<16xi32>, vector<16xi32>, vector<16xi32>], vector<16xf32>,
      %gather3A_348 = tpu.vector_load_idx %arg10[%broadcast_in_dim3A_343, %add3A_5, %broadcast_in_dim3A_346] : memref<8x32x128xf32, #tpu.memory_space<vmem>>[vector<16xi32>, vector<16xi32>, vector<16xi32>], vector<16xf32>,
      %swap3A_349 = arith.constant 3 : i32
      %swap3A_350 = arith.index_cast %swap3A_349 : i32 to index
      %swap3A_351 = arith.constant 0 : index
      %swap3A_352 = tpu.vector_load %arg11[%swap3A_350, %swap3A_351] {strides = array<i32>} : memref<16x32xf32, #tpu.memory_space<vmem>>, vector<16xf32>,
      tpu.vector_store %arg11[%swap3A_350, %swap3A_351], %gather3A_347 {strides = array<i32>} : memref<16x32xf32, #tpu.memory_space<vmem>>, vector<16xf32>,
      %swap3A_353 = arith.constant 3 : i32
      %swap3A_354 = arith.index_cast %swap3A_353 : i32 to index
      %swap3A_355 = arith.constant 16 : index
      %swap3A_356 = tpu.vector_load %arg11[%swap3A_354, %swap3A_355] {strides = array<i32>} : memref<16x32xf32, #tpu.memory_space<vmem>>, vector<16xf32>,
      tpu.vector_store %arg11[%swap3A_354, %swap3A_355], %gather3A_348 {strides = array<i32>} : memref<16x32xf32, #tpu.memory_space<vmem>>, vector<16xf32>,
      %dma_wait3A_357 = arith.constant 4 : i32
      %dma_wait3A_358 = arith.constant 0 : i32
      %dma_wait3A_359 = arith.constant 0 : i32
      %dma_wait3A_360 = tpu.memref_slice %arg10[%dma_wait3A_357, %dma_wait3A_358, %dma_wait3A_359] : memref<8x32x128xf32, #tpu.memory_space<vmem>> -> memref<1x32x128xf32, #tpu.memory_space<vmem>>
      %dma_wait3A_361 = tpu.memref_squeeze %dma_wait3A_360 : memref<1x32x128xf32, #tpu.memory_space<vmem>> -> memref<32x128xf32, #tpu.memory_space<vmem>>
      %dma_wait3A_362 = arith.constant 0 : i32
      %dma_wait3A_363 = arith.constant 0 : i32
      %dma_wait3A_364 = tpu.memref_slice %arg4[%dma_wait3A_362, %dma_wait3A_363] : memref<32x1000000xf32, #tpu.memory_space<hbm>> -> memref<32x128xf32, #tpu.memory_space<hbm>>
      %dma_wait3A_365 = arith.constant 0 : i32
      %dma_wait3A_366 = arith.constant 0 : i32
      %dma_wait3A_367 = tpu.memref_slice %arg10[%dma_wait3A_357, %dma_wait3A_365, %dma_wait3A_366] : memref<8x32x128xf32, #tpu.memory_space<vmem>> -> memref<1x32x128xf32, #tpu.memory_space<vmem>>
      %dma_wait3A_368 = tpu.memref_squeeze %dma_wait3A_367 : memref<1x32x128xf32, #tpu.memory_space<vmem>> -> memref<32x128xf32, #tpu.memory_space<vmem>>
      %dma_wait3A_369 = arith.constant 0 : i32
      %dma_wait3A_370 = arith.constant 0 : i32
      %dma_wait3A_371 = tpu.memref_slice %arg4[%dma_wait3A_369, %dma_wait3A_370] : memref<32x1000000xf32, #tpu.memory_space<hbm>> -> memref<32x128xf32, #tpu.memory_space<hbm>>
      tpu.wait_dma2 semaphore(%arg15 : memref<!tpu.dma_semaphore, #tpu.memory_space<semaphore_mem>>) src(%dma_wait3A_371 : memref<32x128xf32, #tpu.memory_space<hbm>>) dst(%dma_wait3A_368 : memref<32x128xf32, #tpu.memory_space<vmem>>)
      %slice3A_372 = vector.extract_strided_slice %and3A_161 {offsets = [12], sizes = [1], strides = [1]} : vector<16xi32> to vector<1xi32>
      %squeeze3A_373 = vector.extract %slice3A_372[0] : i32 from vector<1xi32>
      %multiple_of3A_374 = tpu.assume_multiple %squeeze3A_373, 128 : i32
      %dma_start3A_375 = arith.constant 4 : i32
      %dma_start3A_376 = arith.constant 0 : i32
      %dma_start3A_377 = arith.constant 0 : i32
      %dma_start3A_378 = tpu.memref_slice %arg10[%dma_start3A_375, %dma_start3A_376, %dma_start3A_377] : memref<8x32x128xf32, #tpu.memory_space<vmem>> -> memref<1x32x128xf32, #tpu.memory_space<vmem>>
      %dma_start3A_379 = tpu.memref_squeeze %dma_start3A_378 : memref<1x32x128xf32, #tpu.memory_space<vmem>> -> memref<32x128xf32, #tpu.memory_space<vmem>>
      %dma_start3A_380 = arith.constant 0 : i32
      %dma_start3A_381 = tpu.memref_slice %arg4[%dma_start3A_380, %multiple_of3A_374] : memref<32x1000000xf32, #tpu.memory_space<hbm>> -> memref<32x128xf32, #tpu.memory_space<hbm>>
      %dma_start3A_382 = arith.constant 0 : i32
      %dma_start3A_383 = arith.constant 0 : i32
      %dma_start3A_384 = tpu.memref_slice %arg10[%dma_start3A_375, %dma_start3A_382, %dma_start3A_383] : memref<8x32x128xf32, #tpu.memory_space<vmem>> -> memref<1x32x128xf32, #tpu.memory_space<vmem>>
      %dma_start3A_385 = tpu.memref_squeeze %dma_start3A_384 : memref<1x32x128xf32, #tpu.memory_space<vmem>> -> memref<32x128xf32, #tpu.memory_space<vmem>>
      %dma_start3A_386 = arith.constant 0 : i32
      %dma_start3A_387 = tpu.memref_slice %arg4[%dma_start3A_386, %multiple_of3A_374] : memref<32x1000000xf32, #tpu.memory_space<hbm>> -> memref<32x128xf32, #tpu.memory_space<hbm>>
      tpu.enqueue_dma source(%dma_start3A_387 : memref<32x128xf32, #tpu.memory_space<hbm>>) target(%dma_start3A_385 : memref<32x128xf32, #tpu.memory_space<vmem>>) target_semaphore(%arg15 : memref<!tpu.dma_semaphore, #tpu.memory_space<semaphore_mem>>)
      %broadcast_in_dim3A_388 = arith.constant 4 : i32
      %broadcast_in_dim3A_389 = vector.broadcast %broadcast_in_dim3A_388 : i32 to vector<16xi32>
      %slice3A_390 = vector.extract_strided_slice %and3A_171 {offsets = [4], sizes = [1], strides = [1]} : vector<16xi32> to vector<1xi32>
      %squeeze3A_391 = vector.extract %slice3A_390[0] : i32 from vector<1xi32>
      %broadcast_in_dim3A_392 = vector.broadcast %squeeze3A_391 : i32 to vector<16xi32>
      %gather3A_393 = tpu.vector_load_idx %arg10[%broadcast_in_dim3A_389, %iota3A, %broadcast_in_dim3A_392] : memref<8x32x128xf32, #tpu.memory_space<vmem>>[vector<16xi32>, vector<16xi32>, vector<16xi32>], vector<16xf32>,
      %gather3A_394 = tpu.vector_load_idx %arg10[%broadcast_in_dim3A_389, %add3A_5, %broadcast_in_dim3A_392] : memref<8x32x128xf32, #tpu.memory_space<vmem>>[vector<16xi32>, vector<16xi32>, vector<16xi32>], vector<16xf32>,
      %swap3A_395 = arith.constant 4 : i32
      %swap3A_396 = arith.index_cast %swap3A_395 : i32 to index
      %swap3A_397 = arith.constant 0 : index
      %swap3A_398 = tpu.vector_load %arg11[%swap3A_396, %swap3A_397] {strides = array<i32>} : memref<16x32xf32, #tpu.memory_space<vmem>>, vector<16xf32>,
      tpu.vector_store %arg11[%swap3A_396, %swap3A_397], %gather3A_393 {strides = array<i32>} : memref<16x32xf32, #tpu.memory_space<vmem>>, vector<16xf32>,
      %swap3A_399 = arith.constant 4 : i32
      %swap3A_400 = arith.index_cast %swap3A_399 : i32 to index
      %swap3A_401 = arith.constant 16 : index
      %swap3A_402 = tpu.vector_load %arg11[%swap3A_400, %swap3A_401] {strides = array<i32>} : memref<16x32xf32, #tpu.memory_space<vmem>>, vector<16xf32>,
      tpu.vector_store %arg11[%swap3A_400, %swap3A_401], %gather3A_394 {strides = array<i32>} : memref<16x32xf32, #tpu.memory_space<vmem>>, vector<16xf32>,
      %dma_wait3A_403 = arith.constant 5 : i32
      %dma_wait3A_404 = arith.constant 0 : i32
      %dma_wait3A_405 = arith.constant 0 : i32
      %dma_wait3A_406 = tpu.memref_slice %arg10[%dma_wait3A_403, %dma_wait3A_404, %dma_wait3A_405] : memref<8x32x128xf32, #tpu.memory_space<vmem>> -> memref<1x32x128xf32, #tpu.memory_space<vmem>>
      %dma_wait3A_407 = tpu.memref_squeeze %dma_wait3A_406 : memref<1x32x128xf32, #tpu.memory_space<vmem>> -> memref<32x128xf32, #tpu.memory_space<vmem>>
      %dma_wait3A_408 = arith.constant 0 : i32
      %dma_wait3A_409 = arith.constant 0 : i32
      %dma_wait3A_410 = tpu.memref_slice %arg4[%dma_wait3A_408, %dma_wait3A_409] : memref<32x1000000xf32, #tpu.memory_space<hbm>> -> memref<32x128xf32, #tpu.memory_space<hbm>>
      %dma_wait3A_411 = arith.constant 0 : i32
      %dma_wait3A_412 = arith.constant 0 : i32
      %dma_wait3A_413 = tpu.memref_slice %arg10[%dma_wait3A_403, %dma_wait3A_411, %dma_wait3A_412] : memref<8x32x128xf32, #tpu.memory_space<vmem>> -> memref<1x32x128xf32, #tpu.memory_space<vmem>>
      %dma_wait3A_414 = tpu.memref_squeeze %dma_wait3A_413 : memref<1x32x128xf32, #tpu.memory_space<vmem>> -> memref<32x128xf32, #tpu.memory_space<vmem>>
      %dma_wait3A_415 = arith.constant 0 : i32
      %dma_wait3A_416 = arith.constant 0 : i32
      %dma_wait3A_417 = tpu.memref_slice %arg4[%dma_wait3A_415, %dma_wait3A_416] : memref<32x1000000xf32, #tpu.memory_space<hbm>> -> memref<32x128xf32, #tpu.memory_space<hbm>>
      tpu.wait_dma2 semaphore(%arg15 : memref<!tpu.dma_semaphore, #tpu.memory_space<semaphore_mem>>) src(%dma_wait3A_417 : memref<32x128xf32, #tpu.memory_space<hbm>>) dst(%dma_wait3A_414 : memref<32x128xf32, #tpu.memory_space<vmem>>)
      %slice3A_418 = vector.extract_strided_slice %and3A_161 {offsets = [13], sizes = [1], strides = [1]} : vector<16xi32> to vector<1xi32>
      %squeeze3A_419 = vector.extract %slice3A_418[0] : i32 from vector<1xi32>
      %multiple_of3A_420 = tpu.assume_multiple %squeeze3A_419, 128 : i32
      %dma_start3A_421 = arith.constant 5 : i32
      %dma_start3A_422 = arith.constant 0 : i32
      %dma_start3A_423 = arith.constant 0 : i32
      %dma_start3A_424 = tpu.memref_slice %arg10[%dma_start3A_421, %dma_start3A_422, %dma_start3A_423] : memref<8x32x128xf32, #tpu.memory_space<vmem>> -> memref<1x32x128xf32, #tpu.memory_space<vmem>>
      %dma_start3A_425 = tpu.memref_squeeze %dma_start3A_424 : memref<1x32x128xf32, #tpu.memory_space<vmem>> -> memref<32x128xf32, #tpu.memory_space<vmem>>
      %dma_start3A_426 = arith.constant 0 : i32
      %dma_start3A_427 = tpu.memref_slice %arg4[%dma_start3A_426, %multiple_of3A_420] : memref<32x1000000xf32, #tpu.memory_space<hbm>> -> memref<32x128xf32, #tpu.memory_space<hbm>>
      %dma_start3A_428 = arith.constant 0 : i32
      %dma_start3A_429 = arith.constant 0 : i32
      %dma_start3A_430 = tpu.memref_slice %arg10[%dma_start3A_421, %dma_start3A_428, %dma_start3A_429] : memref<8x32x128xf32, #tpu.memory_space<vmem>> -> memref<1x32x128xf32, #tpu.memory_space<vmem>>
      %dma_start3A_431 = tpu.memref_squeeze %dma_start3A_430 : memref<1x32x128xf32, #tpu.memory_space<vmem>> -> memref<32x128xf32, #tpu.memory_space<vmem>>
      %dma_start3A_432 = arith.constant 0 : i32
      %dma_start3A_433 = tpu.memref_slice %arg4[%dma_start3A_432, %multiple_of3A_420] : memref<32x1000000xf32, #tpu.memory_space<hbm>> -> memref<32x128xf32, #tpu.memory_space<hbm>>
      tpu.enqueue_dma source(%dma_start3A_433 : memref<32x128xf32, #tpu.memory_space<hbm>>) target(%dma_start3A_431 : memref<32x128xf32, #tpu.memory_space<vmem>>) target_semaphore(%arg15 : memref<!tpu.dma_semaphore, #tpu.memory_space<semaphore_mem>>)
      %broadcast_in_dim3A_434 = arith.constant 5 : i32
      %broadcast_in_dim3A_435 = vector.broadcast %broadcast_in_dim3A_434 : i32 to vector<16xi32>
      %slice3A_436 = vector.extract_strided_slice %and3A_171 {offsets = [5], sizes = [1], strides = [1]} : vector<16xi32> to vector<1xi32>
      %squeeze3A_437 = vector.extract %slice3A_436[0] : i32 from vector<1xi32>
      %broadcast_in_dim3A_438 = vector.broadcast %squeeze3A_437 : i32 to vector<16xi32>
      %gather3A_439 = tpu.vector_load_idx %arg10[%broadcast_in_dim3A_435, %iota3A, %broadcast_in_dim3A_438] : memref<8x32x128xf32, #tpu.memory_space<vmem>>[vector<16xi32>, vector<16xi32>, vector<16xi32>], vector<16xf32>,
      %gather3A_440 = tpu.vector_load_idx %arg10[%broadcast_in_dim3A_435, %add3A_5, %broadcast_in_dim3A_438] : memref<8x32x128xf32, #tpu.memory_space<vmem>>[vector<16xi32>, vector<16xi32>, vector<16xi32>], vector<16xf32>,
      %swap3A_441 = arith.constant 5 : i32
      %swap3A_442 = arith.index_cast %swap3A_441 : i32 to index
      %swap3A_443 = arith.constant 0 : index
      %swap3A_444 = tpu.vector_load %arg11[%swap3A_442, %swap3A_443] {strides = array<i32>} : memref<16x32xf32, #tpu.memory_space<vmem>>, vector<16xf32>,
      tpu.vector_store %arg11[%swap3A_442, %swap3A_443], %gather3A_439 {strides = array<i32>} : memref<16x32xf32, #tpu.memory_space<vmem>>, vector<16xf32>,
      %swap3A_445 = arith.constant 5 : i32
      %swap3A_446 = arith.index_cast %swap3A_445 : i32 to index
      %swap3A_447 = arith.constant 16 : index
      %swap3A_448 = tpu.vector_load %arg11[%swap3A_446, %swap3A_447] {strides = array<i32>} : memref<16x32xf32, #tpu.memory_space<vmem>>, vector<16xf32>,
      tpu.vector_store %arg11[%swap3A_446, %swap3A_447], %gather3A_440 {strides = array<i32>} : memref<16x32xf32, #tpu.memory_space<vmem>>, vector<16xf32>,
      %dma_wait3A_449 = arith.constant 6 : i32
      %dma_wait3A_450 = arith.constant 0 : i32
      %dma_wait3A_451 = arith.constant 0 : i32
      %dma_wait3A_452 = tpu.memref_slice %arg10[%dma_wait3A_449, %dma_wait3A_450, %dma_wait3A_451] : memref<8x32x128xf32, #tpu.memory_space<vmem>> -> memref<1x32x128xf32, #tpu.memory_space<vmem>>
      %dma_wait3A_453 = tpu.memref_squeeze %dma_wait3A_452 : memref<1x32x128xf32, #tpu.memory_space<vmem>> -> memref<32x128xf32, #tpu.memory_space<vmem>>
      %dma_wait3A_454 = arith.constant 0 : i32
      %dma_wait3A_455 = arith.constant 0 : i32
      %dma_wait3A_456 = tpu.memref_slice %arg4[%dma_wait3A_454, %dma_wait3A_455] : memref<32x1000000xf32, #tpu.memory_space<hbm>> -> memref<32x128xf32, #tpu.memory_space<hbm>>
      %dma_wait3A_457 = arith.constant 0 : i32
      %dma_wait3A_458 = arith.constant 0 : i32
      %dma_wait3A_459 = tpu.memref_slice %arg10[%dma_wait3A_449, %dma_wait3A_457, %dma_wait3A_458] : memref<8x32x128xf32, #tpu.memory_space<vmem>> -> memref<1x32x128xf32, #tpu.memory_space<vmem>>
      %dma_wait3A_460 = tpu.memref_squeeze %dma_wait3A_459 : memref<1x32x128xf32, #tpu.memory_space<vmem>> -> memref<32x128xf32, #tpu.memory_space<vmem>>
      %dma_wait3A_461 = arith.constant 0 : i32
      %dma_wait3A_462 = arith.constant 0 : i32
      %dma_wait3A_463 = tpu.memref_slice %arg4[%dma_wait3A_461, %dma_wait3A_462] : memref<32x1000000xf32, #tpu.memory_space<hbm>> -> memref<32x128xf32, #tpu.memory_space<hbm>>
      tpu.wait_dma2 semaphore(%arg15 : memref<!tpu.dma_semaphore, #tpu.memory_space<semaphore_mem>>) src(%dma_wait3A_463 : memref<32x128xf32, #tpu.memory_space<hbm>>) dst(%dma_wait3A_460 : memref<32x128xf32, #tpu.memory_space<vmem>>)
      %slice3A_464 = vector.extract_strided_slice %and3A_161 {offsets = [14], sizes = [1], strides = [1]} : vector<16xi32> to vector<1xi32>
      %squeeze3A_465 = vector.extract %slice3A_464[0] : i32 from vector<1xi32>
      %multiple_of3A_466 = tpu.assume_multiple %squeeze3A_465, 128 : i32
      %dma_start3A_467 = arith.constant 6 : i32
      %dma_start3A_468 = arith.constant 0 : i32
      %dma_start3A_469 = arith.constant 0 : i32
      %dma_start3A_470 = tpu.memref_slice %arg10[%dma_start3A_467, %dma_start3A_468, %dma_start3A_469] : memref<8x32x128xf32, #tpu.memory_space<vmem>> -> memref<1x32x128xf32, #tpu.memory_space<vmem>>
      %dma_start3A_471 = tpu.memref_squeeze %dma_start3A_470 : memref<1x32x128xf32, #tpu.memory_space<vmem>> -> memref<32x128xf32, #tpu.memory_space<vmem>>
      %dma_start3A_472 = arith.constant 0 : i32
      %dma_start3A_473 = tpu.memref_slice %arg4[%dma_start3A_472, %multiple_of3A_466] : memref<32x1000000xf32, #tpu.memory_space<hbm>> -> memref<32x128xf32, #tpu.memory_space<hbm>>
      %dma_start3A_474 = arith.constant 0 : i32
      %dma_start3A_475 = arith.constant 0 : i32
      %dma_start3A_476 = tpu.memref_slice %arg10[%dma_start3A_467, %dma_start3A_474, %dma_start3A_475] : memref<8x32x128xf32, #tpu.memory_space<vmem>> -> memref<1x32x128xf32, #tpu.memory_space<vmem>>
      %dma_start3A_477 = tpu.memref_squeeze %dma_start3A_476 : memref<1x32x128xf32, #tpu.memory_space<vmem>> -> memref<32x128xf32, #tpu.memory_space<vmem>>
      %dma_start3A_478 = arith.constant 0 : i32
      %dma_start3A_479 = tpu.memref_slice %arg4[%dma_start3A_478, %multiple_of3A_466] : memref<32x1000000xf32, #tpu.memory_space<hbm>> -> memref<32x128xf32, #tpu.memory_space<hbm>>
      tpu.enqueue_dma source(%dma_start3A_479 : memref<32x128xf32, #tpu.memory_space<hbm>>) target(%dma_start3A_477 : memref<32x128xf32, #tpu.memory_space<vmem>>) target_semaphore(%arg15 : memref<!tpu.dma_semaphore, #tpu.memory_space<semaphore_mem>>)
      %broadcast_in_dim3A_480 = arith.constant 6 : i32
      %broadcast_in_dim3A_481 = vector.broadcast %broadcast_in_dim3A_480 : i32 to vector<16xi32>
      %slice3A_482 = vector.extract_strided_slice %and3A_171 {offsets = [6], sizes = [1], strides = [1]} : vector<16xi32> to vector<1xi32>
      %squeeze3A_483 = vector.extract %slice3A_482[0] : i32 from vector<1xi32>
      %broadcast_in_dim3A_484 = vector.broadcast %squeeze3A_483 : i32 to vector<16xi32>
      %gather3A_485 = tpu.vector_load_idx %arg10[%broadcast_in_dim3A_481, %iota3A, %broadcast_in_dim3A_484] : memref<8x32x128xf32, #tpu.memory_space<vmem>>[vector<16xi32>, vector<16xi32>, vector<16xi32>], vector<16xf32>,
      %gather3A_486 = tpu.vector_load_idx %arg10[%broadcast_in_dim3A_481, %add3A_5, %broadcast_in_dim3A_484] : memref<8x32x128xf32, #tpu.memory_space<vmem>>[vector<16xi32>, vector<16xi32>, vector<16xi32>], vector<16xf32>,
      %swap3A_487 = arith.constant 6 : i32
      %swap3A_488 = arith.index_cast %swap3A_487 : i32 to index
      %swap3A_489 = arith.constant 0 : index
      %swap3A_490 = tpu.vector_load %arg11[%swap3A_488, %swap3A_489] {strides = array<i32>} : memref<16x32xf32, #tpu.memory_space<vmem>>, vector<16xf32>,
      tpu.vector_store %arg11[%swap3A_488, %swap3A_489], %gather3A_485 {strides = array<i32>} : memref<16x32xf32, #tpu.memory_space<vmem>>, vector<16xf32>,
      %swap3A_491 = arith.constant 6 : i32
      %swap3A_492 = arith.index_cast %swap3A_491 : i32 to index
      %swap3A_493 = arith.constant 16 : index
      %swap3A_494 = tpu.vector_load %arg11[%swap3A_492, %swap3A_493] {strides = array<i32>} : memref<16x32xf32, #tpu.memory_space<vmem>>, vector<16xf32>,
      tpu.vector_store %arg11[%swap3A_492, %swap3A_493], %gather3A_486 {strides = array<i32>} : memref<16x32xf32, #tpu.memory_space<vmem>>, vector<16xf32>,
      %dma_wait3A_495 = arith.constant 7 : i32
      %dma_wait3A_496 = arith.constant 0 : i32
      %dma_wait3A_497 = arith.constant 0 : i32
      %dma_wait3A_498 = tpu.memref_slice %arg10[%dma_wait3A_495, %dma_wait3A_496, %dma_wait3A_497] : memref<8x32x128xf32, #tpu.memory_space<vmem>> -> memref<1x32x128xf32, #tpu.memory_space<vmem>>
      %dma_wait3A_499 = tpu.memref_squeeze %dma_wait3A_498 : memref<1x32x128xf32, #tpu.memory_space<vmem>> -> memref<32x128xf32, #tpu.memory_space<vmem>>
      %dma_wait3A_500 = arith.constant 0 : i32
      %dma_wait3A_501 = arith.constant 0 : i32
      %dma_wait3A_502 = tpu.memref_slice %arg4[%dma_wait3A_500, %dma_wait3A_501] : memref<32x1000000xf32, #tpu.memory_space<hbm>> -> memref<32x128xf32, #tpu.memory_space<hbm>>
      %dma_wait3A_503 = arith.constant 0 : i32
      %dma_wait3A_504 = arith.constant 0 : i32
      %dma_wait3A_505 = tpu.memref_slice %arg10[%dma_wait3A_495, %dma_wait3A_503, %dma_wait3A_504] : memref<8x32x128xf32, #tpu.memory_space<vmem>> -> memref<1x32x128xf32, #tpu.memory_space<vmem>>
      %dma_wait3A_506 = tpu.memref_squeeze %dma_wait3A_505 : memref<1x32x128xf32, #tpu.memory_space<vmem>> -> memref<32x128xf32, #tpu.memory_space<vmem>>
      %dma_wait3A_507 = arith.constant 0 : i32
      %dma_wait3A_508 = arith.constant 0 : i32
      %dma_wait3A_509 = tpu.memref_slice %arg4[%dma_wait3A_507, %dma_wait3A_508] : memref<32x1000000xf32, #tpu.memory_space<hbm>> -> memref<32x128xf32, #tpu.memory_space<hbm>>
      tpu.wait_dma2 semaphore(%arg15 : memref<!tpu.dma_semaphore, #tpu.memory_space<semaphore_mem>>) src(%dma_wait3A_509 : memref<32x128xf32, #tpu.memory_space<hbm>>) dst(%dma_wait3A_506 : memref<32x128xf32, #tpu.memory_space<vmem>>)
      %slice3A_510 = vector.extract_strided_slice %and3A_161 {offsets = [15], sizes = [1], strides = [1]} : vector<16xi32> to vector<1xi32>
      %squeeze3A_511 = vector.extract %slice3A_510[0] : i32 from vector<1xi32>
      %multiple_of3A_512 = tpu.assume_multiple %squeeze3A_511, 128 : i32
      %dma_start3A_513 = arith.constant 7 : i32
      %dma_start3A_514 = arith.constant 0 : i32
      %dma_start3A_515 = arith.constant 0 : i32
      %dma_start3A_516 = tpu.memref_slice %arg10[%dma_start3A_513, %dma_start3A_514, %dma_start3A_515] : memref<8x32x128xf32, #tpu.memory_space<vmem>> -> memref<1x32x128xf32, #tpu.memory_space<vmem>>
      %dma_start3A_517 = tpu.memref_squeeze %dma_start3A_516 : memref<1x32x128xf32, #tpu.memory_space<vmem>> -> memref<32x128xf32, #tpu.memory_space<vmem>>
      %dma_start3A_518 = arith.constant 0 : i32
      %dma_start3A_519 = tpu.memref_slice %arg4[%dma_start3A_518, %multiple_of3A_512] : memref<32x1000000xf32, #tpu.memory_space<hbm>> -> memref<32x128xf32, #tpu.memory_space<hbm>>
      %dma_start3A_520 = arith.constant 0 : i32
      %dma_start3A_521 = arith.constant 0 : i32
      %dma_start3A_522 = tpu.memref_slice %arg10[%dma_start3A_513, %dma_start3A_520, %dma_start3A_521] : memref<8x32x128xf32, #tpu.memory_space<vmem>> -> memref<1x32x128xf32, #tpu.memory_space<vmem>>
      %dma_start3A_523 = tpu.memref_squeeze %dma_start3A_522 : memref<1x32x128xf32, #tpu.memory_space<vmem>> -> memref<32x128xf32, #tpu.memory_space<vmem>>
      %dma_start3A_524 = arith.constant 0 : i32
      %dma_start3A_525 = tpu.memref_slice %arg4[%dma_start3A_524, %multiple_of3A_512] : memref<32x1000000xf32, #tpu.memory_space<hbm>> -> memref<32x128xf32, #tpu.memory_space<hbm>>
      tpu.enqueue_dma source(%dma_start3A_525 : memref<32x128xf32, #tpu.memory_space<hbm>>) target(%dma_start3A_523 : memref<32x128xf32, #tpu.memory_space<vmem>>) target_semaphore(%arg15 : memref<!tpu.dma_semaphore, #tpu.memory_space<semaphore_mem>>)
      %broadcast_in_dim3A_526 = arith.constant 7 : i32
      %broadcast_in_dim3A_527 = vector.broadcast %broadcast_in_dim3A_526 : i32 to vector<16xi32>
      %slice3A_528 = vector.extract_strided_slice %and3A_171 {offsets = [7], sizes = [1], strides = [1]} : vector<16xi32> to vector<1xi32>
      %squeeze3A_529 = vector.extract %slice3A_528[0] : i32 from vector<1xi32>
      %broadcast_in_dim3A_530 = vector.broadcast %squeeze3A_529 : i32 to vector<16xi32>
      %gather3A_531 = tpu.vector_load_idx %arg10[%broadcast_in_dim3A_527, %iota3A, %broadcast_in_dim3A_530] : memref<8x32x128xf32, #tpu.memory_space<vmem>>[vector<16xi32>, vector<16xi32>, vector<16xi32>], vector<16xf32>,
      %gather3A_532 = tpu.vector_load_idx %arg10[%broadcast_in_dim3A_527, %add3A_5, %broadcast_in_dim3A_530] : memref<8x32x128xf32, #tpu.memory_space<vmem>>[vector<16xi32>, vector<16xi32>, vector<16xi32>], vector<16xf32>,
      %swap3A_533 = arith.constant 7 : i32
      %swap3A_534 = arith.index_cast %swap3A_533 : i32 to index
      %swap3A_535 = arith.constant 0 : index
      %swap3A_536 = tpu.vector_load %arg11[%swap3A_534, %swap3A_535] {strides = array<i32>} : memref<16x32xf32, #tpu.memory_space<vmem>>, vector<16xf32>,
      tpu.vector_store %arg11[%swap3A_534, %swap3A_535], %gather3A_531 {strides = array<i32>} : memref<16x32xf32, #tpu.memory_space<vmem>>, vector<16xf32>,
      %swap3A_537 = arith.constant 7 : i32
      %swap3A_538 = arith.index_cast %swap3A_537 : i32 to index
      %swap3A_539 = arith.constant 16 : index
      %swap3A_540 = tpu.vector_load %arg11[%swap3A_538, %swap3A_539] {strides = array<i32>} : memref<16x32xf32, #tpu.memory_space<vmem>>, vector<16xf32>,
      tpu.vector_store %arg11[%swap3A_538, %swap3A_539], %gather3A_532 {strides = array<i32>} : memref<16x32xf32, #tpu.memory_space<vmem>>, vector<16xf32>,
      %dma_wait3A_541 = arith.constant 0 : i32
      %dma_wait3A_542 = arith.constant 0 : i32
      %dma_wait3A_543 = arith.constant 0 : i32
      %dma_wait3A_544 = tpu.memref_slice %arg10[%dma_wait3A_541, %dma_wait3A_542, %dma_wait3A_543] : memref<8x32x128xf32, #tpu.memory_space<vmem>> -> memref<1x32x128xf32, #tpu.memory_space<vmem>>
      %dma_wait3A_545 = tpu.memref_squeeze %dma_wait3A_544 : memref<1x32x128xf32, #tpu.memory_space<vmem>> -> memref<32x128xf32, #tpu.memory_space<vmem>>
      %dma_wait3A_546 = arith.constant 0 : i32
      %dma_wait3A_547 = arith.constant 0 : i32
      %dma_wait3A_548 = tpu.memref_slice %arg4[%dma_wait3A_546, %dma_wait3A_547] : memref<32x1000000xf32, #tpu.memory_space<hbm>> -> memref<32x128xf32, #tpu.memory_space<hbm>>
      %dma_wait3A_549 = arith.constant 0 : i32
      %dma_wait3A_550 = arith.constant 0 : i32
      %dma_wait3A_551 = tpu.memref_slice %arg10[%dma_wait3A_541, %dma_wait3A_549, %dma_wait3A_550] : memref<8x32x128xf32, #tpu.memory_space<vmem>> -> memref<1x32x128xf32, #tpu.memory_space<vmem>>
      %dma_wait3A_552 = tpu.memref_squeeze %dma_wait3A_551 : memref<1x32x128xf32, #tpu.memory_space<vmem>> -> memref<32x128xf32, #tpu.memory_space<vmem>>
      %dma_wait3A_553 = arith.constant 0 : i32
      %dma_wait3A_554 = arith.constant 0 : i32
      %dma_wait3A_555 = tpu.memref_slice %arg4[%dma_wait3A_553, %dma_wait3A_554] : memref<32x1000000xf32, #tpu.memory_space<hbm>> -> memref<32x128xf32, #tpu.memory_space<hbm>>
      tpu.wait_dma2 semaphore(%arg15 : memref<!tpu.dma_semaphore, #tpu.memory_space<semaphore_mem>>) src(%dma_wait3A_555 : memref<32x128xf32, #tpu.memory_space<hbm>>) dst(%dma_wait3A_552 : memref<32x128xf32, #tpu.memory_space<vmem>>)
      %slice3A_556 = vector.extract_strided_slice %and3A_166 {offsets = [0], sizes = [1], strides = [1]} : vector<16xi32> to vector<1xi32>
      %squeeze3A_557 = vector.extract %slice3A_556[0] : i32 from vector<1xi32>
      %multiple_of3A_558 = tpu.assume_multiple %squeeze3A_557, 128 : i32
      %dma_start3A_559 = arith.constant 0 : i32
      %dma_start3A_560 = arith.constant 0 : i32
      %dma_start3A_561 = arith.constant 0 : i32
      %dma_start3A_562 = tpu.memref_slice %arg10[%dma_start3A_559, %dma_start3A_560, %dma_start3A_561] : memref<8x32x128xf32, #tpu.memory_space<vmem>> -> memref<1x32x128xf32, #tpu.memory_space<vmem>>
      %dma_start3A_563 = tpu.memref_squeeze %dma_start3A_562 : memref<1x32x128xf32, #tpu.memory_space<vmem>> -> memref<32x128xf32, #tpu.memory_space<vmem>>
      %dma_start3A_564 = arith.constant 0 : i32
      %dma_start3A_565 = tpu.memref_slice %arg5[%dma_start3A_564, %multiple_of3A_558] : memref<32x1000000xf32, #tpu.memory_space<hbm>> -> memref<32x128xf32, #tpu.memory_space<hbm>>
      %dma_start3A_566 = arith.constant 0 : i32
      %dma_start3A_567 = arith.constant 0 : i32
      %dma_start3A_568 = tpu.memref_slice %arg10[%dma_start3A_559, %dma_start3A_566, %dma_start3A_567] : memref<8x32x128xf32, #tpu.memory_space<vmem>> -> memref<1x32x128xf32, #tpu.memory_space<vmem>>
      %dma_start3A_569 = tpu.memref_squeeze %dma_start3A_568 : memref<1x32x128xf32, #tpu.memory_space<vmem>> -> memref<32x128xf32, #tpu.memory_space<vmem>>
      %dma_start3A_570 = arith.constant 0 : i32
      %dma_start3A_571 = tpu.memref_slice %arg5[%dma_start3A_570, %multiple_of3A_558] : memref<32x1000000xf32, #tpu.memory_space<hbm>> -> memref<32x128xf32, #tpu.memory_space<hbm>>
      tpu.enqueue_dma source(%dma_start3A_571 : memref<32x128xf32, #tpu.memory_space<hbm>>) target(%dma_start3A_569 : memref<32x128xf32, #tpu.memory_space<vmem>>) target_semaphore(%arg15 : memref<!tpu.dma_semaphore, #tpu.memory_space<semaphore_mem>>)
      %broadcast_in_dim3A_572 = arith.constant 0 : i32
      %broadcast_in_dim3A_573 = vector.broadcast %broadcast_in_dim3A_572 : i32 to vector<16xi32>
      %slice3A_574 = vector.extract_strided_slice %and3A_171 {offsets = [8], sizes = [1], strides = [1]} : vector<16xi32> to vector<1xi32>
      %squeeze3A_575 = vector.extract %slice3A_574[0] : i32 from vector<1xi32>
      %broadcast_in_dim3A_576 = vector.broadcast %squeeze3A_575 : i32 to vector<16xi32>
      %gather3A_577 = tpu.vector_load_idx %arg10[%broadcast_in_dim3A_573, %iota3A, %broadcast_in_dim3A_576] : memref<8x32x128xf32, #tpu.memory_space<vmem>>[vector<16xi32>, vector<16xi32>, vector<16xi32>], vector<16xf32>,
      %gather3A_578 = tpu.vector_load_idx %arg10[%broadcast_in_dim3A_573, %add3A_5, %broadcast_in_dim3A_576] : memref<8x32x128xf32, #tpu.memory_space<vmem>>[vector<16xi32>, vector<16xi32>, vector<16xi32>], vector<16xf32>,
      %swap3A_579 = arith.constant 8 : i32
      %swap3A_580 = arith.index_cast %swap3A_579 : i32 to index
      %swap3A_581 = arith.constant 0 : index
      %swap3A_582 = tpu.vector_load %arg11[%swap3A_580, %swap3A_581] {strides = array<i32>} : memref<16x32xf32, #tpu.memory_space<vmem>>, vector<16xf32>,
      tpu.vector_store %arg11[%swap3A_580, %swap3A_581], %gather3A_577 {strides = array<i32>} : memref<16x32xf32, #tpu.memory_space<vmem>>, vector<16xf32>,
      %swap3A_583 = arith.constant 8 : i32
      %swap3A_584 = arith.index_cast %swap3A_583 : i32 to index
      %swap3A_585 = arith.constant 16 : index
      %swap3A_586 = tpu.vector_load %arg11[%swap3A_584, %swap3A_585] {strides = array<i32>} : memref<16x32xf32, #tpu.memory_space<vmem>>, vector<16xf32>,
      tpu.vector_store %arg11[%swap3A_584, %swap3A_585], %gather3A_578 {strides = array<i32>} : memref<16x32xf32, #tpu.memory_space<vmem>>, vector<16xf32>,
      %dma_wait3A_587 = arith.constant 1 : i32
      %dma_wait3A_588 = arith.constant 0 : i32
      %dma_wait3A_589 = arith.constant 0 : i32
      %dma_wait3A_590 = tpu.memref_slice %arg10[%dma_wait3A_587, %dma_wait3A_588, %dma_wait3A_589] : memref<8x32x128xf32, #tpu.memory_space<vmem>> -> memref<1x32x128xf32, #tpu.memory_space<vmem>>
      %dma_wait3A_591 = tpu.memref_squeeze %dma_wait3A_590 : memref<1x32x128xf32, #tpu.memory_space<vmem>> -> memref<32x128xf32, #tpu.memory_space<vmem>>
      %dma_wait3A_592 = arith.constant 0 : i32
      %dma_wait3A_593 = arith.constant 0 : i32
      %dma_wait3A_594 = tpu.memref_slice %arg4[%dma_wait3A_592, %dma_wait3A_593] : memref<32x1000000xf32, #tpu.memory_space<hbm>> -> memref<32x128xf32, #tpu.memory_space<hbm>>
      %dma_wait3A_595 = arith.constant 0 : i32
      %dma_wait3A_596 = arith.constant 0 : i32
      %dma_wait3A_597 = tpu.memref_slice %arg10[%dma_wait3A_587, %dma_wait3A_595, %dma_wait3A_596] : memref<8x32x128xf32, #tpu.memory_space<vmem>> -> memref<1x32x128xf32, #tpu.memory_space<vmem>>
      %dma_wait3A_598 = tpu.memref_squeeze %dma_wait3A_597 : memref<1x32x128xf32, #tpu.memory_space<vmem>> -> memref<32x128xf32, #tpu.memory_space<vmem>>
      %dma_wait3A_599 = arith.constant 0 : i32
      %dma_wait3A_600 = arith.constant 0 : i32
      %dma_wait3A_601 = tpu.memref_slice %arg4[%dma_wait3A_599, %dma_wait3A_600] : memref<32x1000000xf32, #tpu.memory_space<hbm>> -> memref<32x128xf32, #tpu.memory_space<hbm>>
      tpu.wait_dma2 semaphore(%arg15 : memref<!tpu.dma_semaphore, #tpu.memory_space<semaphore_mem>>) src(%dma_wait3A_601 : memref<32x128xf32, #tpu.memory_space<hbm>>) dst(%dma_wait3A_598 : memref<32x128xf32, #tpu.memory_space<vmem>>)
      %slice3A_602 = vector.extract_strided_slice %and3A_166 {offsets = [1], sizes = [1], strides = [1]} : vector<16xi32> to vector<1xi32>
      %squeeze3A_603 = vector.extract %slice3A_602[0] : i32 from vector<1xi32>
      %multiple_of3A_604 = tpu.assume_multiple %squeeze3A_603, 128 : i32
      %dma_start3A_605 = arith.constant 1 : i32
      %dma_start3A_606 = arith.constant 0 : i32
      %dma_start3A_607 = arith.constant 0 : i32
      %dma_start3A_608 = tpu.memref_slice %arg10[%dma_start3A_605, %dma_start3A_606, %dma_start3A_607] : memref<8x32x128xf32, #tpu.memory_space<vmem>> -> memref<1x32x128xf32, #tpu.memory_space<vmem>>
      %dma_start3A_609 = tpu.memref_squeeze %dma_start3A_608 : memref<1x32x128xf32, #tpu.memory_space<vmem>> -> memref<32x128xf32, #tpu.memory_space<vmem>>
      %dma_start3A_610 = arith.constant 0 : i32
      %dma_start3A_611 = tpu.memref_slice %arg5[%dma_start3A_610, %multiple_of3A_604] : memref<32x1000000xf32, #tpu.memory_space<hbm>> -> memref<32x128xf32, #tpu.memory_space<hbm>>
      %dma_start3A_612 = arith.constant 0 : i32
      %dma_start3A_613 = arith.constant 0 : i32
      %dma_start3A_614 = tpu.memref_slice %arg10[%dma_start3A_605, %dma_start3A_612, %dma_start3A_613] : memref<8x32x128xf32, #tpu.memory_space<vmem>> -> memref<1x32x128xf32, #tpu.memory_space<vmem>>
      %dma_start3A_615 = tpu.memref_squeeze %dma_start3A_614 : memref<1x32x128xf32, #tpu.memory_space<vmem>> -> memref<32x128xf32, #tpu.memory_space<vmem>>
      %dma_start3A_616 = arith.constant 0 : i32
      %dma_start3A_617 = tpu.memref_slice %arg5[%dma_start3A_616, %multiple_of3A_604] : memref<32x1000000xf32, #tpu.memory_space<hbm>> -> memref<32x128xf32, #tpu.memory_space<hbm>>
      tpu.enqueue_dma source(%dma_start3A_617 : memref<32x128xf32, #tpu.memory_space<hbm>>) target(%dma_start3A_615 : memref<32x128xf32, #tpu.memory_space<vmem>>) target_semaphore(%arg15 : memref<!tpu.dma_semaphore, #tpu.memory_space<semaphore_mem>>)
      %broadcast_in_dim3A_618 = arith.constant 1 : i32
      %broadcast_in_dim3A_619 = vector.broadcast %broadcast_in_dim3A_618 : i32 to vector<16xi32>
      %slice3A_620 = vector.extract_strided_slice %and3A_171 {offsets = [9], sizes = [1], strides = [1]} : vector<16xi32> to vector<1xi32>
      %squeeze3A_621 = vector.extract %slice3A_620[0] : i32 from vector<1xi32>
      %broadcast_in_dim3A_622 = vector.broadcast %squeeze3A_621 : i32 to vector<16xi32>
      %gather3A_623 = tpu.vector_load_idx %arg10[%broadcast_in_dim3A_619, %iota3A, %broadcast_in_dim3A_622] : memref<8x32x128xf32, #tpu.memory_space<vmem>>[vector<16xi32>, vector<16xi32>, vector<16xi32>], vector<16xf32>,
      %gather3A_624 = tpu.vector_load_idx %arg10[%broadcast_in_dim3A_619, %add3A_5, %broadcast_in_dim3A_622] : memref<8x32x128xf32, #tpu.memory_space<vmem>>[vector<16xi32>, vector<16xi32>, vector<16xi32>], vector<16xf32>,
      %swap3A_625 = arith.constant 9 : i32
      %swap3A_626 = arith.index_cast %swap3A_625 : i32 to index
      %swap3A_627 = arith.constant 0 : index
      %swap3A_628 = tpu.vector_load %arg11[%swap3A_626, %swap3A_627] {strides = array<i32>} : memref<16x32xf32, #tpu.memory_space<vmem>>, vector<16xf32>,
      tpu.vector_store %arg11[%swap3A_626, %swap3A_627], %gather3A_623 {strides = array<i32>} : memref<16x32xf32, #tpu.memory_space<vmem>>, vector<16xf32>,
      %swap3A_629 = arith.constant 9 : i32
      %swap3A_630 = arith.index_cast %swap3A_629 : i32 to index
      %swap3A_631 = arith.constant 16 : index
      %swap3A_632 = tpu.vector_load %arg11[%swap3A_630, %swap3A_631] {strides = array<i32>} : memref<16x32xf32, #tpu.memory_space<vmem>>, vector<16xf32>,
      tpu.vector_store %arg11[%swap3A_630, %swap3A_631], %gather3A_624 {strides = array<i32>} : memref<16x32xf32, #tpu.memory_space<vmem>>, vector<16xf32>,
      %dma_wait3A_633 = arith.constant 2 : i32
      %dma_wait3A_634 = arith.constant 0 : i32
      %dma_wait3A_635 = arith.constant 0 : i32
      %dma_wait3A_636 = tpu.memref_slice %arg10[%dma_wait3A_633, %dma_wait3A_634, %dma_wait3A_635] : memref<8x32x128xf32, #tpu.memory_space<vmem>> -> memref<1x32x128xf32, #tpu.memory_space<vmem>>
      %dma_wait3A_637 = tpu.memref_squeeze %dma_wait3A_636 : memref<1x32x128xf32, #tpu.memory_space<vmem>> -> memref<32x128xf32, #tpu.memory_space<vmem>>
      %dma_wait3A_638 = arith.constant 0 : i32
      %dma_wait3A_639 = arith.constant 0 : i32
      %dma_wait3A_640 = tpu.memref_slice %arg4[%dma_wait3A_638, %dma_wait3A_639] : memref<32x1000000xf32, #tpu.memory_space<hbm>> -> memref<32x128xf32, #tpu.memory_space<hbm>>
      %dma_wait3A_641 = arith.constant 0 : i32
      %dma_wait3A_642 = arith.constant 0 : i32
      %dma_wait3A_643 = tpu.memref_slice %arg10[%dma_wait3A_633, %dma_wait3A_641, %dma_wait3A_642] : memref<8x32x128xf32, #tpu.memory_space<vmem>> -> memref<1x32x128xf32, #tpu.memory_space<vmem>>
      %dma_wait3A_644 = tpu.memref_squeeze %dma_wait3A_643 : memref<1x32x128xf32, #tpu.memory_space<vmem>> -> memref<32x128xf32, #tpu.memory_space<vmem>>
      %dma_wait3A_645 = arith.constant 0 : i32
      %dma_wait3A_646 = arith.constant 0 : i32
      %dma_wait3A_647 = tpu.memref_slice %arg4[%dma_wait3A_645, %dma_wait3A_646] : memref<32x1000000xf32, #tpu.memory_space<hbm>> -> memref<32x128xf32, #tpu.memory_space<hbm>>
      tpu.wait_dma2 semaphore(%arg15 : memref<!tpu.dma_semaphore, #tpu.memory_space<semaphore_mem>>) src(%dma_wait3A_647 : memref<32x128xf32, #tpu.memory_space<hbm>>) dst(%dma_wait3A_644 : memref<32x128xf32, #tpu.memory_space<vmem>>)
      %slice3A_648 = vector.extract_strided_slice %and3A_166 {offsets = [2], sizes = [1], strides = [1]} : vector<16xi32> to vector<1xi32>
      %squeeze3A_649 = vector.extract %slice3A_648[0] : i32 from vector<1xi32>
      %multiple_of3A_650 = tpu.assume_multiple %squeeze3A_649, 128 : i32
      %dma_start3A_651 = arith.constant 2 : i32
      %dma_start3A_652 = arith.constant 0 : i32
      %dma_start3A_653 = arith.constant 0 : i32
      %dma_start3A_654 = tpu.memref_slice %arg10[%dma_start3A_651, %dma_start3A_652, %dma_start3A_653] : memref<8x32x128xf32, #tpu.memory_space<vmem>> -> memref<1x32x128xf32, #tpu.memory_space<vmem>>
      %dma_start3A_655 = tpu.memref_squeeze %dma_start3A_654 : memref<1x32x128xf32, #tpu.memory_space<vmem>> -> memref<32x128xf32, #tpu.memory_space<vmem>>
      %dma_start3A_656 = arith.constant 0 : i32
      %dma_start3A_657 = tpu.memref_slice %arg5[%dma_start3A_656, %multiple_of3A_650] : memref<32x1000000xf32, #tpu.memory_space<hbm>> -> memref<32x128xf32, #tpu.memory_space<hbm>>
      %dma_start3A_658 = arith.constant 0 : i32
      %dma_start3A_659 = arith.constant 0 : i32
      %dma_start3A_660 = tpu.memref_slice %arg10[%dma_start3A_651, %dma_start3A_658, %dma_start3A_659] : memref<8x32x128xf32, #tpu.memory_space<vmem>> -> memref<1x32x128xf32, #tpu.memory_space<vmem>>
      %dma_start3A_661 = tpu.memref_squeeze %dma_start3A_660 : memref<1x32x128xf32, #tpu.memory_space<vmem>> -> memref<32x128xf32, #tpu.memory_space<vmem>>
      %dma_start3A_662 = arith.constant 0 : i32
      %dma_start3A_663 = tpu.memref_slice %arg5[%dma_start3A_662, %multiple_of3A_650] : memref<32x1000000xf32, #tpu.memory_space<hbm>> -> memref<32x128xf32, #tpu.memory_space<hbm>>
      tpu.enqueue_dma source(%dma_start3A_663 : memref<32x128xf32, #tpu.memory_space<hbm>>) target(%dma_start3A_661 : memref<32x128xf32, #tpu.memory_space<vmem>>) target_semaphore(%arg15 : memref<!tpu.dma_semaphore, #tpu.memory_space<semaphore_mem>>)
      %broadcast_in_dim3A_664 = arith.constant 2 : i32
      %broadcast_in_dim3A_665 = vector.broadcast %broadcast_in_dim3A_664 : i32 to vector<16xi32>
      %slice3A_666 = vector.extract_strided_slice %and3A_171 {offsets = [10], sizes = [1], strides = [1]} : vector<16xi32> to vector<1xi32>
      %squeeze3A_667 = vector.extract %slice3A_666[0] : i32 from vector<1xi32>
      %broadcast_in_dim3A_668 = vector.broadcast %squeeze3A_667 : i32 to vector<16xi32>
      %gather3A_669 = tpu.vector_load_idx %arg10[%broadcast_in_dim3A_665, %iota3A, %broadcast_in_dim3A_668] : memref<8x32x128xf32, #tpu.memory_space<vmem>>[vector<16xi32>, vector<16xi32>, vector<16xi32>], vector<16xf32>,
      %gather3A_670 = tpu.vector_load_idx %arg10[%broadcast_in_dim3A_665, %add3A_5, %broadcast_in_dim3A_668] : memref<8x32x128xf32, #tpu.memory_space<vmem>>[vector<16xi32>, vector<16xi32>, vector<16xi32>], vector<16xf32>,
      %swap3A_671 = arith.constant 10 : i32
      %swap3A_672 = arith.index_cast %swap3A_671 : i32 to index
      %swap3A_673 = arith.constant 0 : index
      %swap3A_674 = tpu.vector_load %arg11[%swap3A_672, %swap3A_673] {strides = array<i32>} : memref<16x32xf32, #tpu.memory_space<vmem>>, vector<16xf32>,
      tpu.vector_store %arg11[%swap3A_672, %swap3A_673], %gather3A_669 {strides = array<i32>} : memref<16x32xf32, #tpu.memory_space<vmem>>, vector<16xf32>,
      %swap3A_675 = arith.constant 10 : i32
      %swap3A_676 = arith.index_cast %swap3A_675 : i32 to index
      %swap3A_677 = arith.constant 16 : index
      %swap3A_678 = tpu.vector_load %arg11[%swap3A_676, %swap3A_677] {strides = array<i32>} : memref<16x32xf32, #tpu.memory_space<vmem>>, vector<16xf32>,
      tpu.vector_store %arg11[%swap3A_676, %swap3A_677], %gather3A_670 {strides = array<i32>} : memref<16x32xf32, #tpu.memory_space<vmem>>, vector<16xf32>,
      %dma_wait3A_679 = arith.constant 3 : i32
      %dma_wait3A_680 = arith.constant 0 : i32
      %dma_wait3A_681 = arith.constant 0 : i32
      %dma_wait3A_682 = tpu.memref_slice %arg10[%dma_wait3A_679, %dma_wait3A_680, %dma_wait3A_681] : memref<8x32x128xf32, #tpu.memory_space<vmem>> -> memref<1x32x128xf32, #tpu.memory_space<vmem>>
      %dma_wait3A_683 = tpu.memref_squeeze %dma_wait3A_682 : memref<1x32x128xf32, #tpu.memory_space<vmem>> -> memref<32x128xf32, #tpu.memory_space<vmem>>
      %dma_wait3A_684 = arith.constant 0 : i32
      %dma_wait3A_685 = arith.constant 0 : i32
      %dma_wait3A_686 = tpu.memref_slice %arg4[%dma_wait3A_684, %dma_wait3A_685] : memref<32x1000000xf32, #tpu.memory_space<hbm>> -> memref<32x128xf32, #tpu.memory_space<hbm>>
      %dma_wait3A_687 = arith.constant 0 : i32
      %dma_wait3A_688 = arith.constant 0 : i32
      %dma_wait3A_689 = tpu.memref_slice %arg10[%dma_wait3A_679, %dma_wait3A_687, %dma_wait3A_688] : memref<8x32x128xf32, #tpu.memory_space<vmem>> -> memref<1x32x128xf32, #tpu.memory_space<vmem>>
      %dma_wait3A_690 = tpu.memref_squeeze %dma_wait3A_689 : memref<1x32x128xf32, #tpu.memory_space<vmem>> -> memref<32x128xf32, #tpu.memory_space<vmem>>
      %dma_wait3A_691 = arith.constant 0 : i32
      %dma_wait3A_692 = arith.constant 0 : i32
      %dma_wait3A_693 = tpu.memref_slice %arg4[%dma_wait3A_691, %dma_wait3A_692] : memref<32x1000000xf32, #tpu.memory_space<hbm>> -> memref<32x128xf32, #tpu.memory_space<hbm>>
      tpu.wait_dma2 semaphore(%arg15 : memref<!tpu.dma_semaphore, #tpu.memory_space<semaphore_mem>>) src(%dma_wait3A_693 : memref<32x128xf32, #tpu.memory_space<hbm>>) dst(%dma_wait3A_690 : memref<32x128xf32, #tpu.memory_space<vmem>>)
      %slice3A_694 = vector.extract_strided_slice %and3A_166 {offsets = [3], sizes = [1], strides = [1]} : vector<16xi32> to vector<1xi32>
      %squeeze3A_695 = vector.extract %slice3A_694[0] : i32 from vector<1xi32>
      %multiple_of3A_696 = tpu.assume_multiple %squeeze3A_695, 128 : i32
      %dma_start3A_697 = arith.constant 3 : i32
      %dma_start3A_698 = arith.constant 0 : i32
      %dma_start3A_699 = arith.constant 0 : i32
      %dma_start3A_700 = tpu.memref_slice %arg10[%dma_start3A_697, %dma_start3A_698, %dma_start3A_699] : memref<8x32x128xf32, #tpu.memory_space<vmem>> -> memref<1x32x128xf32, #tpu.memory_space<vmem>>
      %dma_start3A_701 = tpu.memref_squeeze %dma_start3A_700 : memref<1x32x128xf32, #tpu.memory_space<vmem>> -> memref<32x128xf32, #tpu.memory_space<vmem>>
      %dma_start3A_702 = arith.constant 0 : i32
      %dma_start3A_703 = tpu.memref_slice %arg5[%dma_start3A_702, %multiple_of3A_696] : memref<32x1000000xf32, #tpu.memory_space<hbm>> -> memref<32x128xf32, #tpu.memory_space<hbm>>
      %dma_start3A_704 = arith.constant 0 : i32
      %dma_start3A_705 = arith.constant 0 : i32
      %dma_start3A_706 = tpu.memref_slice %arg10[%dma_start3A_697, %dma_start3A_704, %dma_start3A_705] : memref<8x32x128xf32, #tpu.memory_space<vmem>> -> memref<1x32x128xf32, #tpu.memory_space<vmem>>
      %dma_start3A_707 = tpu.memref_squeeze %dma_start3A_706 : memref<1x32x128xf32, #tpu.memory_space<vmem>> -> memref<32x128xf32, #tpu.memory_space<vmem>>
      %dma_start3A_708 = arith.constant 0 : i32
      %dma_start3A_709 = tpu.memref_slice %arg5[%dma_start3A_708, %multiple_of3A_696] : memref<32x1000000xf32, #tpu.memory_space<hbm>> -> memref<32x128xf32, #tpu.memory_space<hbm>>
      tpu.enqueue_dma source(%dma_start3A_709 : memref<32x128xf32, #tpu.memory_space<hbm>>) target(%dma_start3A_707 : memref<32x128xf32, #tpu.memory_space<vmem>>) target_semaphore(%arg15 : memref<!tpu.dma_semaphore, #tpu.memory_space<semaphore_mem>>)
      %broadcast_in_dim3A_710 = arith.constant 3 : i32
      %broadcast_in_dim3A_711 = vector.broadcast %broadcast_in_dim3A_710 : i32 to vector<16xi32>
      %slice3A_712 = vector.extract_strided_slice %and3A_171 {offsets = [11], sizes = [1], strides = [1]} : vector<16xi32> to vector<1xi32>
      %squeeze3A_713 = vector.extract %slice3A_712[0] : i32 from vector<1xi32>
      %broadcast_in_dim3A_714 = vector.broadcast %squeeze3A_713 : i32 to vector<16xi32>
      %gather3A_715 = tpu.vector_load_idx %arg10[%broadcast_in_dim3A_711, %iota3A, %broadcast_in_dim3A_714] : memref<8x32x128xf32, #tpu.memory_space<vmem>>[vector<16xi32>, vector<16xi32>, vector<16xi32>], vector<16xf32>,
      %gather3A_716 = tpu.vector_load_idx %arg10[%broadcast_in_dim3A_711, %add3A_5, %broadcast_in_dim3A_714] : memref<8x32x128xf32, #tpu.memory_space<vmem>>[vector<16xi32>, vector<16xi32>, vector<16xi32>], vector<16xf32>,
      %swap3A_717 = arith.constant 11 : i32
      %swap3A_718 = arith.index_cast %swap3A_717 : i32 to index
      %swap3A_719 = arith.constant 0 : index
      %swap3A_720 = tpu.vector_load %arg11[%swap3A_718, %swap3A_719] {strides = array<i32>} : memref<16x32xf32, #tpu.memory_space<vmem>>, vector<16xf32>,
      tpu.vector_store %arg11[%swap3A_718, %swap3A_719], %gather3A_715 {strides = array<i32>} : memref<16x32xf32, #tpu.memory_space<vmem>>, vector<16xf32>,
      %swap3A_721 = arith.constant 11 : i32
      %swap3A_722 = arith.index_cast %swap3A_721 : i32 to index
      %swap3A_723 = arith.constant 16 : index
      %swap3A_724 = tpu.vector_load %arg11[%swap3A_722, %swap3A_723] {strides = array<i32>} : memref<16x32xf32, #tpu.memory_space<vmem>>, vector<16xf32>,
      tpu.vector_store %arg11[%swap3A_722, %swap3A_723], %gather3A_716 {strides = array<i32>} : memref<16x32xf32, #tpu.memory_space<vmem>>, vector<16xf32>,
      %dma_wait3A_725 = arith.constant 4 : i32
      %dma_wait3A_726 = arith.constant 0 : i32
      %dma_wait3A_727 = arith.constant 0 : i32
      %dma_wait3A_728 = tpu.memref_slice %arg10[%dma_wait3A_725, %dma_wait3A_726, %dma_wait3A_727] : memref<8x32x128xf32, #tpu.memory_space<vmem>> -> memref<1x32x128xf32, #tpu.memory_space<vmem>>
      %dma_wait3A_729 = tpu.memref_squeeze %dma_wait3A_728 : memref<1x32x128xf32, #tpu.memory_space<vmem>> -> memref<32x128xf32, #tpu.memory_space<vmem>>
      %dma_wait3A_730 = arith.constant 0 : i32
      %dma_wait3A_731 = arith.constant 0 : i32
      %dma_wait3A_732 = tpu.memref_slice %arg4[%dma_wait3A_730, %dma_wait3A_731] : memref<32x1000000xf32, #tpu.memory_space<hbm>> -> memref<32x128xf32, #tpu.memory_space<hbm>>
      %dma_wait3A_733 = arith.constant 0 : i32
      %dma_wait3A_734 = arith.constant 0 : i32
      %dma_wait3A_735 = tpu.memref_slice %arg10[%dma_wait3A_725, %dma_wait3A_733, %dma_wait3A_734] : memref<8x32x128xf32, #tpu.memory_space<vmem>> -> memref<1x32x128xf32, #tpu.memory_space<vmem>>
      %dma_wait3A_736 = tpu.memref_squeeze %dma_wait3A_735 : memref<1x32x128xf32, #tpu.memory_space<vmem>> -> memref<32x128xf32, #tpu.memory_space<vmem>>
      %dma_wait3A_737 = arith.constant 0 : i32
      %dma_wait3A_738 = arith.constant 0 : i32
      %dma_wait3A_739 = tpu.memref_slice %arg4[%dma_wait3A_737, %dma_wait3A_738] : memref<32x1000000xf32, #tpu.memory_space<hbm>> -> memref<32x128xf32, #tpu.memory_space<hbm>>
      tpu.wait_dma2 semaphore(%arg15 : memref<!tpu.dma_semaphore, #tpu.memory_space<semaphore_mem>>) src(%dma_wait3A_739 : memref<32x128xf32, #tpu.memory_space<hbm>>) dst(%dma_wait3A_736 : memref<32x128xf32, #tpu.memory_space<vmem>>)
      %slice3A_740 = vector.extract_strided_slice %and3A_166 {offsets = [4], sizes = [1], strides = [1]} : vector<16xi32> to vector<1xi32>
      %squeeze3A_741 = vector.extract %slice3A_740[0] : i32 from vector<1xi32>
      %multiple_of3A_742 = tpu.assume_multiple %squeeze3A_741, 128 : i32
      %dma_start3A_743 = arith.constant 4 : i32
      %dma_start3A_744 = arith.constant 0 : i32
      %dma_start3A_745 = arith.constant 0 : i32
      %dma_start3A_746 = tpu.memref_slice %arg10[%dma_start3A_743, %dma_start3A_744, %dma_start3A_745] : memref<8x32x128xf32, #tpu.memory_space<vmem>> -> memref<1x32x128xf32, #tpu.memory_space<vmem>>
      %dma_start3A_747 = tpu.memref_squeeze %dma_start3A_746 : memref<1x32x128xf32, #tpu.memory_space<vmem>> -> memref<32x128xf32, #tpu.memory_space<vmem>>
      %dma_start3A_748 = arith.constant 0 : i32
      %dma_start3A_749 = tpu.memref_slice %arg5[%dma_start3A_748, %multiple_of3A_742] : memref<32x1000000xf32, #tpu.memory_space<hbm>> -> memref<32x128xf32, #tpu.memory_space<hbm>>
      %dma_start3A_750 = arith.constant 0 : i32
      %dma_start3A_751 = arith.constant 0 : i32
      %dma_start3A_752 = tpu.memref_slice %arg10[%dma_start3A_743, %dma_start3A_750, %dma_start3A_751] : memref<8x32x128xf32, #tpu.memory_space<vmem>> -> memref<1x32x128xf32, #tpu.memory_space<vmem>>
      %dma_start3A_753 = tpu.memref_squeeze %dma_start3A_752 : memref<1x32x128xf32, #tpu.memory_space<vmem>> -> memref<32x128xf32, #tpu.memory_space<vmem>>
      %dma_start3A_754 = arith.constant 0 : i32
      %dma_start3A_755 = tpu.memref_slice %arg5[%dma_start3A_754, %multiple_of3A_742] : memref<32x1000000xf32, #tpu.memory_space<hbm>> -> memref<32x128xf32, #tpu.memory_space<hbm>>
      tpu.enqueue_dma source(%dma_start3A_755 : memref<32x128xf32, #tpu.memory_space<hbm>>) target(%dma_start3A_753 : memref<32x128xf32, #tpu.memory_space<vmem>>) target_semaphore(%arg15 : memref<!tpu.dma_semaphore, #tpu.memory_space<semaphore_mem>>)
      %broadcast_in_dim3A_756 = arith.constant 4 : i32
      %broadcast_in_dim3A_757 = vector.broadcast %broadcast_in_dim3A_756 : i32 to vector<16xi32>
      %slice3A_758 = vector.extract_strided_slice %and3A_171 {offsets = [12], sizes = [1], strides = [1]} : vector<16xi32> to vector<1xi32>
      %squeeze3A_759 = vector.extract %slice3A_758[0] : i32 from vector<1xi32>
      %broadcast_in_dim3A_760 = vector.broadcast %squeeze3A_759 : i32 to vector<16xi32>
      %gather3A_761 = tpu.vector_load_idx %arg10[%broadcast_in_dim3A_757, %iota3A, %broadcast_in_dim3A_760] : memref<8x32x128xf32, #tpu.memory_space<vmem>>[vector<16xi32>, vector<16xi32>, vector<16xi32>], vector<16xf32>,
      %gather3A_762 = tpu.vector_load_idx %arg10[%broadcast_in_dim3A_757, %add3A_5, %broadcast_in_dim3A_760] : memref<8x32x128xf32, #tpu.memory_space<vmem>>[vector<16xi32>, vector<16xi32>, vector<16xi32>], vector<16xf32>,
      %swap3A_763 = arith.constant 12 : i32
      %swap3A_764 = arith.index_cast %swap3A_763 : i32 to index
      %swap3A_765 = arith.constant 0 : index
      %swap3A_766 = tpu.vector_load %arg11[%swap3A_764, %swap3A_765] {strides = array<i32>} : memref<16x32xf32, #tpu.memory_space<vmem>>, vector<16xf32>,
      tpu.vector_store %arg11[%swap3A_764, %swap3A_765], %gather3A_761 {strides = array<i32>} : memref<16x32xf32, #tpu.memory_space<vmem>>, vector<16xf32>,
      %swap3A_767 = arith.constant 12 : i32
      %swap3A_768 = arith.index_cast %swap3A_767 : i32 to index
      %swap3A_769 = arith.constant 16 : index
      %swap3A_770 = tpu.vector_load %arg11[%swap3A_768, %swap3A_769] {strides = array<i32>} : memref<16x32xf32, #tpu.memory_space<vmem>>, vector<16xf32>,
      tpu.vector_store %arg11[%swap3A_768, %swap3A_769], %gather3A_762 {strides = array<i32>} : memref<16x32xf32, #tpu.memory_space<vmem>>, vector<16xf32>,
      %dma_wait3A_771 = arith.constant 5 : i32
      %dma_wait3A_772 = arith.constant 0 : i32
      %dma_wait3A_773 = arith.constant 0 : i32
      %dma_wait3A_774 = tpu.memref_slice %arg10[%dma_wait3A_771, %dma_wait3A_772, %dma_wait3A_773] : memref<8x32x128xf32, #tpu.memory_space<vmem>> -> memref<1x32x128xf32, #tpu.memory_space<vmem>>
      %dma_wait3A_775 = tpu.memref_squeeze %dma_wait3A_774 : memref<1x32x128xf32, #tpu.memory_space<vmem>> -> memref<32x128xf32, #tpu.memory_space<vmem>>
      %dma_wait3A_776 = arith.constant 0 : i32
      %dma_wait3A_777 = arith.constant 0 : i32
      %dma_wait3A_778 = tpu.memref_slice %arg4[%dma_wait3A_776, %dma_wait3A_777] : memref<32x1000000xf32, #tpu.memory_space<hbm>> -> memref<32x128xf32, #tpu.memory_space<hbm>>
      %dma_wait3A_779 = arith.constant 0 : i32
      %dma_wait3A_780 = arith.constant 0 : i32
      %dma_wait3A_781 = tpu.memref_slice %arg10[%dma_wait3A_771, %dma_wait3A_779, %dma_wait3A_780] : memref<8x32x128xf32, #tpu.memory_space<vmem>> -> memref<1x32x128xf32, #tpu.memory_space<vmem>>
      %dma_wait3A_782 = tpu.memref_squeeze %dma_wait3A_781 : memref<1x32x128xf32, #tpu.memory_space<vmem>> -> memref<32x128xf32, #tpu.memory_space<vmem>>
      %dma_wait3A_783 = arith.constant 0 : i32
      %dma_wait3A_784 = arith.constant 0 : i32
      %dma_wait3A_785 = tpu.memref_slice %arg4[%dma_wait3A_783, %dma_wait3A_784] : memref<32x1000000xf32, #tpu.memory_space<hbm>> -> memref<32x128xf32, #tpu.memory_space<hbm>>
      tpu.wait_dma2 semaphore(%arg15 : memref<!tpu.dma_semaphore, #tpu.memory_space<semaphore_mem>>) src(%dma_wait3A_785 : memref<32x128xf32, #tpu.memory_space<hbm>>) dst(%dma_wait3A_782 : memref<32x128xf32, #tpu.memory_space<vmem>>)
      %slice3A_786 = vector.extract_strided_slice %and3A_166 {offsets = [5], sizes = [1], strides = [1]} : vector<16xi32> to vector<1xi32>
      %squeeze3A_787 = vector.extract %slice3A_786[0] : i32 from vector<1xi32>
      %multiple_of3A_788 = tpu.assume_multiple %squeeze3A_787, 128 : i32
      %dma_start3A_789 = arith.constant 5 : i32
      %dma_start3A_790 = arith.constant 0 : i32
      %dma_start3A_791 = arith.constant 0 : i32
      %dma_start3A_792 = tpu.memref_slice %arg10[%dma_start3A_789, %dma_start3A_790, %dma_start3A_791] : memref<8x32x128xf32, #tpu.memory_space<vmem>> -> memref<1x32x128xf32, #tpu.memory_space<vmem>>
      %dma_start3A_793 = tpu.memref_squeeze %dma_start3A_792 : memref<1x32x128xf32, #tpu.memory_space<vmem>> -> memref<32x128xf32, #tpu.memory_space<vmem>>
      %dma_start3A_794 = arith.constant 0 : i32
      %dma_start3A_795 = tpu.memref_slice %arg5[%dma_start3A_794, %multiple_of3A_788] : memref<32x1000000xf32, #tpu.memory_space<hbm>> -> memref<32x128xf32, #tpu.memory_space<hbm>>
      %dma_start3A_796 = arith.constant 0 : i32
      %dma_start3A_797 = arith.constant 0 : i32
      %dma_start3A_798 = tpu.memref_slice %arg10[%dma_start3A_789, %dma_start3A_796, %dma_start3A_797] : memref<8x32x128xf32, #tpu.memory_space<vmem>> -> memref<1x32x128xf32, #tpu.memory_space<vmem>>
      %dma_start3A_799 = tpu.memref_squeeze %dma_start3A_798 : memref<1x32x128xf32, #tpu.memory_space<vmem>> -> memref<32x128xf32, #tpu.memory_space<vmem>>
      %dma_start3A_800 = arith.constant 0 : i32
      %dma_start3A_801 = tpu.memref_slice %arg5[%dma_start3A_800, %multiple_of3A_788] : memref<32x1000000xf32, #tpu.memory_space<hbm>> -> memref<32x128xf32, #tpu.memory_space<hbm>>
      tpu.enqueue_dma source(%dma_start3A_801 : memref<32x128xf32, #tpu.memory_space<hbm>>) target(%dma_start3A_799 : memref<32x128xf32, #tpu.memory_space<vmem>>) target_semaphore(%arg15 : memref<!tpu.dma_semaphore, #tpu.memory_space<semaphore_mem>>)
      %broadcast_in_dim3A_802 = arith.constant 5 : i32
      %broadcast_in_dim3A_803 = vector.broadcast %broadcast_in_dim3A_802 : i32 to vector<16xi32>
      %slice3A_804 = vector.extract_strided_slice %and3A_171 {offsets = [13], sizes = [1], strides = [1]} : vector<16xi32> to vector<1xi32>
      %squeeze3A_805 = vector.extract %slice3A_804[0] : i32 from vector<1xi32>
      %broadcast_in_dim3A_806 = vector.broadcast %squeeze3A_805 : i32 to vector<16xi32>
      %gather3A_807 = tpu.vector_load_idx %arg10[%broadcast_in_dim3A_803, %iota3A, %broadcast_in_dim3A_806] : memref<8x32x128xf32, #tpu.memory_space<vmem>>[vector<16xi32>, vector<16xi32>, vector<16xi32>], vector<16xf32>,
      %gather3A_808 = tpu.vector_load_idx %arg10[%broadcast_in_dim3A_803, %add3A_5, %broadcast_in_dim3A_806] : memref<8x32x128xf32, #tpu.memory_space<vmem>>[vector<16xi32>, vector<16xi32>, vector<16xi32>], vector<16xf32>,
      %swap3A_809 = arith.constant 13 : i32
      %swap3A_810 = arith.index_cast %swap3A_809 : i32 to index
      %swap3A_811 = arith.constant 0 : index
      %swap3A_812 = tpu.vector_load %arg11[%swap3A_810, %swap3A_811] {strides = array<i32>} : memref<16x32xf32, #tpu.memory_space<vmem>>, vector<16xf32>,
      tpu.vector_store %arg11[%swap3A_810, %swap3A_811], %gather3A_807 {strides = array<i32>} : memref<16x32xf32, #tpu.memory_space<vmem>>, vector<16xf32>,
      %swap3A_813 = arith.constant 13 : i32
      %swap3A_814 = arith.index_cast %swap3A_813 : i32 to index
      %swap3A_815 = arith.constant 16 : index
      %swap3A_816 = tpu.vector_load %arg11[%swap3A_814, %swap3A_815] {strides = array<i32>} : memref<16x32xf32, #tpu.memory_space<vmem>>, vector<16xf32>,
      tpu.vector_store %arg11[%swap3A_814, %swap3A_815], %gather3A_808 {strides = array<i32>} : memref<16x32xf32, #tpu.memory_space<vmem>>, vector<16xf32>,
      %dma_wait3A_817 = arith.constant 6 : i32
      %dma_wait3A_818 = arith.constant 0 : i32
      %dma_wait3A_819 = arith.constant 0 : i32
      %dma_wait3A_820 = tpu.memref_slice %arg10[%dma_wait3A_817, %dma_wait3A_818, %dma_wait3A_819] : memref<8x32x128xf32, #tpu.memory_space<vmem>> -> memref<1x32x128xf32, #tpu.memory_space<vmem>>
      %dma_wait3A_821 = tpu.memref_squeeze %dma_wait3A_820 : memref<1x32x128xf32, #tpu.memory_space<vmem>> -> memref<32x128xf32, #tpu.memory_space<vmem>>
      %dma_wait3A_822 = arith.constant 0 : i32
      %dma_wait3A_823 = arith.constant 0 : i32
      %dma_wait3A_824 = tpu.memref_slice %arg4[%dma_wait3A_822, %dma_wait3A_823] : memref<32x1000000xf32, #tpu.memory_space<hbm>> -> memref<32x128xf32, #tpu.memory_space<hbm>>
      %dma_wait3A_825 = arith.constant 0 : i32
      %dma_wait3A_826 = arith.constant 0 : i32
      %dma_wait3A_827 = tpu.memref_slice %arg10[%dma_wait3A_817, %dma_wait3A_825, %dma_wait3A_826] : memref<8x32x128xf32, #tpu.memory_space<vmem>> -> memref<1x32x128xf32, #tpu.memory_space<vmem>>
      %dma_wait3A_828 = tpu.memref_squeeze %dma_wait3A_827 : memref<1x32x128xf32, #tpu.memory_space<vmem>> -> memref<32x128xf32, #tpu.memory_space<vmem>>
      %dma_wait3A_829 = arith.constant 0 : i32
      %dma_wait3A_830 = arith.constant 0 : i32
      %dma_wait3A_831 = tpu.memref_slice %arg4[%dma_wait3A_829, %dma_wait3A_830] : memref<32x1000000xf32, #tpu.memory_space<hbm>> -> memref<32x128xf32, #tpu.memory_space<hbm>>
      tpu.wait_dma2 semaphore(%arg15 : memref<!tpu.dma_semaphore, #tpu.memory_space<semaphore_mem>>) src(%dma_wait3A_831 : memref<32x128xf32, #tpu.memory_space<hbm>>) dst(%dma_wait3A_828 : memref<32x128xf32, #tpu.memory_space<vmem>>)
      %slice3A_832 = vector.extract_strided_slice %and3A_166 {offsets = [6], sizes = [1], strides = [1]} : vector<16xi32> to vector<1xi32>
      %squeeze3A_833 = vector.extract %slice3A_832[0] : i32 from vector<1xi32>
      %multiple_of3A_834 = tpu.assume_multiple %squeeze3A_833, 128 : i32
      %dma_start3A_835 = arith.constant 6 : i32
      %dma_start3A_836 = arith.constant 0 : i32
      %dma_start3A_837 = arith.constant 0 : i32
      %dma_start3A_838 = tpu.memref_slice %arg10[%dma_start3A_835, %dma_start3A_836, %dma_start3A_837] : memref<8x32x128xf32, #tpu.memory_space<vmem>> -> memref<1x32x128xf32, #tpu.memory_space<vmem>>
      %dma_start3A_839 = tpu.memref_squeeze %dma_start3A_838 : memref<1x32x128xf32, #tpu.memory_space<vmem>> -> memref<32x128xf32, #tpu.memory_space<vmem>>
      %dma_start3A_840 = arith.constant 0 : i32
      %dma_start3A_841 = tpu.memref_slice %arg5[%dma_start3A_840, %multiple_of3A_834] : memref<32x1000000xf32, #tpu.memory_space<hbm>> -> memref<32x128xf32, #tpu.memory_space<hbm>>
      %dma_start3A_842 = arith.constant 0 : i32
      %dma_start3A_843 = arith.constant 0 : i32
      %dma_start3A_844 = tpu.memref_slice %arg10[%dma_start3A_835, %dma_start3A_842, %dma_start3A_843] : memref<8x32x128xf32, #tpu.memory_space<vmem>> -> memref<1x32x128xf32, #tpu.memory_space<vmem>>
      %dma_start3A_845 = tpu.memref_squeeze %dma_start3A_844 : memref<1x32x128xf32, #tpu.memory_space<vmem>> -> memref<32x128xf32, #tpu.memory_space<vmem>>
      %dma_start3A_846 = arith.constant 0 : i32
      %dma_start3A_847 = tpu.memref_slice %arg5[%dma_start3A_846, %multiple_of3A_834] : memref<32x1000000xf32, #tpu.memory_space<hbm>> -> memref<32x128xf32, #tpu.memory_space<hbm>>
      tpu.enqueue_dma source(%dma_start3A_847 : memref<32x128xf32, #tpu.memory_space<hbm>>) target(%dma_start3A_845 : memref<32x128xf32, #tpu.memory_space<vmem>>) target_semaphore(%arg15 : memref<!tpu.dma_semaphore, #tpu.memory_space<semaphore_mem>>)
      %broadcast_in_dim3A_848 = arith.constant 6 : i32
      %broadcast_in_dim3A_849 = vector.broadcast %broadcast_in_dim3A_848 : i32 to vector<16xi32>
      %slice3A_850 = vector.extract_strided_slice %and3A_171 {offsets = [14], sizes = [1], strides = [1]} : vector<16xi32> to vector<1xi32>
      %squeeze3A_851 = vector.extract %slice3A_850[0] : i32 from vector<1xi32>
      %broadcast_in_dim3A_852 = vector.broadcast %squeeze3A_851 : i32 to vector<16xi32>
      %gather3A_853 = tpu.vector_load_idx %arg10[%broadcast_in_dim3A_849, %iota3A, %broadcast_in_dim3A_852] : memref<8x32x128xf32, #tpu.memory_space<vmem>>[vector<16xi32>, vector<16xi32>, vector<16xi32>], vector<16xf32>,
      %gather3A_854 = tpu.vector_load_idx %arg10[%broadcast_in_dim3A_849, %add3A_5, %broadcast_in_dim3A_852] : memref<8x32x128xf32, #tpu.memory_space<vmem>>[vector<16xi32>, vector<16xi32>, vector<16xi32>], vector<16xf32>,
      %swap3A_855 = arith.constant 14 : i32
      %swap3A_856 = arith.index_cast %swap3A_855 : i32 to index
      %swap3A_857 = arith.constant 0 : index
      %swap3A_858 = tpu.vector_load %arg11[%swap3A_856, %swap3A_857] {strides = array<i32>} : memref<16x32xf32, #tpu.memory_space<vmem>>, vector<16xf32>,
      tpu.vector_store %arg11[%swap3A_856, %swap3A_857], %gather3A_853 {strides = array<i32>} : memref<16x32xf32, #tpu.memory_space<vmem>>, vector<16xf32>,
      %swap3A_859 = arith.constant 14 : i32
      %swap3A_860 = arith.index_cast %swap3A_859 : i32 to index
      %swap3A_861 = arith.constant 16 : index
      %swap3A_862 = tpu.vector_load %arg11[%swap3A_860, %swap3A_861] {strides = array<i32>} : memref<16x32xf32, #tpu.memory_space<vmem>>, vector<16xf32>,
      tpu.vector_store %arg11[%swap3A_860, %swap3A_861], %gather3A_854 {strides = array<i32>} : memref<16x32xf32, #tpu.memory_space<vmem>>, vector<16xf32>,
      %dma_wait3A_863 = arith.constant 7 : i32
      %dma_wait3A_864 = arith.constant 0 : i32
      %dma_wait3A_865 = arith.constant 0 : i32
      %dma_wait3A_866 = tpu.memref_slice %arg10[%dma_wait3A_863, %dma_wait3A_864, %dma_wait3A_865] : memref<8x32x128xf32, #tpu.memory_space<vmem>> -> memref<1x32x128xf32, #tpu.memory_space<vmem>>
      %dma_wait3A_867 = tpu.memref_squeeze %dma_wait3A_866 : memref<1x32x128xf32, #tpu.memory_space<vmem>> -> memref<32x128xf32, #tpu.memory_space<vmem>>
      %dma_wait3A_868 = arith.constant 0 : i32
      %dma_wait3A_869 = arith.constant 0 : i32
      %dma_wait3A_870 = tpu.memref_slice %arg4[%dma_wait3A_868, %dma_wait3A_869] : memref<32x1000000xf32, #tpu.memory_space<hbm>> -> memref<32x128xf32, #tpu.memory_space<hbm>>
      %dma_wait3A_871 = arith.constant 0 : i32
      %dma_wait3A_872 = arith.constant 0 : i32
      %dma_wait3A_873 = tpu.memref_slice %arg10[%dma_wait3A_863, %dma_wait3A_871, %dma_wait3A_872] : memref<8x32x128xf32, #tpu.memory_space<vmem>> -> memref<1x32x128xf32, #tpu.memory_space<vmem>>
      %dma_wait3A_874 = tpu.memref_squeeze %dma_wait3A_873 : memref<1x32x128xf32, #tpu.memory_space<vmem>> -> memref<32x128xf32, #tpu.memory_space<vmem>>
      %dma_wait3A_875 = arith.constant 0 : i32
      %dma_wait3A_876 = arith.constant 0 : i32
      %dma_wait3A_877 = tpu.memref_slice %arg4[%dma_wait3A_875, %dma_wait3A_876] : memref<32x1000000xf32, #tpu.memory_space<hbm>> -> memref<32x128xf32, #tpu.memory_space<hbm>>
      tpu.wait_dma2 semaphore(%arg15 : memref<!tpu.dma_semaphore, #tpu.memory_space<semaphore_mem>>) src(%dma_wait3A_877 : memref<32x128xf32, #tpu.memory_space<hbm>>) dst(%dma_wait3A_874 : memref<32x128xf32, #tpu.memory_space<vmem>>)
      %slice3A_878 = vector.extract_strided_slice %and3A_166 {offsets = [7], sizes = [1], strides = [1]} : vector<16xi32> to vector<1xi32>
      %squeeze3A_879 = vector.extract %slice3A_878[0] : i32 from vector<1xi32>
      %multiple_of3A_880 = tpu.assume_multiple %squeeze3A_879, 128 : i32
      %dma_start3A_881 = arith.constant 7 : i32
      %dma_start3A_882 = arith.constant 0 : i32
      %dma_start3A_883 = arith.constant 0 : i32
      %dma_start3A_884 = tpu.memref_slice %arg10[%dma_start3A_881, %dma_start3A_882, %dma_start3A_883] : memref<8x32x128xf32, #tpu.memory_space<vmem>> -> memref<1x32x128xf32, #tpu.memory_space<vmem>>
      %dma_start3A_885 = tpu.memref_squeeze %dma_start3A_884 : memref<1x32x128xf32, #tpu.memory_space<vmem>> -> memref<32x128xf32, #tpu.memory_space<vmem>>
      %dma_start3A_886 = arith.constant 0 : i32
      %dma_start3A_887 = tpu.memref_slice %arg5[%dma_start3A_886, %multiple_of3A_880] : memref<32x1000000xf32, #tpu.memory_space<hbm>> -> memref<32x128xf32, #tpu.memory_space<hbm>>
      %dma_start3A_888 = arith.constant 0 : i32
      %dma_start3A_889 = arith.constant 0 : i32
      %dma_start3A_890 = tpu.memref_slice %arg10[%dma_start3A_881, %dma_start3A_888, %dma_start3A_889] : memref<8x32x128xf32, #tpu.memory_space<vmem>> -> memref<1x32x128xf32, #tpu.memory_space<vmem>>
      %dma_start3A_891 = tpu.memref_squeeze %dma_start3A_890 : memref<1x32x128xf32, #tpu.memory_space<vmem>> -> memref<32x128xf32, #tpu.memory_space<vmem>>
      %dma_start3A_892 = arith.constant 0 : i32
      %dma_start3A_893 = tpu.memref_slice %arg5[%dma_start3A_892, %multiple_of3A_880] : memref<32x1000000xf32, #tpu.memory_space<hbm>> -> memref<32x128xf32, #tpu.memory_space<hbm>>
      tpu.enqueue_dma source(%dma_start3A_893 : memref<32x128xf32, #tpu.memory_space<hbm>>) target(%dma_start3A_891 : memref<32x128xf32, #tpu.memory_space<vmem>>) target_semaphore(%arg15 : memref<!tpu.dma_semaphore, #tpu.memory_space<semaphore_mem>>)
      %broadcast_in_dim3A_894 = arith.constant 7 : i32
      %broadcast_in_dim3A_895 = vector.broadcast %broadcast_in_dim3A_894 : i32 to vector<16xi32>
      %slice3A_896 = vector.extract_strided_slice %and3A_171 {offsets = [15], sizes = [1], strides = [1]} : vector<16xi32> to vector<1xi32>
      %squeeze3A_897 = vector.extract %slice3A_896[0] : i32 from vector<1xi32>
      %broadcast_in_dim3A_898 = vector.broadcast %squeeze3A_897 : i32 to vector<16xi32>
      %gather3A_899 = tpu.vector_load_idx %arg10[%broadcast_in_dim3A_895, %iota3A, %broadcast_in_dim3A_898] : memref<8x32x128xf32, #tpu.memory_space<vmem>>[vector<16xi32>, vector<16xi32>, vector<16xi32>], vector<16xf32>,
      %gather3A_900 = tpu.vector_load_idx %arg10[%broadcast_in_dim3A_895, %add3A_5, %broadcast_in_dim3A_898] : memref<8x32x128xf32, #tpu.memory_space<vmem>>[vector<16xi32>, vector<16xi32>, vector<16xi32>], vector<16xf32>,
      %swap3A_901 = arith.constant 15 : i32
      %swap3A_902 = arith.index_cast %swap3A_901 : i32 to index
      %swap3A_903 = arith.constant 0 : index
      %swap3A_904 = tpu.vector_load %arg11[%swap3A_902, %swap3A_903] {strides = array<i32>} : memref<16x32xf32, #tpu.memory_space<vmem>>, vector<16xf32>,
      tpu.vector_store %arg11[%swap3A_902, %swap3A_903], %gather3A_899 {strides = array<i32>} : memref<16x32xf32, #tpu.memory_space<vmem>>, vector<16xf32>,
      %swap3A_905 = arith.constant 15 : i32
      %swap3A_906 = arith.index_cast %swap3A_905 : i32 to index
      %swap3A_907 = arith.constant 16 : index
      %swap3A_908 = tpu.vector_load %arg11[%swap3A_906, %swap3A_907] {strides = array<i32>} : memref<16x32xf32, #tpu.memory_space<vmem>>, vector<16xf32>,
      tpu.vector_store %arg11[%swap3A_906, %swap3A_907], %gather3A_900 {strides = array<i32>} : memref<16x32xf32, #tpu.memory_space<vmem>>, vector<16xf32>,
      %dma_wait3A_909 = arith.constant 0 : i32
      %dma_wait3A_910 = arith.constant 0 : i32
      %dma_wait3A_911 = arith.constant 0 : i32
      %dma_wait3A_912 = tpu.memref_slice %arg10[%dma_wait3A_909, %dma_wait3A_910, %dma_wait3A_911] : memref<8x32x128xf32, #tpu.memory_space<vmem>> -> memref<1x32x128xf32, #tpu.memory_space<vmem>>
      %dma_wait3A_913 = tpu.memref_squeeze %dma_wait3A_912 : memref<1x32x128xf32, #tpu.memory_space<vmem>> -> memref<32x128xf32, #tpu.memory_space<vmem>>
      %dma_wait3A_914 = arith.constant 0 : i32
      %dma_wait3A_915 = arith.constant 0 : i32
      %dma_wait3A_916 = tpu.memref_slice %arg4[%dma_wait3A_914, %dma_wait3A_915] : memref<32x1000000xf32, #tpu.memory_space<hbm>> -> memref<32x128xf32, #tpu.memory_space<hbm>>
      %dma_wait3A_917 = arith.constant 0 : i32
      %dma_wait3A_918 = arith.constant 0 : i32
      %dma_wait3A_919 = tpu.memref_slice %arg10[%dma_wait3A_909, %dma_wait3A_917, %dma_wait3A_918] : memref<8x32x128xf32, #tpu.memory_space<vmem>> -> memref<1x32x128xf32, #tpu.memory_space<vmem>>
      %dma_wait3A_920 = tpu.memref_squeeze %dma_wait3A_919 : memref<1x32x128xf32, #tpu.memory_space<vmem>> -> memref<32x128xf32, #tpu.memory_space<vmem>>
      %dma_wait3A_921 = arith.constant 0 : i32
      %dma_wait3A_922 = arith.constant 0 : i32
      %dma_wait3A_923 = tpu.memref_slice %arg4[%dma_wait3A_921, %dma_wait3A_922] : memref<32x1000000xf32, #tpu.memory_space<hbm>> -> memref<32x128xf32, #tpu.memory_space<hbm>>
      tpu.wait_dma2 semaphore(%arg15 : memref<!tpu.dma_semaphore, #tpu.memory_space<semaphore_mem>>) src(%dma_wait3A_923 : memref<32x128xf32, #tpu.memory_space<hbm>>) dst(%dma_wait3A_920 : memref<32x128xf32, #tpu.memory_space<vmem>>)
      %slice3A_924 = vector.extract_strided_slice %and3A_166 {offsets = [8], sizes = [1], strides = [1]} : vector<16xi32> to vector<1xi32>
      %squeeze3A_925 = vector.extract %slice3A_924[0] : i32 from vector<1xi32>
      %multiple_of3A_926 = tpu.assume_multiple %squeeze3A_925, 128 : i32
      %dma_start3A_927 = arith.constant 0 : i32
      %dma_start3A_928 = arith.constant 0 : i32
      %dma_start3A_929 = arith.constant 0 : i32
      %dma_start3A_930 = tpu.memref_slice %arg10[%dma_start3A_927, %dma_start3A_928, %dma_start3A_929] : memref<8x32x128xf32, #tpu.memory_space<vmem>> -> memref<1x32x128xf32, #tpu.memory_space<vmem>>
      %dma_start3A_931 = tpu.memref_squeeze %dma_start3A_930 : memref<1x32x128xf32, #tpu.memory_space<vmem>> -> memref<32x128xf32, #tpu.memory_space<vmem>>
      %dma_start3A_932 = arith.constant 0 : i32
      %dma_start3A_933 = tpu.memref_slice %arg5[%dma_start3A_932, %multiple_of3A_926] : memref<32x1000000xf32, #tpu.memory_space<hbm>> -> memref<32x128xf32, #tpu.memory_space<hbm>>
      %dma_start3A_934 = arith.constant 0 : i32
      %dma_start3A_935 = arith.constant 0 : i32
      %dma_start3A_936 = tpu.memref_slice %arg10[%dma_start3A_927, %dma_start3A_934, %dma_start3A_935] : memref<8x32x128xf32, #tpu.memory_space<vmem>> -> memref<1x32x128xf32, #tpu.memory_space<vmem>>
      %dma_start3A_937 = tpu.memref_squeeze %dma_start3A_936 : memref<1x32x128xf32, #tpu.memory_space<vmem>> -> memref<32x128xf32, #tpu.memory_space<vmem>>
      %dma_start3A_938 = arith.constant 0 : i32
      %dma_start3A_939 = tpu.memref_slice %arg5[%dma_start3A_938, %multiple_of3A_926] : memref<32x1000000xf32, #tpu.memory_space<hbm>> -> memref<32x128xf32, #tpu.memory_space<hbm>>
      tpu.enqueue_dma source(%dma_start3A_939 : memref<32x128xf32, #tpu.memory_space<hbm>>) target(%dma_start3A_937 : memref<32x128xf32, #tpu.memory_space<vmem>>) target_semaphore(%arg15 : memref<!tpu.dma_semaphore, #tpu.memory_space<semaphore_mem>>)
      %broadcast_in_dim3A_940 = arith.constant 0 : i32
      %broadcast_in_dim3A_941 = vector.broadcast %broadcast_in_dim3A_940 : i32 to vector<16xi32>
      %slice3A_942 = vector.extract_strided_slice %and3A_176 {offsets = [0], sizes = [1], strides = [1]} : vector<16xi32> to vector<1xi32>
      %squeeze3A_943 = vector.extract %slice3A_942[0] : i32 from vector<1xi32>
      %broadcast_in_dim3A_944 = vector.broadcast %squeeze3A_943 : i32 to vector<16xi32>
      %gather3A_945 = tpu.vector_load_idx %arg10[%broadcast_in_dim3A_941, %iota3A, %broadcast_in_dim3A_944] : memref<8x32x128xf32, #tpu.memory_space<vmem>>[vector<16xi32>, vector<16xi32>, vector<16xi32>], vector<16xf32>,
      %gather3A_946 = tpu.vector_load_idx %arg10[%broadcast_in_dim3A_941, %add3A_5, %broadcast_in_dim3A_944] : memref<8x32x128xf32, #tpu.memory_space<vmem>>[vector<16xi32>, vector<16xi32>, vector<16xi32>], vector<16xf32>,
      %swap3A_947 = arith.constant 0 : i32
      %swap3A_948 = arith.index_cast %swap3A_947 : i32 to index
      %swap3A_949 = arith.constant 0 : index
      %swap3A_950 = tpu.vector_load %arg12[%swap3A_948, %swap3A_949] {strides = array<i32>} : memref<16x32xf32, #tpu.memory_space<vmem>>, vector<16xf32>,
      tpu.vector_store %arg12[%swap3A_948, %swap3A_949], %gather3A_945 {strides = array<i32>} : memref<16x32xf32, #tpu.memory_space<vmem>>, vector<16xf32>,
      %swap3A_951 = arith.constant 0 : i32
      %swap3A_952 = arith.index_cast %swap3A_951 : i32 to index
      %swap3A_953 = arith.constant 16 : index
      %swap3A_954 = tpu.vector_load %arg12[%swap3A_952, %swap3A_953] {strides = array<i32>} : memref<16x32xf32, #tpu.memory_space<vmem>>, vector<16xf32>,
      tpu.vector_store %arg12[%swap3A_952, %swap3A_953], %gather3A_946 {strides = array<i32>} : memref<16x32xf32, #tpu.memory_space<vmem>>, vector<16xf32>,
      %dma_wait3A_955 = arith.constant 1 : i32
      %dma_wait3A_956 = arith.constant 0 : i32
      %dma_wait3A_957 = arith.constant 0 : i32
      %dma_wait3A_958 = tpu.memref_slice %arg10[%dma_wait3A_955, %dma_wait3A_956, %dma_wait3A_957] : memref<8x32x128xf32, #tpu.memory_space<vmem>> -> memref<1x32x128xf32, #tpu.memory_space<vmem>>
      %dma_wait3A_959 = tpu.memref_squeeze %dma_wait3A_958 : memref<1x32x128xf32, #tpu.memory_space<vmem>> -> memref<32x128xf32, #tpu.memory_space<vmem>>
      %dma_wait3A_960 = arith.constant 0 : i32
      %dma_wait3A_961 = arith.constant 0 : i32
      %dma_wait3A_962 = tpu.memref_slice %arg4[%dma_wait3A_960, %dma_wait3A_961] : memref<32x1000000xf32, #tpu.memory_space<hbm>> -> memref<32x128xf32, #tpu.memory_space<hbm>>
      %dma_wait3A_963 = arith.constant 0 : i32
      %dma_wait3A_964 = arith.constant 0 : i32
      %dma_wait3A_965 = tpu.memref_slice %arg10[%dma_wait3A_955, %dma_wait3A_963, %dma_wait3A_964] : memref<8x32x128xf32, #tpu.memory_space<vmem>> -> memref<1x32x128xf32, #tpu.memory_space<vmem>>
      %dma_wait3A_966 = tpu.memref_squeeze %dma_wait3A_965 : memref<1x32x128xf32, #tpu.memory_space<vmem>> -> memref<32x128xf32, #tpu.memory_space<vmem>>
      %dma_wait3A_967 = arith.constant 0 : i32
      %dma_wait3A_968 = arith.constant 0 : i32
      %dma_wait3A_969 = tpu.memref_slice %arg4[%dma_wait3A_967, %dma_wait3A_968] : memref<32x1000000xf32, #tpu.memory_space<hbm>> -> memref<32x128xf32, #tpu.memory_space<hbm>>
      tpu.wait_dma2 semaphore(%arg15 : memref<!tpu.dma_semaphore, #tpu.memory_space<semaphore_mem>>) src(%dma_wait3A_969 : memref<32x128xf32, #tpu.memory_space<hbm>>) dst(%dma_wait3A_966 : memref<32x128xf32, #tpu.memory_space<vmem>>)
      %slice3A_970 = vector.extract_strided_slice %and3A_166 {offsets = [9], sizes = [1], strides = [1]} : vector<16xi32> to vector<1xi32>
      %squeeze3A_971 = vector.extract %slice3A_970[0] : i32 from vector<1xi32>
      %multiple_of3A_972 = tpu.assume_multiple %squeeze3A_971, 128 : i32
      %dma_start3A_973 = arith.constant 1 : i32
      %dma_start3A_974 = arith.constant 0 : i32
      %dma_start3A_975 = arith.constant 0 : i32
      %dma_start3A_976 = tpu.memref_slice %arg10[%dma_start3A_973, %dma_start3A_974, %dma_start3A_975] : memref<8x32x128xf32, #tpu.memory_space<vmem>> -> memref<1x32x128xf32, #tpu.memory_space<vmem>>
      %dma_start3A_977 = tpu.memref_squeeze %dma_start3A_976 : memref<1x32x128xf32, #tpu.memory_space<vmem>> -> memref<32x128xf32, #tpu.memory_space<vmem>>
      %dma_start3A_978 = arith.constant 0 : i32
      %dma_start3A_979 = tpu.memref_slice %arg5[%dma_start3A_978, %multiple_of3A_972] : memref<32x1000000xf32, #tpu.memory_space<hbm>> -> memref<32x128xf32, #tpu.memory_space<hbm>>
      %dma_start3A_980 = arith.constant 0 : i32
      %dma_start3A_981 = arith.constant 0 : i32
      %dma_start3A_982 = tpu.memref_slice %arg10[%dma_start3A_973, %dma_start3A_980, %dma_start3A_981] : memref<8x32x128xf32, #tpu.memory_space<vmem>> -> memref<1x32x128xf32, #tpu.memory_space<vmem>>
      %dma_start3A_983 = tpu.memref_squeeze %dma_start3A_982 : memref<1x32x128xf32, #tpu.memory_space<vmem>> -> memref<32x128xf32, #tpu.memory_space<vmem>>
      %dma_start3A_984 = arith.constant 0 : i32
      %dma_start3A_985 = tpu.memref_slice %arg5[%dma_start3A_984, %multiple_of3A_972] : memref<32x1000000xf32, #tpu.memory_space<hbm>> -> memref<32x128xf32, #tpu.memory_space<hbm>>
      tpu.enqueue_dma source(%dma_start3A_985 : memref<32x128xf32, #tpu.memory_space<hbm>>) target(%dma_start3A_983 : memref<32x128xf32, #tpu.memory_space<vmem>>) target_semaphore(%arg15 : memref<!tpu.dma_semaphore, #tpu.memory_space<semaphore_mem>>)
      %broadcast_in_dim3A_986 = arith.constant 1 : i32
      %broadcast_in_dim3A_987 = vector.broadcast %broadcast_in_dim3A_986 : i32 to vector<16xi32>
      %slice3A_988 = vector.extract_strided_slice %and3A_176 {offsets = [1], sizes = [1], strides = [1]} : vector<16xi32> to vector<1xi32>
      %squeeze3A_989 = vector.extract %slice3A_988[0] : i32 from vector<1xi32>
      %broadcast_in_dim3A_990 = vector.broadcast %squeeze3A_989 : i32 to vector<16xi32>
      %gather3A_991 = tpu.vector_load_idx %arg10[%broadcast_in_dim3A_987, %iota3A, %broadcast_in_dim3A_990] : memref<8x32x128xf32, #tpu.memory_space<vmem>>[vector<16xi32>, vector<16xi32>, vector<16xi32>], vector<16xf32>,
      %gather3A_992 = tpu.vector_load_idx %arg10[%broadcast_in_dim3A_987, %add3A_5, %broadcast_in_dim3A_990] : memref<8x32x128xf32, #tpu.memory_space<vmem>>[vector<16xi32>, vector<16xi32>, vector<16xi32>], vector<16xf32>,
      %swap3A_993 = arith.constant 1 : i32
      %swap3A_994 = arith.index_cast %swap3A_993 : i32 to index
      %swap3A_995 = arith.constant 0 : index
      %swap3A_996 = tpu.vector_load %arg12[%swap3A_994, %swap3A_995] {strides = array<i32>} : memref<16x32xf32, #tpu.memory_space<vmem>>, vector<16xf32>,
      tpu.vector_store %arg12[%swap3A_994, %swap3A_995], %gather3A_991 {strides = array<i32>} : memref<16x32xf32, #tpu.memory_space<vmem>>, vector<16xf32>,
      %swap3A_997 = arith.constant 1 : i32
      %swap3A_998 = arith.index_cast %swap3A_997 : i32 to index
      %swap3A_999 = arith.constant 16 : index
      %swap3A_1000 = tpu.vector_load %arg12[%swap3A_998, %swap3A_999] {strides = array<i32>} : memref<16x32xf32, #tpu.memory_space<vmem>>, vector<16xf32>,
      tpu.vector_store %arg12[%swap3A_998, %swap3A_999], %gather3A_992 {strides = array<i32>} : memref<16x32xf32, #tpu.memory_space<vmem>>, vector<16xf32>,
      %dma_wait3A_1001 = arith.constant 2 : i32
      %dma_wait3A_1002 = arith.constant 0 : i32
      %dma_wait3A_1003 = arith.constant 0 : i32
      %dma_wait3A_1004 = tpu.memref_slice %arg10[%dma_wait3A_1001, %dma_wait3A_1002, %dma_wait3A_1003] : memref<8x32x128xf32, #tpu.memory_space<vmem>> -> memref<1x32x128xf32, #tpu.memory_space<vmem>>
      %dma_wait3A_1005 = tpu.memref_squeeze %dma_wait3A_1004 : memref<1x32x128xf32, #tpu.memory_space<vmem>> -> memref<32x128xf32, #tpu.memory_space<vmem>>
      %dma_wait3A_1006 = arith.constant 0 : i32
      %dma_wait3A_1007 = arith.constant 0 : i32
      %dma_wait3A_1008 = tpu.memref_slice %arg4[%dma_wait3A_1006, %dma_wait3A_1007] : memref<32x1000000xf32, #tpu.memory_space<hbm>> -> memref<32x128xf32, #tpu.memory_space<hbm>>
      %dma_wait3A_1009 = arith.constant 0 : i32
      %dma_wait3A_1010 = arith.constant 0 : i32
      %dma_wait3A_1011 = tpu.memref_slice %arg10[%dma_wait3A_1001, %dma_wait3A_1009, %dma_wait3A_1010] : memref<8x32x128xf32, #tpu.memory_space<vmem>> -> memref<1x32x128xf32, #tpu.memory_space<vmem>>
      %dma_wait3A_1012 = tpu.memref_squeeze %dma_wait3A_1011 : memref<1x32x128xf32, #tpu.memory_space<vmem>> -> memref<32x128xf32, #tpu.memory_space<vmem>>
      %dma_wait3A_1013 = arith.constant 0 : i32
      %dma_wait3A_1014 = arith.constant 0 : i32
      %dma_wait3A_1015 = tpu.memref_slice %arg4[%dma_wait3A_1013, %dma_wait3A_1014] : memref<32x1000000xf32, #tpu.memory_space<hbm>> -> memref<32x128xf32, #tpu.memory_space<hbm>>
      tpu.wait_dma2 semaphore(%arg15 : memref<!tpu.dma_semaphore, #tpu.memory_space<semaphore_mem>>) src(%dma_wait3A_1015 : memref<32x128xf32, #tpu.memory_space<hbm>>) dst(%dma_wait3A_1012 : memref<32x128xf32, #tpu.memory_space<vmem>>)
      %slice3A_1016 = vector.extract_strided_slice %and3A_166 {offsets = [10], sizes = [1], strides = [1]} : vector<16xi32> to vector<1xi32>
      %squeeze3A_1017 = vector.extract %slice3A_1016[0] : i32 from vector<1xi32>
      %multiple_of3A_1018 = tpu.assume_multiple %squeeze3A_1017, 128 : i32
      %dma_start3A_1019 = arith.constant 2 : i32
      %dma_start3A_1020 = arith.constant 0 : i32
      %dma_start3A_1021 = arith.constant 0 : i32
      %dma_start3A_1022 = tpu.memref_slice %arg10[%dma_start3A_1019, %dma_start3A_1020, %dma_start3A_1021] : memref<8x32x128xf32, #tpu.memory_space<vmem>> -> memref<1x32x128xf32, #tpu.memory_space<vmem>>
      %dma_start3A_1023 = tpu.memref_squeeze %dma_start3A_1022 : memref<1x32x128xf32, #tpu.memory_space<vmem>> -> memref<32x128xf32, #tpu.memory_space<vmem>>
      %dma_start3A_1024 = arith.constant 0 : i32
      %dma_start3A_1025 = tpu.memref_slice %arg5[%dma_start3A_1024, %multiple_of3A_1018] : memref<32x1000000xf32, #tpu.memory_space<hbm>> -> memref<32x128xf32, #tpu.memory_space<hbm>>
      %dma_start3A_1026 = arith.constant 0 : i32
      %dma_start3A_1027 = arith.constant 0 : i32
      %dma_start3A_1028 = tpu.memref_slice %arg10[%dma_start3A_1019, %dma_start3A_1026, %dma_start3A_1027] : memref<8x32x128xf32, #tpu.memory_space<vmem>> -> memref<1x32x128xf32, #tpu.memory_space<vmem>>
      %dma_start3A_1029 = tpu.memref_squeeze %dma_start3A_1028 : memref<1x32x128xf32, #tpu.memory_space<vmem>> -> memref<32x128xf32, #tpu.memory_space<vmem>>
      %dma_start3A_1030 = arith.constant 0 : i32
      %dma_start3A_1031 = tpu.memref_slice %arg5[%dma_start3A_1030, %multiple_of3A_1018] : memref<32x1000000xf32, #tpu.memory_space<hbm>> -> memref<32x128xf32, #tpu.memory_space<hbm>>
      tpu.enqueue_dma source(%dma_start3A_1031 : memref<32x128xf32, #tpu.memory_space<hbm>>) target(%dma_start3A_1029 : memref<32x128xf32, #tpu.memory_space<vmem>>) target_semaphore(%arg15 : memref<!tpu.dma_semaphore, #tpu.memory_space<semaphore_mem>>)
      %broadcast_in_dim3A_1032 = arith.constant 2 : i32
      %broadcast_in_dim3A_1033 = vector.broadcast %broadcast_in_dim3A_1032 : i32 to vector<16xi32>
      %slice3A_1034 = vector.extract_strided_slice %and3A_176 {offsets = [2], sizes = [1], strides = [1]} : vector<16xi32> to vector<1xi32>
      %squeeze3A_1035 = vector.extract %slice3A_1034[0] : i32 from vector<1xi32>
      %broadcast_in_dim3A_1036 = vector.broadcast %squeeze3A_1035 : i32 to vector<16xi32>
      %gather3A_1037 = tpu.vector_load_idx %arg10[%broadcast_in_dim3A_1033, %iota3A, %broadcast_in_dim3A_1036] : memref<8x32x128xf32, #tpu.memory_space<vmem>>[vector<16xi32>, vector<16xi32>, vector<16xi32>], vector<16xf32>,
      %gather3A_1038 = tpu.vector_load_idx %arg10[%broadcast_in_dim3A_1033, %add3A_5, %broadcast_in_dim3A_1036] : memref<8x32x128xf32, #tpu.memory_space<vmem>>[vector<16xi32>, vector<16xi32>, vector<16xi32>], vector<16xf32>,
      %swap3A_1039 = arith.constant 2 : i32
      %swap3A_1040 = arith.index_cast %swap3A_1039 : i32 to index
      %swap3A_1041 = arith.constant 0 : index
      %swap3A_1042 = tpu.vector_load %arg12[%swap3A_1040, %swap3A_1041] {strides = array<i32>} : memref<16x32xf32, #tpu.memory_space<vmem>>, vector<16xf32>,
      tpu.vector_store %arg12[%swap3A_1040, %swap3A_1041], %gather3A_1037 {strides = array<i32>} : memref<16x32xf32, #tpu.memory_space<vmem>>, vector<16xf32>,
      %swap3A_1043 = arith.constant 2 : i32
      %swap3A_1044 = arith.index_cast %swap3A_1043 : i32 to index
      %swap3A_1045 = arith.constant 16 : index
      %swap3A_1046 = tpu.vector_load %arg12[%swap3A_1044, %swap3A_1045] {strides = array<i32>} : memref<16x32xf32, #tpu.memory_space<vmem>>, vector<16xf32>,
      tpu.vector_store %arg12[%swap3A_1044, %swap3A_1045], %gather3A_1038 {strides = array<i32>} : memref<16x32xf32, #tpu.memory_space<vmem>>, vector<16xf32>,
      %dma_wait3A_1047 = arith.constant 3 : i32
      %dma_wait3A_1048 = arith.constant 0 : i32
      %dma_wait3A_1049 = arith.constant 0 : i32
      %dma_wait3A_1050 = tpu.memref_slice %arg10[%dma_wait3A_1047, %dma_wait3A_1048, %dma_wait3A_1049] : memref<8x32x128xf32, #tpu.memory_space<vmem>> -> memref<1x32x128xf32, #tpu.memory_space<vmem>>
      %dma_wait3A_1051 = tpu.memref_squeeze %dma_wait3A_1050 : memref<1x32x128xf32, #tpu.memory_space<vmem>> -> memref<32x128xf32, #tpu.memory_space<vmem>>
      %dma_wait3A_1052 = arith.constant 0 : i32
      %dma_wait3A_1053 = arith.constant 0 : i32
      %dma_wait3A_1054 = tpu.memref_slice %arg4[%dma_wait3A_1052, %dma_wait3A_1053] : memref<32x1000000xf32, #tpu.memory_space<hbm>> -> memref<32x128xf32, #tpu.memory_space<hbm>>
      %dma_wait3A_1055 = arith.constant 0 : i32
      %dma_wait3A_1056 = arith.constant 0 : i32
      %dma_wait3A_1057 = tpu.memref_slice %arg10[%dma_wait3A_1047, %dma_wait3A_1055, %dma_wait3A_1056] : memref<8x32x128xf32, #tpu.memory_space<vmem>> -> memref<1x32x128xf32, #tpu.memory_space<vmem>>
      %dma_wait3A_1058 = tpu.memref_squeeze %dma_wait3A_1057 : memref<1x32x128xf32, #tpu.memory_space<vmem>> -> memref<32x128xf32, #tpu.memory_space<vmem>>
      %dma_wait3A_1059 = arith.constant 0 : i32
      %dma_wait3A_1060 = arith.constant 0 : i32
      %dma_wait3A_1061 = tpu.memref_slice %arg4[%dma_wait3A_1059, %dma_wait3A_1060] : memref<32x1000000xf32, #tpu.memory_space<hbm>> -> memref<32x128xf32, #tpu.memory_space<hbm>>
      tpu.wait_dma2 semaphore(%arg15 : memref<!tpu.dma_semaphore, #tpu.memory_space<semaphore_mem>>) src(%dma_wait3A_1061 : memref<32x128xf32, #tpu.memory_space<hbm>>) dst(%dma_wait3A_1058 : memref<32x128xf32, #tpu.memory_space<vmem>>)
      %slice3A_1062 = vector.extract_strided_slice %and3A_166 {offsets = [11], sizes = [1], strides = [1]} : vector<16xi32> to vector<1xi32>
      %squeeze3A_1063 = vector.extract %slice3A_1062[0] : i32 from vector<1xi32>
      %multiple_of3A_1064 = tpu.assume_multiple %squeeze3A_1063, 128 : i32
      %dma_start3A_1065 = arith.constant 3 : i32
      %dma_start3A_1066 = arith.constant 0 : i32
      %dma_start3A_1067 = arith.constant 0 : i32
      %dma_start3A_1068 = tpu.memref_slice %arg10[%dma_start3A_1065, %dma_start3A_1066, %dma_start3A_1067] : memref<8x32x128xf32, #tpu.memory_space<vmem>> -> memref<1x32x128xf32, #tpu.memory_space<vmem>>
      %dma_start3A_1069 = tpu.memref_squeeze %dma_start3A_1068 : memref<1x32x128xf32, #tpu.memory_space<vmem>> -> memref<32x128xf32, #tpu.memory_space<vmem>>
      %dma_start3A_1070 = arith.constant 0 : i32
      %dma_start3A_1071 = tpu.memref_slice %arg5[%dma_start3A_1070, %multiple_of3A_1064] : memref<32x1000000xf32, #tpu.memory_space<hbm>> -> memref<32x128xf32, #tpu.memory_space<hbm>>
      %dma_start3A_1072 = arith.constant 0 : i32
      %dma_start3A_1073 = arith.constant 0 : i32
      %dma_start3A_1074 = tpu.memref_slice %arg10[%dma_start3A_1065, %dma_start3A_1072, %dma_start3A_1073] : memref<8x32x128xf32, #tpu.memory_space<vmem>> -> memref<1x32x128xf32, #tpu.memory_space<vmem>>
      %dma_start3A_1075 = tpu.memref_squeeze %dma_start3A_1074 : memref<1x32x128xf32, #tpu.memory_space<vmem>> -> memref<32x128xf32, #tpu.memory_space<vmem>>
      %dma_start3A_1076 = arith.constant 0 : i32
      %dma_start3A_1077 = tpu.memref_slice %arg5[%dma_start3A_1076, %multiple_of3A_1064] : memref<32x1000000xf32, #tpu.memory_space<hbm>> -> memref<32x128xf32, #tpu.memory_space<hbm>>
      tpu.enqueue_dma source(%dma_start3A_1077 : memref<32x128xf32, #tpu.memory_space<hbm>>) target(%dma_start3A_1075 : memref<32x128xf32, #tpu.memory_space<vmem>>) target_semaphore(%arg15 : memref<!tpu.dma_semaphore, #tpu.memory_space<semaphore_mem>>)
      %broadcast_in_dim3A_1078 = arith.constant 3 : i32
      %broadcast_in_dim3A_1079 = vector.broadcast %broadcast_in_dim3A_1078 : i32 to vector<16xi32>
      %slice3A_1080 = vector.extract_strided_slice %and3A_176 {offsets = [3], sizes = [1], strides = [1]} : vector<16xi32> to vector<1xi32>
      %squeeze3A_1081 = vector.extract %slice3A_1080[0] : i32 from vector<1xi32>
      %broadcast_in_dim3A_1082 = vector.broadcast %squeeze3A_1081 : i32 to vector<16xi32>
      %gather3A_1083 = tpu.vector_load_idx %arg10[%broadcast_in_dim3A_1079, %iota3A, %broadcast_in_dim3A_1082] : memref<8x32x128xf32, #tpu.memory_space<vmem>>[vector<16xi32>, vector<16xi32>, vector<16xi32>], vector<16xf32>,
      %gather3A_1084 = tpu.vector_load_idx %arg10[%broadcast_in_dim3A_1079, %add3A_5, %broadcast_in_dim3A_1082] : memref<8x32x128xf32, #tpu.memory_space<vmem>>[vector<16xi32>, vector<16xi32>, vector<16xi32>], vector<16xf32>,
      %swap3A_1085 = arith.constant 3 : i32
      %swap3A_1086 = arith.index_cast %swap3A_1085 : i32 to index
      %swap3A_1087 = arith.constant 0 : index
      %swap3A_1088 = tpu.vector_load %arg12[%swap3A_1086, %swap3A_1087] {strides = array<i32>} : memref<16x32xf32, #tpu.memory_space<vmem>>, vector<16xf32>,
      tpu.vector_store %arg12[%swap3A_1086, %swap3A_1087], %gather3A_1083 {strides = array<i32>} : memref<16x32xf32, #tpu.memory_space<vmem>>, vector<16xf32>,
      %swap3A_1089 = arith.constant 3 : i32
      %swap3A_1090 = arith.index_cast %swap3A_1089 : i32 to index
      %swap3A_1091 = arith.constant 16 : index
      %swap3A_1092 = tpu.vector_load %arg12[%swap3A_1090, %swap3A_1091] {strides = array<i32>} : memref<16x32xf32, #tpu.memory_space<vmem>>, vector<16xf32>,
      tpu.vector_store %arg12[%swap3A_1090, %swap3A_1091], %gather3A_1084 {strides = array<i32>} : memref<16x32xf32, #tpu.memory_space<vmem>>, vector<16xf32>,
      %dma_wait3A_1093 = arith.constant 4 : i32
      %dma_wait3A_1094 = arith.constant 0 : i32
      %dma_wait3A_1095 = arith.constant 0 : i32
      %dma_wait3A_1096 = tpu.memref_slice %arg10[%dma_wait3A_1093, %dma_wait3A_1094, %dma_wait3A_1095] : memref<8x32x128xf32, #tpu.memory_space<vmem>> -> memref<1x32x128xf32, #tpu.memory_space<vmem>>
      %dma_wait3A_1097 = tpu.memref_squeeze %dma_wait3A_1096 : memref<1x32x128xf32, #tpu.memory_space<vmem>> -> memref<32x128xf32, #tpu.memory_space<vmem>>
      %dma_wait3A_1098 = arith.constant 0 : i32
      %dma_wait3A_1099 = arith.constant 0 : i32
      %dma_wait3A_1100 = tpu.memref_slice %arg4[%dma_wait3A_1098, %dma_wait3A_1099] : memref<32x1000000xf32, #tpu.memory_space<hbm>> -> memref<32x128xf32, #tpu.memory_space<hbm>>
      %dma_wait3A_1101 = arith.constant 0 : i32
      %dma_wait3A_1102 = arith.constant 0 : i32
      %dma_wait3A_1103 = tpu.memref_slice %arg10[%dma_wait3A_1093, %dma_wait3A_1101, %dma_wait3A_1102] : memref<8x32x128xf32, #tpu.memory_space<vmem>> -> memref<1x32x128xf32, #tpu.memory_space<vmem>>
      %dma_wait3A_1104 = tpu.memref_squeeze %dma_wait3A_1103 : memref<1x32x128xf32, #tpu.memory_space<vmem>> -> memref<32x128xf32, #tpu.memory_space<vmem>>
      %dma_wait3A_1105 = arith.constant 0 : i32
      %dma_wait3A_1106 = arith.constant 0 : i32
      %dma_wait3A_1107 = tpu.memref_slice %arg4[%dma_wait3A_1105, %dma_wait3A_1106] : memref<32x1000000xf32, #tpu.memory_space<hbm>> -> memref<32x128xf32, #tpu.memory_space<hbm>>
      tpu.wait_dma2 semaphore(%arg15 : memref<!tpu.dma_semaphore, #tpu.memory_space<semaphore_mem>>) src(%dma_wait3A_1107 : memref<32x128xf32, #tpu.memory_space<hbm>>) dst(%dma_wait3A_1104 : memref<32x128xf32, #tpu.memory_space<vmem>>)
      %slice3A_1108 = vector.extract_strided_slice %and3A_166 {offsets = [12], sizes = [1], strides = [1]} : vector<16xi32> to vector<1xi32>
      %squeeze3A_1109 = vector.extract %slice3A_1108[0] : i32 from vector<1xi32>
      %multiple_of3A_1110 = tpu.assume_multiple %squeeze3A_1109, 128 : i32
      %dma_start3A_1111 = arith.constant 4 : i32
      %dma_start3A_1112 = arith.constant 0 : i32
      %dma_start3A_1113 = arith.constant 0 : i32
      %dma_start3A_1114 = tpu.memref_slice %arg10[%dma_start3A_1111, %dma_start3A_1112, %dma_start3A_1113] : memref<8x32x128xf32, #tpu.memory_space<vmem>> -> memref<1x32x128xf32, #tpu.memory_space<vmem>>
      %dma_start3A_1115 = tpu.memref_squeeze %dma_start3A_1114 : memref<1x32x128xf32, #tpu.memory_space<vmem>> -> memref<32x128xf32, #tpu.memory_space<vmem>>
      %dma_start3A_1116 = arith.constant 0 : i32
      %dma_start3A_1117 = tpu.memref_slice %arg5[%dma_start3A_1116, %multiple_of3A_1110] : memref<32x1000000xf32, #tpu.memory_space<hbm>> -> memref<32x128xf32, #tpu.memory_space<hbm>>
      %dma_start3A_1118 = arith.constant 0 : i32
      %dma_start3A_1119 = arith.constant 0 : i32
      %dma_start3A_1120 = tpu.memref_slice %arg10[%dma_start3A_1111, %dma_start3A_1118, %dma_start3A_1119] : memref<8x32x128xf32, #tpu.memory_space<vmem>> -> memref<1x32x128xf32, #tpu.memory_space<vmem>>
      %dma_start3A_1121 = tpu.memref_squeeze %dma_start3A_1120 : memref<1x32x128xf32, #tpu.memory_space<vmem>> -> memref<32x128xf32, #tpu.memory_space<vmem>>
      %dma_start3A_1122 = arith.constant 0 : i32
      %dma_start3A_1123 = tpu.memref_slice %arg5[%dma_start3A_1122, %multiple_of3A_1110] : memref<32x1000000xf32, #tpu.memory_space<hbm>> -> memref<32x128xf32, #tpu.memory_space<hbm>>
      tpu.enqueue_dma source(%dma_start3A_1123 : memref<32x128xf32, #tpu.memory_space<hbm>>) target(%dma_start3A_1121 : memref<32x128xf32, #tpu.memory_space<vmem>>) target_semaphore(%arg15 : memref<!tpu.dma_semaphore, #tpu.memory_space<semaphore_mem>>)
      %broadcast_in_dim3A_1124 = arith.constant 4 : i32
      %broadcast_in_dim3A_1125 = vector.broadcast %broadcast_in_dim3A_1124 : i32 to vector<16xi32>
      %slice3A_1126 = vector.extract_strided_slice %and3A_176 {offsets = [4], sizes = [1], strides = [1]} : vector<16xi32> to vector<1xi32>
      %squeeze3A_1127 = vector.extract %slice3A_1126[0] : i32 from vector<1xi32>
      %broadcast_in_dim3A_1128 = vector.broadcast %squeeze3A_1127 : i32 to vector<16xi32>
      %gather3A_1129 = tpu.vector_load_idx %arg10[%broadcast_in_dim3A_1125, %iota3A, %broadcast_in_dim3A_1128] : memref<8x32x128xf32, #tpu.memory_space<vmem>>[vector<16xi32>, vector<16xi32>, vector<16xi32>], vector<16xf32>,
      %gather3A_1130 = tpu.vector_load_idx %arg10[%broadcast_in_dim3A_1125, %add3A_5, %broadcast_in_dim3A_1128] : memref<8x32x128xf32, #tpu.memory_space<vmem>>[vector<16xi32>, vector<16xi32>, vector<16xi32>], vector<16xf32>,
      %swap3A_1131 = arith.constant 4 : i32
      %swap3A_1132 = arith.index_cast %swap3A_1131 : i32 to index
      %swap3A_1133 = arith.constant 0 : index
      %swap3A_1134 = tpu.vector_load %arg12[%swap3A_1132, %swap3A_1133] {strides = array<i32>} : memref<16x32xf32, #tpu.memory_space<vmem>>, vector<16xf32>,
      tpu.vector_store %arg12[%swap3A_1132, %swap3A_1133], %gather3A_1129 {strides = array<i32>} : memref<16x32xf32, #tpu.memory_space<vmem>>, vector<16xf32>,
      %swap3A_1135 = arith.constant 4 : i32
      %swap3A_1136 = arith.index_cast %swap3A_1135 : i32 to index
      %swap3A_1137 = arith.constant 16 : index
      %swap3A_1138 = tpu.vector_load %arg12[%swap3A_1136, %swap3A_1137] {strides = array<i32>} : memref<16x32xf32, #tpu.memory_space<vmem>>, vector<16xf32>,
      tpu.vector_store %arg12[%swap3A_1136, %swap3A_1137], %gather3A_1130 {strides = array<i32>} : memref<16x32xf32, #tpu.memory_space<vmem>>, vector<16xf32>,
      %dma_wait3A_1139 = arith.constant 5 : i32
      %dma_wait3A_1140 = arith.constant 0 : i32
      %dma_wait3A_1141 = arith.constant 0 : i32
      %dma_wait3A_1142 = tpu.memref_slice %arg10[%dma_wait3A_1139, %dma_wait3A_1140, %dma_wait3A_1141] : memref<8x32x128xf32, #tpu.memory_space<vmem>> -> memref<1x32x128xf32, #tpu.memory_space<vmem>>
      %dma_wait3A_1143 = tpu.memref_squeeze %dma_wait3A_1142 : memref<1x32x128xf32, #tpu.memory_space<vmem>> -> memref<32x128xf32, #tpu.memory_space<vmem>>
      %dma_wait3A_1144 = arith.constant 0 : i32
      %dma_wait3A_1145 = arith.constant 0 : i32
      %dma_wait3A_1146 = tpu.memref_slice %arg4[%dma_wait3A_1144, %dma_wait3A_1145] : memref<32x1000000xf32, #tpu.memory_space<hbm>> -> memref<32x128xf32, #tpu.memory_space<hbm>>
      %dma_wait3A_1147 = arith.constant 0 : i32
      %dma_wait3A_1148 = arith.constant 0 : i32
      %dma_wait3A_1149 = tpu.memref_slice %arg10[%dma_wait3A_1139, %dma_wait3A_1147, %dma_wait3A_1148] : memref<8x32x128xf32, #tpu.memory_space<vmem>> -> memref<1x32x128xf32, #tpu.memory_space<vmem>>
      %dma_wait3A_1150 = tpu.memref_squeeze %dma_wait3A_1149 : memref<1x32x128xf32, #tpu.memory_space<vmem>> -> memref<32x128xf32, #tpu.memory_space<vmem>>
      %dma_wait3A_1151 = arith.constant 0 : i32
      %dma_wait3A_1152 = arith.constant 0 : i32
      %dma_wait3A_1153 = tpu.memref_slice %arg4[%dma_wait3A_1151, %dma_wait3A_1152] : memref<32x1000000xf32, #tpu.memory_space<hbm>> -> memref<32x128xf32, #tpu.memory_space<hbm>>
      tpu.wait_dma2 semaphore(%arg15 : memref<!tpu.dma_semaphore, #tpu.memory_space<semaphore_mem>>) src(%dma_wait3A_1153 : memref<32x128xf32, #tpu.memory_space<hbm>>) dst(%dma_wait3A_1150 : memref<32x128xf32, #tpu.memory_space<vmem>>)
      %slice3A_1154 = vector.extract_strided_slice %and3A_166 {offsets = [13], sizes = [1], strides = [1]} : vector<16xi32> to vector<1xi32>
      %squeeze3A_1155 = vector.extract %slice3A_1154[0] : i32 from vector<1xi32>
      %multiple_of3A_1156 = tpu.assume_multiple %squeeze3A_1155, 128 : i32
      %dma_start3A_1157 = arith.constant 5 : i32
      %dma_start3A_1158 = arith.constant 0 : i32
      %dma_start3A_1159 = arith.constant 0 : i32
      %dma_start3A_1160 = tpu.memref_slice %arg10[%dma_start3A_1157, %dma_start3A_1158, %dma_start3A_1159] : memref<8x32x128xf32, #tpu.memory_space<vmem>> -> memref<1x32x128xf32, #tpu.memory_space<vmem>>
      %dma_start3A_1161 = tpu.memref_squeeze %dma_start3A_1160 : memref<1x32x128xf32, #tpu.memory_space<vmem>> -> memref<32x128xf32, #tpu.memory_space<vmem>>
      %dma_start3A_1162 = arith.constant 0 : i32
      %dma_start3A_1163 = tpu.memref_slice %arg5[%dma_start3A_1162, %multiple_of3A_1156] : memref<32x1000000xf32, #tpu.memory_space<hbm>> -> memref<32x128xf32, #tpu.memory_space<hbm>>
      %dma_start3A_1164 = arith.constant 0 : i32
      %dma_start3A_1165 = arith.constant 0 : i32
      %dma_start3A_1166 = tpu.memref_slice %arg10[%dma_start3A_1157, %dma_start3A_1164, %dma_start3A_1165] : memref<8x32x128xf32, #tpu.memory_space<vmem>> -> memref<1x32x128xf32, #tpu.memory_space<vmem>>
      %dma_start3A_1167 = tpu.memref_squeeze %dma_start3A_1166 : memref<1x32x128xf32, #tpu.memory_space<vmem>> -> memref<32x128xf32, #tpu.memory_space<vmem>>
      %dma_start3A_1168 = arith.constant 0 : i32
      %dma_start3A_1169 = tpu.memref_slice %arg5[%dma_start3A_1168, %multiple_of3A_1156] : memref<32x1000000xf32, #tpu.memory_space<hbm>> -> memref<32x128xf32, #tpu.memory_space<hbm>>
      tpu.enqueue_dma source(%dma_start3A_1169 : memref<32x128xf32, #tpu.memory_space<hbm>>) target(%dma_start3A_1167 : memref<32x128xf32, #tpu.memory_space<vmem>>) target_semaphore(%arg15 : memref<!tpu.dma_semaphore, #tpu.memory_space<semaphore_mem>>)
      %broadcast_in_dim3A_1170 = arith.constant 5 : i32
      %broadcast_in_dim3A_1171 = vector.broadcast %broadcast_in_dim3A_1170 : i32 to vector<16xi32>
      %slice3A_1172 = vector.extract_strided_slice %and3A_176 {offsets = [5], sizes = [1], strides = [1]} : vector<16xi32> to vector<1xi32>
      %squeeze3A_1173 = vector.extract %slice3A_1172[0] : i32 from vector<1xi32>
      %broadcast_in_dim3A_1174 = vector.broadcast %squeeze3A_1173 : i32 to vector<16xi32>
      %gather3A_1175 = tpu.vector_load_idx %arg10[%broadcast_in_dim3A_1171, %iota3A, %broadcast_in_dim3A_1174] : memref<8x32x128xf32, #tpu.memory_space<vmem>>[vector<16xi32>, vector<16xi32>, vector<16xi32>], vector<16xf32>,
      %gather3A_1176 = tpu.vector_load_idx %arg10[%broadcast_in_dim3A_1171, %add3A_5, %broadcast_in_dim3A_1174] : memref<8x32x128xf32, #tpu.memory_space<vmem>>[vector<16xi32>, vector<16xi32>, vector<16xi32>], vector<16xf32>,
      %swap3A_1177 = arith.constant 5 : i32
      %swap3A_1178 = arith.index_cast %swap3A_1177 : i32 to index
      %swap3A_1179 = arith.constant 0 : index
      %swap3A_1180 = tpu.vector_load %arg12[%swap3A_1178, %swap3A_1179] {strides = array<i32>} : memref<16x32xf32, #tpu.memory_space<vmem>>, vector<16xf32>,
      tpu.vector_store %arg12[%swap3A_1178, %swap3A_1179], %gather3A_1175 {strides = array<i32>} : memref<16x32xf32, #tpu.memory_space<vmem>>, vector<16xf32>,
      %swap3A_1181 = arith.constant 5 : i32
      %swap3A_1182 = arith.index_cast %swap3A_1181 : i32 to index
      %swap3A_1183 = arith.constant 16 : index
      %swap3A_1184 = tpu.vector_load %arg12[%swap3A_1182, %swap3A_1183] {strides = array<i32>} : memref<16x32xf32, #tpu.memory_space<vmem>>, vector<16xf32>,
      tpu.vector_store %arg12[%swap3A_1182, %swap3A_1183], %gather3A_1176 {strides = array<i32>} : memref<16x32xf32, #tpu.memory_space<vmem>>, vector<16xf32>,
      %dma_wait3A_1185 = arith.constant 6 : i32
      %dma_wait3A_1186 = arith.constant 0 : i32
      %dma_wait3A_1187 = arith.constant 0 : i32
      %dma_wait3A_1188 = tpu.memref_slice %arg10[%dma_wait3A_1185, %dma_wait3A_1186, %dma_wait3A_1187] : memref<8x32x128xf32, #tpu.memory_space<vmem>> -> memref<1x32x128xf32, #tpu.memory_space<vmem>>
      %dma_wait3A_1189 = tpu.memref_squeeze %dma_wait3A_1188 : memref<1x32x128xf32, #tpu.memory_space<vmem>> -> memref<32x128xf32, #tpu.memory_space<vmem>>
      %dma_wait3A_1190 = arith.constant 0 : i32
      %dma_wait3A_1191 = arith.constant 0 : i32
      %dma_wait3A_1192 = tpu.memref_slice %arg4[%dma_wait3A_1190, %dma_wait3A_1191] : memref<32x1000000xf32, #tpu.memory_space<hbm>> -> memref<32x128xf32, #tpu.memory_space<hbm>>
      %dma_wait3A_1193 = arith.constant 0 : i32
      %dma_wait3A_1194 = arith.constant 0 : i32
      %dma_wait3A_1195 = tpu.memref_slice %arg10[%dma_wait3A_1185, %dma_wait3A_1193, %dma_wait3A_1194] : memref<8x32x128xf32, #tpu.memory_space<vmem>> -> memref<1x32x128xf32, #tpu.memory_space<vmem>>
      %dma_wait3A_1196 = tpu.memref_squeeze %dma_wait3A_1195 : memref<1x32x128xf32, #tpu.memory_space<vmem>> -> memref<32x128xf32, #tpu.memory_space<vmem>>
      %dma_wait3A_1197 = arith.constant 0 : i32
      %dma_wait3A_1198 = arith.constant 0 : i32
      %dma_wait3A_1199 = tpu.memref_slice %arg4[%dma_wait3A_1197, %dma_wait3A_1198] : memref<32x1000000xf32, #tpu.memory_space<hbm>> -> memref<32x128xf32, #tpu.memory_space<hbm>>
      tpu.wait_dma2 semaphore(%arg15 : memref<!tpu.dma_semaphore, #tpu.memory_space<semaphore_mem>>) src(%dma_wait3A_1199 : memref<32x128xf32, #tpu.memory_space<hbm>>) dst(%dma_wait3A_1196 : memref<32x128xf32, #tpu.memory_space<vmem>>)
      %slice3A_1200 = vector.extract_strided_slice %and3A_166 {offsets = [14], sizes = [1], strides = [1]} : vector<16xi32> to vector<1xi32>
      %squeeze3A_1201 = vector.extract %slice3A_1200[0] : i32 from vector<1xi32>
      %multiple_of3A_1202 = tpu.assume_multiple %squeeze3A_1201, 128 : i32
      %dma_start3A_1203 = arith.constant 6 : i32
      %dma_start3A_1204 = arith.constant 0 : i32
      %dma_start3A_1205 = arith.constant 0 : i32
      %dma_start3A_1206 = tpu.memref_slice %arg10[%dma_start3A_1203, %dma_start3A_1204, %dma_start3A_1205] : memref<8x32x128xf32, #tpu.memory_space<vmem>> -> memref<1x32x128xf32, #tpu.memory_space<vmem>>
      %dma_start3A_1207 = tpu.memref_squeeze %dma_start3A_1206 : memref<1x32x128xf32, #tpu.memory_space<vmem>> -> memref<32x128xf32, #tpu.memory_space<vmem>>
      %dma_start3A_1208 = arith.constant 0 : i32
      %dma_start3A_1209 = tpu.memref_slice %arg5[%dma_start3A_1208, %multiple_of3A_1202] : memref<32x1000000xf32, #tpu.memory_space<hbm>> -> memref<32x128xf32, #tpu.memory_space<hbm>>
      %dma_start3A_1210 = arith.constant 0 : i32
      %dma_start3A_1211 = arith.constant 0 : i32
      %dma_start3A_1212 = tpu.memref_slice %arg10[%dma_start3A_1203, %dma_start3A_1210, %dma_start3A_1211] : memref<8x32x128xf32, #tpu.memory_space<vmem>> -> memref<1x32x128xf32, #tpu.memory_space<vmem>>
      %dma_start3A_1213 = tpu.memref_squeeze %dma_start3A_1212 : memref<1x32x128xf32, #tpu.memory_space<vmem>> -> memref<32x128xf32, #tpu.memory_space<vmem>>
      %dma_start3A_1214 = arith.constant 0 : i32
      %dma_start3A_1215 = tpu.memref_slice %arg5[%dma_start3A_1214, %multiple_of3A_1202] : memref<32x1000000xf32, #tpu.memory_space<hbm>> -> memref<32x128xf32, #tpu.memory_space<hbm>>
      tpu.enqueue_dma source(%dma_start3A_1215 : memref<32x128xf32, #tpu.memory_space<hbm>>) target(%dma_start3A_1213 : memref<32x128xf32, #tpu.memory_space<vmem>>) target_semaphore(%arg15 : memref<!tpu.dma_semaphore, #tpu.memory_space<semaphore_mem>>)
      %broadcast_in_dim3A_1216 = arith.constant 6 : i32
      %broadcast_in_dim3A_1217 = vector.broadcast %broadcast_in_dim3A_1216 : i32 to vector<16xi32>
      %slice3A_1218 = vector.extract_strided_slice %and3A_176 {offsets = [6], sizes = [1], strides = [1]} : vector<16xi32> to vector<1xi32>
      %squeeze3A_1219 = vector.extract %slice3A_1218[0] : i32 from vector<1xi32>
      %broadcast_in_dim3A_1220 = vector.broadcast %squeeze3A_1219 : i32 to vector<16xi32>
      %gather3A_1221 = tpu.vector_load_idx %arg10[%broadcast_in_dim3A_1217, %iota3A, %broadcast_in_dim3A_1220] : memref<8x32x128xf32, #tpu.memory_space<vmem>>[vector<16xi32>, vector<16xi32>, vector<16xi32>], vector<16xf32>,
      %gather3A_1222 = tpu.vector_load_idx %arg10[%broadcast_in_dim3A_1217, %add3A_5, %broadcast_in_dim3A_1220] : memref<8x32x128xf32, #tpu.memory_space<vmem>>[vector<16xi32>, vector<16xi32>, vector<16xi32>], vector<16xf32>,
      %swap3A_1223 = arith.constant 6 : i32
      %swap3A_1224 = arith.index_cast %swap3A_1223 : i32 to index
      %swap3A_1225 = arith.constant 0 : index
      %swap3A_1226 = tpu.vector_load %arg12[%swap3A_1224, %swap3A_1225] {strides = array<i32>} : memref<16x32xf32, #tpu.memory_space<vmem>>, vector<16xf32>,
      tpu.vector_store %arg12[%swap3A_1224, %swap3A_1225], %gather3A_1221 {strides = array<i32>} : memref<16x32xf32, #tpu.memory_space<vmem>>, vector<16xf32>,
      %swap3A_1227 = arith.constant 6 : i32
      %swap3A_1228 = arith.index_cast %swap3A_1227 : i32 to index
      %swap3A_1229 = arith.constant 16 : index
      %swap3A_1230 = tpu.vector_load %arg12[%swap3A_1228, %swap3A_1229] {strides = array<i32>} : memref<16x32xf32, #tpu.memory_space<vmem>>, vector<16xf32>,
      tpu.vector_store %arg12[%swap3A_1228, %swap3A_1229], %gather3A_1222 {strides = array<i32>} : memref<16x32xf32, #tpu.memory_space<vmem>>, vector<16xf32>,
      %dma_wait3A_1231 = arith.constant 7 : i32
      %dma_wait3A_1232 = arith.constant 0 : i32
      %dma_wait3A_1233 = arith.constant 0 : i32
      %dma_wait3A_1234 = tpu.memref_slice %arg10[%dma_wait3A_1231, %dma_wait3A_1232, %dma_wait3A_1233] : memref<8x32x128xf32, #tpu.memory_space<vmem>> -> memref<1x32x128xf32, #tpu.memory_space<vmem>>
      %dma_wait3A_1235 = tpu.memref_squeeze %dma_wait3A_1234 : memref<1x32x128xf32, #tpu.memory_space<vmem>> -> memref<32x128xf32, #tpu.memory_space<vmem>>
      %dma_wait3A_1236 = arith.constant 0 : i32
      %dma_wait3A_1237 = arith.constant 0 : i32
      %dma_wait3A_1238 = tpu.memref_slice %arg4[%dma_wait3A_1236, %dma_wait3A_1237] : memref<32x1000000xf32, #tpu.memory_space<hbm>> -> memref<32x128xf32, #tpu.memory_space<hbm>>
      %dma_wait3A_1239 = arith.constant 0 : i32
      %dma_wait3A_1240 = arith.constant 0 : i32
      %dma_wait3A_1241 = tpu.memref_slice %arg10[%dma_wait3A_1231, %dma_wait3A_1239, %dma_wait3A_1240] : memref<8x32x128xf32, #tpu.memory_space<vmem>> -> memref<1x32x128xf32, #tpu.memory_space<vmem>>
      %dma_wait3A_1242 = tpu.memref_squeeze %dma_wait3A_1241 : memref<1x32x128xf32, #tpu.memory_space<vmem>> -> memref<32x128xf32, #tpu.memory_space<vmem>>
      %dma_wait3A_1243 = arith.constant 0 : i32
      %dma_wait3A_1244 = arith.constant 0 : i32
      %dma_wait3A_1245 = tpu.memref_slice %arg4[%dma_wait3A_1243, %dma_wait3A_1244] : memref<32x1000000xf32, #tpu.memory_space<hbm>> -> memref<32x128xf32, #tpu.memory_space<hbm>>
      tpu.wait_dma2 semaphore(%arg15 : memref<!tpu.dma_semaphore, #tpu.memory_space<semaphore_mem>>) src(%dma_wait3A_1245 : memref<32x128xf32, #tpu.memory_space<hbm>>) dst(%dma_wait3A_1242 : memref<32x128xf32, #tpu.memory_space<vmem>>)
      %slice3A_1246 = vector.extract_strided_slice %and3A_166 {offsets = [15], sizes = [1], strides = [1]} : vector<16xi32> to vector<1xi32>
      %squeeze3A_1247 = vector.extract %slice3A_1246[0] : i32 from vector<1xi32>
      %multiple_of3A_1248 = tpu.assume_multiple %squeeze3A_1247, 128 : i32
      %dma_start3A_1249 = arith.constant 7 : i32
      %dma_start3A_1250 = arith.constant 0 : i32
      %dma_start3A_1251 = arith.constant 0 : i32
      %dma_start3A_1252 = tpu.memref_slice %arg10[%dma_start3A_1249, %dma_start3A_1250, %dma_start3A_1251] : memref<8x32x128xf32, #tpu.memory_space<vmem>> -> memref<1x32x128xf32, #tpu.memory_space<vmem>>
      %dma_start3A_1253 = tpu.memref_squeeze %dma_start3A_1252 : memref<1x32x128xf32, #tpu.memory_space<vmem>> -> memref<32x128xf32, #tpu.memory_space<vmem>>
      %dma_start3A_1254 = arith.constant 0 : i32
      %dma_start3A_1255 = tpu.memref_slice %arg5[%dma_start3A_1254, %multiple_of3A_1248] : memref<32x1000000xf32, #tpu.memory_space<hbm>> -> memref<32x128xf32, #tpu.memory_space<hbm>>
      %dma_start3A_1256 = arith.constant 0 : i32
      %dma_start3A_1257 = arith.constant 0 : i32
      %dma_start3A_1258 = tpu.memref_slice %arg10[%dma_start3A_1249, %dma_start3A_1256, %dma_start3A_1257] : memref<8x32x128xf32, #tpu.memory_space<vmem>> -> memref<1x32x128xf32, #tpu.memory_space<vmem>>
      %dma_start3A_1259 = tpu.memref_squeeze %dma_start3A_1258 : memref<1x32x128xf32, #tpu.memory_space<vmem>> -> memref<32x128xf32, #tpu.memory_space<vmem>>
      %dma_start3A_1260 = arith.constant 0 : i32
      %dma_start3A_1261 = tpu.memref_slice %arg5[%dma_start3A_1260, %multiple_of3A_1248] : memref<32x1000000xf32, #tpu.memory_space<hbm>> -> memref<32x128xf32, #tpu.memory_space<hbm>>
      tpu.enqueue_dma source(%dma_start3A_1261 : memref<32x128xf32, #tpu.memory_space<hbm>>) target(%dma_start3A_1259 : memref<32x128xf32, #tpu.memory_space<vmem>>) target_semaphore(%arg15 : memref<!tpu.dma_semaphore, #tpu.memory_space<semaphore_mem>>)
      %broadcast_in_dim3A_1262 = arith.constant 7 : i32
      %broadcast_in_dim3A_1263 = vector.broadcast %broadcast_in_dim3A_1262 : i32 to vector<16xi32>
      %slice3A_1264 = vector.extract_strided_slice %and3A_176 {offsets = [7], sizes = [1], strides = [1]} : vector<16xi32> to vector<1xi32>
      %squeeze3A_1265 = vector.extract %slice3A_1264[0] : i32 from vector<1xi32>
      %broadcast_in_dim3A_1266 = vector.broadcast %squeeze3A_1265 : i32 to vector<16xi32>
      %gather3A_1267 = tpu.vector_load_idx %arg10[%broadcast_in_dim3A_1263, %iota3A, %broadcast_in_dim3A_1266] : memref<8x32x128xf32, #tpu.memory_space<vmem>>[vector<16xi32>, vector<16xi32>, vector<16xi32>], vector<16xf32>,
      %gather3A_1268 = tpu.vector_load_idx %arg10[%broadcast_in_dim3A_1263, %add3A_5, %broadcast_in_dim3A_1266] : memref<8x32x128xf32, #tpu.memory_space<vmem>>[vector<16xi32>, vector<16xi32>, vector<16xi32>], vector<16xf32>,
      %swap3A_1269 = arith.constant 7 : i32
      %swap3A_1270 = arith.index_cast %swap3A_1269 : i32 to index
      %swap3A_1271 = arith.constant 0 : index
      %swap3A_1272 = tpu.vector_load %arg12[%swap3A_1270, %swap3A_1271] {strides = array<i32>} : memref<16x32xf32, #tpu.memory_space<vmem>>, vector<16xf32>,
      tpu.vector_store %arg12[%swap3A_1270, %swap3A_1271], %gather3A_1267 {strides = array<i32>} : memref<16x32xf32, #tpu.memory_space<vmem>>, vector<16xf32>,
      %swap3A_1273 = arith.constant 7 : i32
      %swap3A_1274 = arith.index_cast %swap3A_1273 : i32 to index
      %swap3A_1275 = arith.constant 16 : index
      %swap3A_1276 = tpu.vector_load %arg12[%swap3A_1274, %swap3A_1275] {strides = array<i32>} : memref<16x32xf32, #tpu.memory_space<vmem>>, vector<16xf32>,
      tpu.vector_store %arg12[%swap3A_1274, %swap3A_1275], %gather3A_1268 {strides = array<i32>} : memref<16x32xf32, #tpu.memory_space<vmem>>, vector<16xf32>,
      %dma_wait3A_1277 = arith.constant 0 : i32
      %dma_wait3A_1278 = arith.constant 0 : i32
      %dma_wait3A_1279 = arith.constant 0 : i32
      %dma_wait3A_1280 = tpu.memref_slice %arg10[%dma_wait3A_1277, %dma_wait3A_1278, %dma_wait3A_1279] : memref<8x32x128xf32, #tpu.memory_space<vmem>> -> memref<1x32x128xf32, #tpu.memory_space<vmem>>
      %dma_wait3A_1281 = tpu.memref_squeeze %dma_wait3A_1280 : memref<1x32x128xf32, #tpu.memory_space<vmem>> -> memref<32x128xf32, #tpu.memory_space<vmem>>
      %dma_wait3A_1282 = arith.constant 0 : i32
      %dma_wait3A_1283 = arith.constant 0 : i32
      %dma_wait3A_1284 = tpu.memref_slice %arg4[%dma_wait3A_1282, %dma_wait3A_1283] : memref<32x1000000xf32, #tpu.memory_space<hbm>> -> memref<32x128xf32, #tpu.memory_space<hbm>>
      %dma_wait3A_1285 = arith.constant 0 : i32
      %dma_wait3A_1286 = arith.constant 0 : i32
      %dma_wait3A_1287 = tpu.memref_slice %arg10[%dma_wait3A_1277, %dma_wait3A_1285, %dma_wait3A_1286] : memref<8x32x128xf32, #tpu.memory_space<vmem>> -> memref<1x32x128xf32, #tpu.memory_space<vmem>>
      %dma_wait3A_1288 = tpu.memref_squeeze %dma_wait3A_1287 : memref<1x32x128xf32, #tpu.memory_space<vmem>> -> memref<32x128xf32, #tpu.memory_space<vmem>>
      %dma_wait3A_1289 = arith.constant 0 : i32
      %dma_wait3A_1290 = arith.constant 0 : i32
      %dma_wait3A_1291 = tpu.memref_slice %arg4[%dma_wait3A_1289, %dma_wait3A_1290] : memref<32x1000000xf32, #tpu.memory_space<hbm>> -> memref<32x128xf32, #tpu.memory_space<hbm>>
      tpu.wait_dma2 semaphore(%arg15 : memref<!tpu.dma_semaphore, #tpu.memory_space<semaphore_mem>>) src(%dma_wait3A_1291 : memref<32x128xf32, #tpu.memory_space<hbm>>) dst(%dma_wait3A_1288 : memref<32x128xf32, #tpu.memory_space<vmem>>)
      %add3A_1292 = arith.constant 1 : i32
      %add3A_1293 = arith.addi %scan3A_152, %add3A_1292 : i32
      %lt3A = arith.constant 32 : i32
      %lt3A_1294 = arith.cmpi slt, %add3A_1293, %lt3A : i32
      %convert_element_type3A = arith.extui %lt3A_1294 : i1 to i32
      %cond3A = arith.constant 0 : i32
      %cond3A_1295 = arith.cmpi ne, %convert_element_type3A, %cond3A : i32
      scf.if %cond3A_1295 {
        %add3A_2061 = arith.constant 16 : i32
        %add3A_2062 = arith.addi %multiple_of3A_156, %add3A_2061 : i32
        %get3A_2063 = arith.index_cast %add3A_2062 : i32 to index
        %get3A_2064 = tpu.vector_load %arg8[%get3A_2063] {strides = array<i32>} : memref<512xi32, #tpu.memory_space<vmem>>, vector<16xi32>,
        %and3A_2065 = arith.constant -128 : i32
        %and3A_2066 = vector.broadcast %and3A_2065 : i32 to vector<16xi32>
        %and3A_2067 = arith.andi %get3A_2064, %and3A_2066 : vector<16xi32>
        %get3A_2068 = arith.index_cast %add3A_2062 : i32 to index
        %get3A_2069 = tpu.vector_load %arg9[%get3A_2068] {strides = array<i32>} : memref<512xi32, #tpu.memory_space<vmem>>, vector<16xi32>,
        %and3A_2070 = arith.constant -128 : i32
        %and3A_2071 = vector.broadcast %and3A_2070 : i32 to vector<16xi32>
        %and3A_2072 = arith.andi %get3A_2069, %and3A_2071 : vector<16xi32>
        %slice3A_2073 = vector.extract_strided_slice %and3A_2067 {offsets = [0], sizes = [1], strides = [1]} : vector<16xi32> to vector<1xi32>
        %squeeze3A_2074 = vector.extract %slice3A_2073[0] : i32 from vector<1xi32>
        %multiple_of3A_2075 = tpu.assume_multiple %squeeze3A_2074, 128 : i32
        %dma_start3A_2076 = arith.constant 0 : i32
        %dma_start3A_2077 = arith.constant 0 : i32
        %dma_start3A_2078 = arith.constant 0 : i32
        %dma_start3A_2079 = tpu.memref_slice %arg10[%dma_start3A_2076, %dma_start3A_2077, %dma_start3A_2078] : memref<8x32x128xf32, #tpu.memory_space<vmem>> -> memref<1x32x128xf32, #tpu.memory_space<vmem>>
        %dma_start3A_2080 = tpu.memref_squeeze %dma_start3A_2079 : memref<1x32x128xf32, #tpu.memory_space<vmem>> -> memref<32x128xf32, #tpu.memory_space<vmem>>
        %dma_start3A_2081 = arith.constant 0 : i32
        %dma_start3A_2082 = tpu.memref_slice %arg4[%dma_start3A_2081, %multiple_of3A_2075] : memref<32x1000000xf32, #tpu.memory_space<hbm>> -> memref<32x128xf32, #tpu.memory_space<hbm>>
        %dma_start3A_2083 = arith.constant 0 : i32
        %dma_start3A_2084 = arith.constant 0 : i32
        %dma_start3A_2085 = tpu.memref_slice %arg10[%dma_start3A_2076, %dma_start3A_2083, %dma_start3A_2084] : memref<8x32x128xf32, #tpu.memory_space<vmem>> -> memref<1x32x128xf32, #tpu.memory_space<vmem>>
        %dma_start3A_2086 = tpu.memref_squeeze %dma_start3A_2085 : memref<1x32x128xf32, #tpu.memory_space<vmem>> -> memref<32x128xf32, #tpu.memory_space<vmem>>
        %dma_start3A_2087 = arith.constant 0 : i32
        %dma_start3A_2088 = tpu.memref_slice %arg4[%dma_start3A_2087, %multiple_of3A_2075] : memref<32x1000000xf32, #tpu.memory_space<hbm>> -> memref<32x128xf32, #tpu.memory_space<hbm>>
        tpu.enqueue_dma source(%dma_start3A_2088 : memref<32x128xf32, #tpu.memory_space<hbm>>) target(%dma_start3A_2086 : memref<32x128xf32, #tpu.memory_space<vmem>>) target_semaphore(%arg15 : memref<!tpu.dma_semaphore, #tpu.memory_space<semaphore_mem>>)
      } else {
      }
      %broadcast_in_dim3A_1296 = arith.constant 0 : i32
      %broadcast_in_dim3A_1297 = vector.broadcast %broadcast_in_dim3A_1296 : i32 to vector<16xi32>
      %slice3A_1298 = vector.extract_strided_slice %and3A_176 {offsets = [8], sizes = [1], strides = [1]} : vector<16xi32> to vector<1xi32>
      %squeeze3A_1299 = vector.extract %slice3A_1298[0] : i32 from vector<1xi32>
      %broadcast_in_dim3A_1300 = vector.broadcast %squeeze3A_1299 : i32 to vector<16xi32>
      %gather3A_1301 = tpu.vector_load_idx %arg10[%broadcast_in_dim3A_1297, %iota3A, %broadcast_in_dim3A_1300] : memref<8x32x128xf32, #tpu.memory_space<vmem>>[vector<16xi32>, vector<16xi32>, vector<16xi32>], vector<16xf32>,
      %gather3A_1302 = tpu.vector_load_idx %arg10[%broadcast_in_dim3A_1297, %add3A_5, %broadcast_in_dim3A_1300] : memref<8x32x128xf32, #tpu.memory_space<vmem>>[vector<16xi32>, vector<16xi32>, vector<16xi32>], vector<16xf32>,
      %swap3A_1303 = arith.constant 8 : i32
      %swap3A_1304 = arith.index_cast %swap3A_1303 : i32 to index
      %swap3A_1305 = arith.constant 0 : index
      %swap3A_1306 = tpu.vector_load %arg12[%swap3A_1304, %swap3A_1305] {strides = array<i32>} : memref<16x32xf32, #tpu.memory_space<vmem>>, vector<16xf32>,
      tpu.vector_store %arg12[%swap3A_1304, %swap3A_1305], %gather3A_1301 {strides = array<i32>} : memref<16x32xf32, #tpu.memory_space<vmem>>, vector<16xf32>,
      %swap3A_1307 = arith.constant 8 : i32
      %swap3A_1308 = arith.index_cast %swap3A_1307 : i32 to index
      %swap3A_1309 = arith.constant 16 : index
      %swap3A_1310 = tpu.vector_load %arg12[%swap3A_1308, %swap3A_1309] {strides = array<i32>} : memref<16x32xf32, #tpu.memory_space<vmem>>, vector<16xf32>,
      tpu.vector_store %arg12[%swap3A_1308, %swap3A_1309], %gather3A_1302 {strides = array<i32>} : memref<16x32xf32, #tpu.memory_space<vmem>>, vector<16xf32>,
      %dma_wait3A_1311 = arith.constant 1 : i32
      %dma_wait3A_1312 = arith.constant 0 : i32
      %dma_wait3A_1313 = arith.constant 0 : i32
      %dma_wait3A_1314 = tpu.memref_slice %arg10[%dma_wait3A_1311, %dma_wait3A_1312, %dma_wait3A_1313] : memref<8x32x128xf32, #tpu.memory_space<vmem>> -> memref<1x32x128xf32, #tpu.memory_space<vmem>>
      %dma_wait3A_1315 = tpu.memref_squeeze %dma_wait3A_1314 : memref<1x32x128xf32, #tpu.memory_space<vmem>> -> memref<32x128xf32, #tpu.memory_space<vmem>>
      %dma_wait3A_1316 = arith.constant 0 : i32
      %dma_wait3A_1317 = arith.constant 0 : i32
      %dma_wait3A_1318 = tpu.memref_slice %arg4[%dma_wait3A_1316, %dma_wait3A_1317] : memref<32x1000000xf32, #tpu.memory_space<hbm>> -> memref<32x128xf32, #tpu.memory_space<hbm>>
      %dma_wait3A_1319 = arith.constant 0 : i32
      %dma_wait3A_1320 = arith.constant 0 : i32
      %dma_wait3A_1321 = tpu.memref_slice %arg10[%dma_wait3A_1311, %dma_wait3A_1319, %dma_wait3A_1320] : memref<8x32x128xf32, #tpu.memory_space<vmem>> -> memref<1x32x128xf32, #tpu.memory_space<vmem>>
      %dma_wait3A_1322 = tpu.memref_squeeze %dma_wait3A_1321 : memref<1x32x128xf32, #tpu.memory_space<vmem>> -> memref<32x128xf32, #tpu.memory_space<vmem>>
      %dma_wait3A_1323 = arith.constant 0 : i32
      %dma_wait3A_1324 = arith.constant 0 : i32
      %dma_wait3A_1325 = tpu.memref_slice %arg4[%dma_wait3A_1323, %dma_wait3A_1324] : memref<32x1000000xf32, #tpu.memory_space<hbm>> -> memref<32x128xf32, #tpu.memory_space<hbm>>
      tpu.wait_dma2 semaphore(%arg15 : memref<!tpu.dma_semaphore, #tpu.memory_space<semaphore_mem>>) src(%dma_wait3A_1325 : memref<32x128xf32, #tpu.memory_space<hbm>>) dst(%dma_wait3A_1322 : memref<32x128xf32, #tpu.memory_space<vmem>>)
      %add3A_1326 = arith.constant 1 : i32
      %add3A_1327 = arith.addi %scan3A_152, %add3A_1326 : i32
      %lt3A_1328 = arith.constant 32 : i32
      %lt3A_1329 = arith.cmpi slt, %add3A_1327, %lt3A_1328 : i32
      %convert_element_type3A_1330 = arith.extui %lt3A_1329 : i1 to i32
      %cond3A_1331 = arith.constant 0 : i32
      %cond3A_1332 = arith.cmpi ne, %convert_element_type3A_1330, %cond3A_1331 : i32
      scf.if %cond3A_1332 {
        %add3A_2061 = arith.constant 16 : i32
        %add3A_2062 = arith.addi %multiple_of3A_156, %add3A_2061 : i32
        %get3A_2063 = arith.index_cast %add3A_2062 : i32 to index
        %get3A_2064 = tpu.vector_load %arg8[%get3A_2063] {strides = array<i32>} : memref<512xi32, #tpu.memory_space<vmem>>, vector<16xi32>,
        %and3A_2065 = arith.constant -128 : i32
        %and3A_2066 = vector.broadcast %and3A_2065 : i32 to vector<16xi32>
        %and3A_2067 = arith.andi %get3A_2064, %and3A_2066 : vector<16xi32>
        %get3A_2068 = arith.index_cast %add3A_2062 : i32 to index
        %get3A_2069 = tpu.vector_load %arg9[%get3A_2068] {strides = array<i32>} : memref<512xi32, #tpu.memory_space<vmem>>, vector<16xi32>,
        %and3A_2070 = arith.constant -128 : i32
        %and3A_2071 = vector.broadcast %and3A_2070 : i32 to vector<16xi32>
        %and3A_2072 = arith.andi %get3A_2069, %and3A_2071 : vector<16xi32>
        %slice3A_2073 = vector.extract_strided_slice %and3A_2067 {offsets = [1], sizes = [1], strides = [1]} : vector<16xi32> to vector<1xi32>
        %squeeze3A_2074 = vector.extract %slice3A_2073[0] : i32 from vector<1xi32>
        %multiple_of3A_2075 = tpu.assume_multiple %squeeze3A_2074, 128 : i32
        %dma_start3A_2076 = arith.constant 1 : i32
        %dma_start3A_2077 = arith.constant 0 : i32
        %dma_start3A_2078 = arith.constant 0 : i32
        %dma_start3A_2079 = tpu.memref_slice %arg10[%dma_start3A_2076, %dma_start3A_2077, %dma_start3A_2078] : memref<8x32x128xf32, #tpu.memory_space<vmem>> -> memref<1x32x128xf32, #tpu.memory_space<vmem>>
        %dma_start3A_2080 = tpu.memref_squeeze %dma_start3A_2079 : memref<1x32x128xf32, #tpu.memory_space<vmem>> -> memref<32x128xf32, #tpu.memory_space<vmem>>
        %dma_start3A_2081 = arith.constant 0 : i32
        %dma_start3A_2082 = tpu.memref_slice %arg4[%dma_start3A_2081, %multiple_of3A_2075] : memref<32x1000000xf32, #tpu.memory_space<hbm>> -> memref<32x128xf32, #tpu.memory_space<hbm>>
        %dma_start3A_2083 = arith.constant 0 : i32
        %dma_start3A_2084 = arith.constant 0 : i32
        %dma_start3A_2085 = tpu.memref_slice %arg10[%dma_start3A_2076, %dma_start3A_2083, %dma_start3A_2084] : memref<8x32x128xf32, #tpu.memory_space<vmem>> -> memref<1x32x128xf32, #tpu.memory_space<vmem>>
        %dma_start3A_2086 = tpu.memref_squeeze %dma_start3A_2085 : memref<1x32x128xf32, #tpu.memory_space<vmem>> -> memref<32x128xf32, #tpu.memory_space<vmem>>
        %dma_start3A_2087 = arith.constant 0 : i32
        %dma_start3A_2088 = tpu.memref_slice %arg4[%dma_start3A_2087, %multiple_of3A_2075] : memref<32x1000000xf32, #tpu.memory_space<hbm>> -> memref<32x128xf32, #tpu.memory_space<hbm>>
        tpu.enqueue_dma source(%dma_start3A_2088 : memref<32x128xf32, #tpu.memory_space<hbm>>) target(%dma_start3A_2086 : memref<32x128xf32, #tpu.memory_space<vmem>>) target_semaphore(%arg15 : memref<!tpu.dma_semaphore, #tpu.memory_space<semaphore_mem>>)
      } else {
      }
      %broadcast_in_dim3A_1333 = arith.constant 1 : i32
      %broadcast_in_dim3A_1334 = vector.broadcast %broadcast_in_dim3A_1333 : i32 to vector<16xi32>
      %slice3A_1335 = vector.extract_strided_slice %and3A_176 {offsets = [9], sizes = [1], strides = [1]} : vector<16xi32> to vector<1xi32>
      %squeeze3A_1336 = vector.extract %slice3A_1335[0] : i32 from vector<1xi32>
      %broadcast_in_dim3A_1337 = vector.broadcast %squeeze3A_1336 : i32 to vector<16xi32>
      %gather3A_1338 = tpu.vector_load_idx %arg10[%broadcast_in_dim3A_1334, %iota3A, %broadcast_in_dim3A_1337] : memref<8x32x128xf32, #tpu.memory_space<vmem>>[vector<16xi32>, vector<16xi32>, vector<16xi32>], vector<16xf32>,
      %gather3A_1339 = tpu.vector_load_idx %arg10[%broadcast_in_dim3A_1334, %add3A_5, %broadcast_in_dim3A_1337] : memref<8x32x128xf32, #tpu.memory_space<vmem>>[vector<16xi32>, vector<16xi32>, vector<16xi32>], vector<16xf32>,
      %swap3A_1340 = arith.constant 9 : i32
      %swap3A_1341 = arith.index_cast %swap3A_1340 : i32 to index
      %swap3A_1342 = arith.constant 0 : index
      %swap3A_1343 = tpu.vector_load %arg12[%swap3A_1341, %swap3A_1342] {strides = array<i32>} : memref<16x32xf32, #tpu.memory_space<vmem>>, vector<16xf32>,
      tpu.vector_store %arg12[%swap3A_1341, %swap3A_1342], %gather3A_1338 {strides = array<i32>} : memref<16x32xf32, #tpu.memory_space<vmem>>, vector<16xf32>,
      %swap3A_1344 = arith.constant 9 : i32
      %swap3A_1345 = arith.index_cast %swap3A_1344 : i32 to index
      %swap3A_1346 = arith.constant 16 : index
      %swap3A_1347 = tpu.vector_load %arg12[%swap3A_1345, %swap3A_1346] {strides = array<i32>} : memref<16x32xf32, #tpu.memory_space<vmem>>, vector<16xf32>,
      tpu.vector_store %arg12[%swap3A_1345, %swap3A_1346], %gather3A_1339 {strides = array<i32>} : memref<16x32xf32, #tpu.memory_space<vmem>>, vector<16xf32>,
      %dma_wait3A_1348 = arith.constant 2 : i32
      %dma_wait3A_1349 = arith.constant 0 : i32
      %dma_wait3A_1350 = arith.constant 0 : i32
      %dma_wait3A_1351 = tpu.memref_slice %arg10[%dma_wait3A_1348, %dma_wait3A_1349, %dma_wait3A_1350] : memref<8x32x128xf32, #tpu.memory_space<vmem>> -> memref<1x32x128xf32, #tpu.memory_space<vmem>>
      %dma_wait3A_1352 = tpu.memref_squeeze %dma_wait3A_1351 : memref<1x32x128xf32, #tpu.memory_space<vmem>> -> memref<32x128xf32, #tpu.memory_space<vmem>>
      %dma_wait3A_1353 = arith.constant 0 : i32
      %dma_wait3A_1354 = arith.constant 0 : i32
      %dma_wait3A_1355 = tpu.memref_slice %arg4[%dma_wait3A_1353, %dma_wait3A_1354] : memref<32x1000000xf32, #tpu.memory_space<hbm>> -> memref<32x128xf32, #tpu.memory_space<hbm>>
      %dma_wait3A_1356 = arith.constant 0 : i32
      %dma_wait3A_1357 = arith.constant 0 : i32
      %dma_wait3A_1358 = tpu.memref_slice %arg10[%dma_wait3A_1348, %dma_wait3A_1356, %dma_wait3A_1357] : memref<8x32x128xf32, #tpu.memory_space<vmem>> -> memref<1x32x128xf32, #tpu.memory_space<vmem>>
      %dma_wait3A_1359 = tpu.memref_squeeze %dma_wait3A_1358 : memref<1x32x128xf32, #tpu.memory_space<vmem>> -> memref<32x128xf32, #tpu.memory_space<vmem>>
      %dma_wait3A_1360 = arith.constant 0 : i32
      %dma_wait3A_1361 = arith.constant 0 : i32
      %dma_wait3A_1362 = tpu.memref_slice %arg4[%dma_wait3A_1360, %dma_wait3A_1361] : memref<32x1000000xf32, #tpu.memory_space<hbm>> -> memref<32x128xf32, #tpu.memory_space<hbm>>
      tpu.wait_dma2 semaphore(%arg15 : memref<!tpu.dma_semaphore, #tpu.memory_space<semaphore_mem>>) src(%dma_wait3A_1362 : memref<32x128xf32, #tpu.memory_space<hbm>>) dst(%dma_wait3A_1359 : memref<32x128xf32, #tpu.memory_space<vmem>>)
      %add3A_1363 = arith.constant 1 : i32
      %add3A_1364 = arith.addi %scan3A_152, %add3A_1363 : i32
      %lt3A_1365 = arith.constant 32 : i32
      %lt3A_1366 = arith.cmpi slt, %add3A_1364, %lt3A_1365 : i32
      %convert_element_type3A_1367 = arith.extui %lt3A_1366 : i1 to i32
      %cond3A_1368 = arith.constant 0 : i32
      %cond3A_1369 = arith.cmpi ne, %convert_element_type3A_1367, %cond3A_1368 : i32
      scf.if %cond3A_1369 {
        %add3A_2061 = arith.constant 16 : i32
        %add3A_2062 = arith.addi %multiple_of3A_156, %add3A_2061 : i32
        %get3A_2063 = arith.index_cast %add3A_2062 : i32 to index
        %get3A_2064 = tpu.vector_load %arg8[%get3A_2063] {strides = array<i32>} : memref<512xi32, #tpu.memory_space<vmem>>, vector<16xi32>,
        %and3A_2065 = arith.constant -128 : i32
        %and3A_2066 = vector.broadcast %and3A_2065 : i32 to vector<16xi32>
        %and3A_2067 = arith.andi %get3A_2064, %and3A_2066 : vector<16xi32>
        %get3A_2068 = arith.index_cast %add3A_2062 : i32 to index
        %get3A_2069 = tpu.vector_load %arg9[%get3A_2068] {strides = array<i32>} : memref<512xi32, #tpu.memory_space<vmem>>, vector<16xi32>,
        %and3A_2070 = arith.constant -128 : i32
        %and3A_2071 = vector.broadcast %and3A_2070 : i32 to vector<16xi32>
        %and3A_2072 = arith.andi %get3A_2069, %and3A_2071 : vector<16xi32>
        %slice3A_2073 = vector.extract_strided_slice %and3A_2067 {offsets = [2], sizes = [1], strides = [1]} : vector<16xi32> to vector<1xi32>
        %squeeze3A_2074 = vector.extract %slice3A_2073[0] : i32 from vector<1xi32>
        %multiple_of3A_2075 = tpu.assume_multiple %squeeze3A_2074, 128 : i32
        %dma_start3A_2076 = arith.constant 2 : i32
        %dma_start3A_2077 = arith.constant 0 : i32
        %dma_start3A_2078 = arith.constant 0 : i32
        %dma_start3A_2079 = tpu.memref_slice %arg10[%dma_start3A_2076, %dma_start3A_2077, %dma_start3A_2078] : memref<8x32x128xf32, #tpu.memory_space<vmem>> -> memref<1x32x128xf32, #tpu.memory_space<vmem>>
        %dma_start3A_2080 = tpu.memref_squeeze %dma_start3A_2079 : memref<1x32x128xf32, #tpu.memory_space<vmem>> -> memref<32x128xf32, #tpu.memory_space<vmem>>
        %dma_start3A_2081 = arith.constant 0 : i32
        %dma_start3A_2082 = tpu.memref_slice %arg4[%dma_start3A_2081, %multiple_of3A_2075] : memref<32x1000000xf32, #tpu.memory_space<hbm>> -> memref<32x128xf32, #tpu.memory_space<hbm>>
        %dma_start3A_2083 = arith.constant 0 : i32
        %dma_start3A_2084 = arith.constant 0 : i32
        %dma_start3A_2085 = tpu.memref_slice %arg10[%dma_start3A_2076, %dma_start3A_2083, %dma_start3A_2084] : memref<8x32x128xf32, #tpu.memory_space<vmem>> -> memref<1x32x128xf32, #tpu.memory_space<vmem>>
        %dma_start3A_2086 = tpu.memref_squeeze %dma_start3A_2085 : memref<1x32x128xf32, #tpu.memory_space<vmem>> -> memref<32x128xf32, #tpu.memory_space<vmem>>
        %dma_start3A_2087 = arith.constant 0 : i32
        %dma_start3A_2088 = tpu.memref_slice %arg4[%dma_start3A_2087, %multiple_of3A_2075] : memref<32x1000000xf32, #tpu.memory_space<hbm>> -> memref<32x128xf32, #tpu.memory_space<hbm>>
        tpu.enqueue_dma source(%dma_start3A_2088 : memref<32x128xf32, #tpu.memory_space<hbm>>) target(%dma_start3A_2086 : memref<32x128xf32, #tpu.memory_space<vmem>>) target_semaphore(%arg15 : memref<!tpu.dma_semaphore, #tpu.memory_space<semaphore_mem>>)
      } else {
      }
      %broadcast_in_dim3A_1370 = arith.constant 2 : i32
      %broadcast_in_dim3A_1371 = vector.broadcast %broadcast_in_dim3A_1370 : i32 to vector<16xi32>
      %slice3A_1372 = vector.extract_strided_slice %and3A_176 {offsets = [10], sizes = [1], strides = [1]} : vector<16xi32> to vector<1xi32>
      %squeeze3A_1373 = vector.extract %slice3A_1372[0] : i32 from vector<1xi32>
      %broadcast_in_dim3A_1374 = vector.broadcast %squeeze3A_1373 : i32 to vector<16xi32>
      %gather3A_1375 = tpu.vector_load_idx %arg10[%broadcast_in_dim3A_1371, %iota3A, %broadcast_in_dim3A_1374] : memref<8x32x128xf32, #tpu.memory_space<vmem>>[vector<16xi32>, vector<16xi32>, vector<16xi32>], vector<16xf32>,
      %gather3A_1376 = tpu.vector_load_idx %arg10[%broadcast_in_dim3A_1371, %add3A_5, %broadcast_in_dim3A_1374] : memref<8x32x128xf32, #tpu.memory_space<vmem>>[vector<16xi32>, vector<16xi32>, vector<16xi32>], vector<16xf32>,
      %swap3A_1377 = arith.constant 10 : i32
      %swap3A_1378 = arith.index_cast %swap3A_1377 : i32 to index
      %swap3A_1379 = arith.constant 0 : index
      %swap3A_1380 = tpu.vector_load %arg12[%swap3A_1378, %swap3A_1379] {strides = array<i32>} : memref<16x32xf32, #tpu.memory_space<vmem>>, vector<16xf32>,
      tpu.vector_store %arg12[%swap3A_1378, %swap3A_1379], %gather3A_1375 {strides = array<i32>} : memref<16x32xf32, #tpu.memory_space<vmem>>, vector<16xf32>,
      %swap3A_1381 = arith.constant 10 : i32
      %swap3A_1382 = arith.index_cast %swap3A_1381 : i32 to index
      %swap3A_1383 = arith.constant 16 : index
      %swap3A_1384 = tpu.vector_load %arg12[%swap3A_1382, %swap3A_1383] {strides = array<i32>} : memref<16x32xf32, #tpu.memory_space<vmem>>, vector<16xf32>,
      tpu.vector_store %arg12[%swap3A_1382, %swap3A_1383], %gather3A_1376 {strides = array<i32>} : memref<16x32xf32, #tpu.memory_space<vmem>>, vector<16xf32>,
      %dma_wait3A_1385 = arith.constant 3 : i32
      %dma_wait3A_1386 = arith.constant 0 : i32
      %dma_wait3A_1387 = arith.constant 0 : i32
      %dma_wait3A_1388 = tpu.memref_slice %arg10[%dma_wait3A_1385, %dma_wait3A_1386, %dma_wait3A_1387] : memref<8x32x128xf32, #tpu.memory_space<vmem>> -> memref<1x32x128xf32, #tpu.memory_space<vmem>>
      %dma_wait3A_1389 = tpu.memref_squeeze %dma_wait3A_1388 : memref<1x32x128xf32, #tpu.memory_space<vmem>> -> memref<32x128xf32, #tpu.memory_space<vmem>>
      %dma_wait3A_1390 = arith.constant 0 : i32
      %dma_wait3A_1391 = arith.constant 0 : i32
      %dma_wait3A_1392 = tpu.memref_slice %arg4[%dma_wait3A_1390, %dma_wait3A_1391] : memref<32x1000000xf32, #tpu.memory_space<hbm>> -> memref<32x128xf32, #tpu.memory_space<hbm>>
      %dma_wait3A_1393 = arith.constant 0 : i32
      %dma_wait3A_1394 = arith.constant 0 : i32
      %dma_wait3A_1395 = tpu.memref_slice %arg10[%dma_wait3A_1385, %dma_wait3A_1393, %dma_wait3A_1394] : memref<8x32x128xf32, #tpu.memory_space<vmem>> -> memref<1x32x128xf32, #tpu.memory_space<vmem>>
      %dma_wait3A_1396 = tpu.memref_squeeze %dma_wait3A_1395 : memref<1x32x128xf32, #tpu.memory_space<vmem>> -> memref<32x128xf32, #tpu.memory_space<vmem>>
      %dma_wait3A_1397 = arith.constant 0 : i32
      %dma_wait3A_1398 = arith.constant 0 : i32
      %dma_wait3A_1399 = tpu.memref_slice %arg4[%dma_wait3A_1397, %dma_wait3A_1398] : memref<32x1000000xf32, #tpu.memory_space<hbm>> -> memref<32x128xf32, #tpu.memory_space<hbm>>
      tpu.wait_dma2 semaphore(%arg15 : memref<!tpu.dma_semaphore, #tpu.memory_space<semaphore_mem>>) src(%dma_wait3A_1399 : memref<32x128xf32, #tpu.memory_space<hbm>>) dst(%dma_wait3A_1396 : memref<32x128xf32, #tpu.memory_space<vmem>>)
      %add3A_1400 = arith.constant 1 : i32
      %add3A_1401 = arith.addi %scan3A_152, %add3A_1400 : i32
      %lt3A_1402 = arith.constant 32 : i32
      %lt3A_1403 = arith.cmpi slt, %add3A_1401, %lt3A_1402 : i32
      %convert_element_type3A_1404 = arith.extui %lt3A_1403 : i1 to i32
      %cond3A_1405 = arith.constant 0 : i32
      %cond3A_1406 = arith.cmpi ne, %convert_element_type3A_1404, %cond3A_1405 : i32
      scf.if %cond3A_1406 {
        %add3A_2061 = arith.constant 16 : i32
        %add3A_2062 = arith.addi %multiple_of3A_156, %add3A_2061 : i32
        %get3A_2063 = arith.index_cast %add3A_2062 : i32 to index
        %get3A_2064 = tpu.vector_load %arg8[%get3A_2063] {strides = array<i32>} : memref<512xi32, #tpu.memory_space<vmem>>, vector<16xi32>,
        %and3A_2065 = arith.constant -128 : i32
        %and3A_2066 = vector.broadcast %and3A_2065 : i32 to vector<16xi32>
        %and3A_2067 = arith.andi %get3A_2064, %and3A_2066 : vector<16xi32>
        %get3A_2068 = arith.index_cast %add3A_2062 : i32 to index
        %get3A_2069 = tpu.vector_load %arg9[%get3A_2068] {strides = array<i32>} : memref<512xi32, #tpu.memory_space<vmem>>, vector<16xi32>,
        %and3A_2070 = arith.constant -128 : i32
        %and3A_2071 = vector.broadcast %and3A_2070 : i32 to vector<16xi32>
        %and3A_2072 = arith.andi %get3A_2069, %and3A_2071 : vector<16xi32>
        %slice3A_2073 = vector.extract_strided_slice %and3A_2067 {offsets = [3], sizes = [1], strides = [1]} : vector<16xi32> to vector<1xi32>
        %squeeze3A_2074 = vector.extract %slice3A_2073[0] : i32 from vector<1xi32>
        %multiple_of3A_2075 = tpu.assume_multiple %squeeze3A_2074, 128 : i32
        %dma_start3A_2076 = arith.constant 3 : i32
        %dma_start3A_2077 = arith.constant 0 : i32
        %dma_start3A_2078 = arith.constant 0 : i32
        %dma_start3A_2079 = tpu.memref_slice %arg10[%dma_start3A_2076, %dma_start3A_2077, %dma_start3A_2078] : memref<8x32x128xf32, #tpu.memory_space<vmem>> -> memref<1x32x128xf32, #tpu.memory_space<vmem>>
        %dma_start3A_2080 = tpu.memref_squeeze %dma_start3A_2079 : memref<1x32x128xf32, #tpu.memory_space<vmem>> -> memref<32x128xf32, #tpu.memory_space<vmem>>
        %dma_start3A_2081 = arith.constant 0 : i32
        %dma_start3A_2082 = tpu.memref_slice %arg4[%dma_start3A_2081, %multiple_of3A_2075] : memref<32x1000000xf32, #tpu.memory_space<hbm>> -> memref<32x128xf32, #tpu.memory_space<hbm>>
        %dma_start3A_2083 = arith.constant 0 : i32
        %dma_start3A_2084 = arith.constant 0 : i32
        %dma_start3A_2085 = tpu.memref_slice %arg10[%dma_start3A_2076, %dma_start3A_2083, %dma_start3A_2084] : memref<8x32x128xf32, #tpu.memory_space<vmem>> -> memref<1x32x128xf32, #tpu.memory_space<vmem>>
        %dma_start3A_2086 = tpu.memref_squeeze %dma_start3A_2085 : memref<1x32x128xf32, #tpu.memory_space<vmem>> -> memref<32x128xf32, #tpu.memory_space<vmem>>
        %dma_start3A_2087 = arith.constant 0 : i32
        %dma_start3A_2088 = tpu.memref_slice %arg4[%dma_start3A_2087, %multiple_of3A_2075] : memref<32x1000000xf32, #tpu.memory_space<hbm>> -> memref<32x128xf32, #tpu.memory_space<hbm>>
        tpu.enqueue_dma source(%dma_start3A_2088 : memref<32x128xf32, #tpu.memory_space<hbm>>) target(%dma_start3A_2086 : memref<32x128xf32, #tpu.memory_space<vmem>>) target_semaphore(%arg15 : memref<!tpu.dma_semaphore, #tpu.memory_space<semaphore_mem>>)
      } else {
      }
      %broadcast_in_dim3A_1407 = arith.constant 3 : i32
      %broadcast_in_dim3A_1408 = vector.broadcast %broadcast_in_dim3A_1407 : i32 to vector<16xi32>
      %slice3A_1409 = vector.extract_strided_slice %and3A_176 {offsets = [11], sizes = [1], strides = [1]} : vector<16xi32> to vector<1xi32>
      %squeeze3A_1410 = vector.extract %slice3A_1409[0] : i32 from vector<1xi32>
      %broadcast_in_dim3A_1411 = vector.broadcast %squeeze3A_1410 : i32 to vector<16xi32>
      %gather3A_1412 = tpu.vector_load_idx %arg10[%broadcast_in_dim3A_1408, %iota3A, %broadcast_in_dim3A_1411] : memref<8x32x128xf32, #tpu.memory_space<vmem>>[vector<16xi32>, vector<16xi32>, vector<16xi32>], vector<16xf32>,
      %gather3A_1413 = tpu.vector_load_idx %arg10[%broadcast_in_dim3A_1408, %add3A_5, %broadcast_in_dim3A_1411] : memref<8x32x128xf32, #tpu.memory_space<vmem>>[vector<16xi32>, vector<16xi32>, vector<16xi32>], vector<16xf32>,
      %swap3A_1414 = arith.constant 11 : i32
      %swap3A_1415 = arith.index_cast %swap3A_1414 : i32 to index
      %swap3A_1416 = arith.constant 0 : index
      %swap3A_1417 = tpu.vector_load %arg12[%swap3A_1415, %swap3A_1416] {strides = array<i32>} : memref<16x32xf32, #tpu.memory_space<vmem>>, vector<16xf32>,
      tpu.vector_store %arg12[%swap3A_1415, %swap3A_1416], %gather3A_1412 {strides = array<i32>} : memref<16x32xf32, #tpu.memory_space<vmem>>, vector<16xf32>,
      %swap3A_1418 = arith.constant 11 : i32
      %swap3A_1419 = arith.index_cast %swap3A_1418 : i32 to index
      %swap3A_1420 = arith.constant 16 : index
      %swap3A_1421 = tpu.vector_load %arg12[%swap3A_1419, %swap3A_1420] {strides = array<i32>} : memref<16x32xf32, #tpu.memory_space<vmem>>, vector<16xf32>,
      tpu.vector_store %arg12[%swap3A_1419, %swap3A_1420], %gather3A_1413 {strides = array<i32>} : memref<16x32xf32, #tpu.memory_space<vmem>>, vector<16xf32>,
      %dma_wait3A_1422 = arith.constant 4 : i32
      %dma_wait3A_1423 = arith.constant 0 : i32
      %dma_wait3A_1424 = arith.constant 0 : i32
      %dma_wait3A_1425 = tpu.memref_slice %arg10[%dma_wait3A_1422, %dma_wait3A_1423, %dma_wait3A_1424] : memref<8x32x128xf32, #tpu.memory_space<vmem>> -> memref<1x32x128xf32, #tpu.memory_space<vmem>>
      %dma_wait3A_1426 = tpu.memref_squeeze %dma_wait3A_1425 : memref<1x32x128xf32, #tpu.memory_space<vmem>> -> memref<32x128xf32, #tpu.memory_space<vmem>>
      %dma_wait3A_1427 = arith.constant 0 : i32
      %dma_wait3A_1428 = arith.constant 0 : i32
      %dma_wait3A_1429 = tpu.memref_slice %arg4[%dma_wait3A_1427, %dma_wait3A_1428] : memref<32x1000000xf32, #tpu.memory_space<hbm>> -> memref<32x128xf32, #tpu.memory_space<hbm>>
      %dma_wait3A_1430 = arith.constant 0 : i32
      %dma_wait3A_1431 = arith.constant 0 : i32
      %dma_wait3A_1432 = tpu.memref_slice %arg10[%dma_wait3A_1422, %dma_wait3A_1430, %dma_wait3A_1431] : memref<8x32x128xf32, #tpu.memory_space<vmem>> -> memref<1x32x128xf32, #tpu.memory_space<vmem>>
      %dma_wait3A_1433 = tpu.memref_squeeze %dma_wait3A_1432 : memref<1x32x128xf32, #tpu.memory_space<vmem>> -> memref<32x128xf32, #tpu.memory_space<vmem>>
      %dma_wait3A_1434 = arith.constant 0 : i32
      %dma_wait3A_1435 = arith.constant 0 : i32
      %dma_wait3A_1436 = tpu.memref_slice %arg4[%dma_wait3A_1434, %dma_wait3A_1435] : memref<32x1000000xf32, #tpu.memory_space<hbm>> -> memref<32x128xf32, #tpu.memory_space<hbm>>
      tpu.wait_dma2 semaphore(%arg15 : memref<!tpu.dma_semaphore, #tpu.memory_space<semaphore_mem>>) src(%dma_wait3A_1436 : memref<32x128xf32, #tpu.memory_space<hbm>>) dst(%dma_wait3A_1433 : memref<32x128xf32, #tpu.memory_space<vmem>>)
      %add3A_1437 = arith.constant 1 : i32
      %add3A_1438 = arith.addi %scan3A_152, %add3A_1437 : i32
      %lt3A_1439 = arith.constant 32 : i32
      %lt3A_1440 = arith.cmpi slt, %add3A_1438, %lt3A_1439 : i32
      %convert_element_type3A_1441 = arith.extui %lt3A_1440 : i1 to i32
      %cond3A_1442 = arith.constant 0 : i32
      %cond3A_1443 = arith.cmpi ne, %convert_element_type3A_1441, %cond3A_1442 : i32
      scf.if %cond3A_1443 {
        %add3A_2061 = arith.constant 16 : i32
        %add3A_2062 = arith.addi %multiple_of3A_156, %add3A_2061 : i32
        %get3A_2063 = arith.index_cast %add3A_2062 : i32 to index
        %get3A_2064 = tpu.vector_load %arg8[%get3A_2063] {strides = array<i32>} : memref<512xi32, #tpu.memory_space<vmem>>, vector<16xi32>,
        %and3A_2065 = arith.constant -128 : i32
        %and3A_2066 = vector.broadcast %and3A_2065 : i32 to vector<16xi32>
        %and3A_2067 = arith.andi %get3A_2064, %and3A_2066 : vector<16xi32>
        %get3A_2068 = arith.index_cast %add3A_2062 : i32 to index
        %get3A_2069 = tpu.vector_load %arg9[%get3A_2068] {strides = array<i32>} : memref<512xi32, #tpu.memory_space<vmem>>, vector<16xi32>,
        %and3A_2070 = arith.constant -128 : i32
        %and3A_2071 = vector.broadcast %and3A_2070 : i32 to vector<16xi32>
        %and3A_2072 = arith.andi %get3A_2069, %and3A_2071 : vector<16xi32>
        %slice3A_2073 = vector.extract_strided_slice %and3A_2067 {offsets = [4], sizes = [1], strides = [1]} : vector<16xi32> to vector<1xi32>
        %squeeze3A_2074 = vector.extract %slice3A_2073[0] : i32 from vector<1xi32>
        %multiple_of3A_2075 = tpu.assume_multiple %squeeze3A_2074, 128 : i32
        %dma_start3A_2076 = arith.constant 4 : i32
        %dma_start3A_2077 = arith.constant 0 : i32
        %dma_start3A_2078 = arith.constant 0 : i32
        %dma_start3A_2079 = tpu.memref_slice %arg10[%dma_start3A_2076, %dma_start3A_2077, %dma_start3A_2078] : memref<8x32x128xf32, #tpu.memory_space<vmem>> -> memref<1x32x128xf32, #tpu.memory_space<vmem>>
        %dma_start3A_2080 = tpu.memref_squeeze %dma_start3A_2079 : memref<1x32x128xf32, #tpu.memory_space<vmem>> -> memref<32x128xf32, #tpu.memory_space<vmem>>
        %dma_start3A_2081 = arith.constant 0 : i32
        %dma_start3A_2082 = tpu.memref_slice %arg4[%dma_start3A_2081, %multiple_of3A_2075] : memref<32x1000000xf32, #tpu.memory_space<hbm>> -> memref<32x128xf32, #tpu.memory_space<hbm>>
        %dma_start3A_2083 = arith.constant 0 : i32
        %dma_start3A_2084 = arith.constant 0 : i32
        %dma_start3A_2085 = tpu.memref_slice %arg10[%dma_start3A_2076, %dma_start3A_2083, %dma_start3A_2084] : memref<8x32x128xf32, #tpu.memory_space<vmem>> -> memref<1x32x128xf32, #tpu.memory_space<vmem>>
        %dma_start3A_2086 = tpu.memref_squeeze %dma_start3A_2085 : memref<1x32x128xf32, #tpu.memory_space<vmem>> -> memref<32x128xf32, #tpu.memory_space<vmem>>
        %dma_start3A_2087 = arith.constant 0 : i32
        %dma_start3A_2088 = tpu.memref_slice %arg4[%dma_start3A_2087, %multiple_of3A_2075] : memref<32x1000000xf32, #tpu.memory_space<hbm>> -> memref<32x128xf32, #tpu.memory_space<hbm>>
        tpu.enqueue_dma source(%dma_start3A_2088 : memref<32x128xf32, #tpu.memory_space<hbm>>) target(%dma_start3A_2086 : memref<32x128xf32, #tpu.memory_space<vmem>>) target_semaphore(%arg15 : memref<!tpu.dma_semaphore, #tpu.memory_space<semaphore_mem>>)
      } else {
      }
      %broadcast_in_dim3A_1444 = arith.constant 4 : i32
      %broadcast_in_dim3A_1445 = vector.broadcast %broadcast_in_dim3A_1444 : i32 to vector<16xi32>
      %slice3A_1446 = vector.extract_strided_slice %and3A_176 {offsets = [12], sizes = [1], strides = [1]} : vector<16xi32> to vector<1xi32>
      %squeeze3A_1447 = vector.extract %slice3A_1446[0] : i32 from vector<1xi32>
      %broadcast_in_dim3A_1448 = vector.broadcast %squeeze3A_1447 : i32 to vector<16xi32>
      %gather3A_1449 = tpu.vector_load_idx %arg10[%broadcast_in_dim3A_1445, %iota3A, %broadcast_in_dim3A_1448] : memref<8x32x128xf32, #tpu.memory_space<vmem>>[vector<16xi32>, vector<16xi32>, vector<16xi32>], vector<16xf32>,
      %gather3A_1450 = tpu.vector_load_idx %arg10[%broadcast_in_dim3A_1445, %add3A_5, %broadcast_in_dim3A_1448] : memref<8x32x128xf32, #tpu.memory_space<vmem>>[vector<16xi32>, vector<16xi32>, vector<16xi32>], vector<16xf32>,
      %swap3A_1451 = arith.constant 12 : i32
      %swap3A_1452 = arith.index_cast %swap3A_1451 : i32 to index
      %swap3A_1453 = arith.constant 0 : index
      %swap3A_1454 = tpu.vector_load %arg12[%swap3A_1452, %swap3A_1453] {strides = array<i32>} : memref<16x32xf32, #tpu.memory_space<vmem>>, vector<16xf32>,
      tpu.vector_store %arg12[%swap3A_1452, %swap3A_1453], %gather3A_1449 {strides = array<i32>} : memref<16x32xf32, #tpu.memory_space<vmem>>, vector<16xf32>,
      %swap3A_1455 = arith.constant 12 : i32
      %swap3A_1456 = arith.index_cast %swap3A_1455 : i32 to index
      %swap3A_1457 = arith.constant 16 : index
      %swap3A_1458 = tpu.vector_load %arg12[%swap3A_1456, %swap3A_1457] {strides = array<i32>} : memref<16x32xf32, #tpu.memory_space<vmem>>, vector<16xf32>,
      tpu.vector_store %arg12[%swap3A_1456, %swap3A_1457], %gather3A_1450 {strides = array<i32>} : memref<16x32xf32, #tpu.memory_space<vmem>>, vector<16xf32>,
      %dma_wait3A_1459 = arith.constant 5 : i32
      %dma_wait3A_1460 = arith.constant 0 : i32
      %dma_wait3A_1461 = arith.constant 0 : i32
      %dma_wait3A_1462 = tpu.memref_slice %arg10[%dma_wait3A_1459, %dma_wait3A_1460, %dma_wait3A_1461] : memref<8x32x128xf32, #tpu.memory_space<vmem>> -> memref<1x32x128xf32, #tpu.memory_space<vmem>>
      %dma_wait3A_1463 = tpu.memref_squeeze %dma_wait3A_1462 : memref<1x32x128xf32, #tpu.memory_space<vmem>> -> memref<32x128xf32, #tpu.memory_space<vmem>>
      %dma_wait3A_1464 = arith.constant 0 : i32
      %dma_wait3A_1465 = arith.constant 0 : i32
      %dma_wait3A_1466 = tpu.memref_slice %arg4[%dma_wait3A_1464, %dma_wait3A_1465] : memref<32x1000000xf32, #tpu.memory_space<hbm>> -> memref<32x128xf32, #tpu.memory_space<hbm>>
      %dma_wait3A_1467 = arith.constant 0 : i32
      %dma_wait3A_1468 = arith.constant 0 : i32
      %dma_wait3A_1469 = tpu.memref_slice %arg10[%dma_wait3A_1459, %dma_wait3A_1467, %dma_wait3A_1468] : memref<8x32x128xf32, #tpu.memory_space<vmem>> -> memref<1x32x128xf32, #tpu.memory_space<vmem>>
      %dma_wait3A_1470 = tpu.memref_squeeze %dma_wait3A_1469 : memref<1x32x128xf32, #tpu.memory_space<vmem>> -> memref<32x128xf32, #tpu.memory_space<vmem>>
      %dma_wait3A_1471 = arith.constant 0 : i32
      %dma_wait3A_1472 = arith.constant 0 : i32
      %dma_wait3A_1473 = tpu.memref_slice %arg4[%dma_wait3A_1471, %dma_wait3A_1472] : memref<32x1000000xf32, #tpu.memory_space<hbm>> -> memref<32x128xf32, #tpu.memory_space<hbm>>
      tpu.wait_dma2 semaphore(%arg15 : memref<!tpu.dma_semaphore, #tpu.memory_space<semaphore_mem>>) src(%dma_wait3A_1473 : memref<32x128xf32, #tpu.memory_space<hbm>>) dst(%dma_wait3A_1470 : memref<32x128xf32, #tpu.memory_space<vmem>>)
      %add3A_1474 = arith.constant 1 : i32
      %add3A_1475 = arith.addi %scan3A_152, %add3A_1474 : i32
      %lt3A_1476 = arith.constant 32 : i32
      %lt3A_1477 = arith.cmpi slt, %add3A_1475, %lt3A_1476 : i32
      %convert_element_type3A_1478 = arith.extui %lt3A_1477 : i1 to i32
      %cond3A_1479 = arith.constant 0 : i32
      %cond3A_1480 = arith.cmpi ne, %convert_element_type3A_1478, %cond3A_1479 : i32
      scf.if %cond3A_1480 {
        %add3A_2061 = arith.constant 16 : i32
        %add3A_2062 = arith.addi %multiple_of3A_156, %add3A_2061 : i32
        %get3A_2063 = arith.index_cast %add3A_2062 : i32 to index
        %get3A_2064 = tpu.vector_load %arg8[%get3A_2063] {strides = array<i32>} : memref<512xi32, #tpu.memory_space<vmem>>, vector<16xi32>,
        %and3A_2065 = arith.constant -128 : i32
        %and3A_2066 = vector.broadcast %and3A_2065 : i32 to vector<16xi32>
        %and3A_2067 = arith.andi %get3A_2064, %and3A_2066 : vector<16xi32>
        %get3A_2068 = arith.index_cast %add3A_2062 : i32 to index
        %get3A_2069 = tpu.vector_load %arg9[%get3A_2068] {strides = array<i32>} : memref<512xi32, #tpu.memory_space<vmem>>, vector<16xi32>,
        %and3A_2070 = arith.constant -128 : i32
        %and3A_2071 = vector.broadcast %and3A_2070 : i32 to vector<16xi32>
        %and3A_2072 = arith.andi %get3A_2069, %and3A_2071 : vector<16xi32>
        %slice3A_2073 = vector.extract_strided_slice %and3A_2067 {offsets = [5], sizes = [1], strides = [1]} : vector<16xi32> to vector<1xi32>
        %squeeze3A_2074 = vector.extract %slice3A_2073[0] : i32 from vector<1xi32>
        %multiple_of3A_2075 = tpu.assume_multiple %squeeze3A_2074, 128 : i32
        %dma_start3A_2076 = arith.constant 5 : i32
        %dma_start3A_2077 = arith.constant 0 : i32
        %dma_start3A_2078 = arith.constant 0 : i32
        %dma_start3A_2079 = tpu.memref_slice %arg10[%dma_start3A_2076, %dma_start3A_2077, %dma_start3A_2078] : memref<8x32x128xf32, #tpu.memory_space<vmem>> -> memref<1x32x128xf32, #tpu.memory_space<vmem>>
        %dma_start3A_2080 = tpu.memref_squeeze %dma_start3A_2079 : memref<1x32x128xf32, #tpu.memory_space<vmem>> -> memref<32x128xf32, #tpu.memory_space<vmem>>
        %dma_start3A_2081 = arith.constant 0 : i32
        %dma_start3A_2082 = tpu.memref_slice %arg4[%dma_start3A_2081, %multiple_of3A_2075] : memref<32x1000000xf32, #tpu.memory_space<hbm>> -> memref<32x128xf32, #tpu.memory_space<hbm>>
        %dma_start3A_2083 = arith.constant 0 : i32
        %dma_start3A_2084 = arith.constant 0 : i32
        %dma_start3A_2085 = tpu.memref_slice %arg10[%dma_start3A_2076, %dma_start3A_2083, %dma_start3A_2084] : memref<8x32x128xf32, #tpu.memory_space<vmem>> -> memref<1x32x128xf32, #tpu.memory_space<vmem>>
        %dma_start3A_2086 = tpu.memref_squeeze %dma_start3A_2085 : memref<1x32x128xf32, #tpu.memory_space<vmem>> -> memref<32x128xf32, #tpu.memory_space<vmem>>
        %dma_start3A_2087 = arith.constant 0 : i32
        %dma_start3A_2088 = tpu.memref_slice %arg4[%dma_start3A_2087, %multiple_of3A_2075] : memref<32x1000000xf32, #tpu.memory_space<hbm>> -> memref<32x128xf32, #tpu.memory_space<hbm>>
        tpu.enqueue_dma source(%dma_start3A_2088 : memref<32x128xf32, #tpu.memory_space<hbm>>) target(%dma_start3A_2086 : memref<32x128xf32, #tpu.memory_space<vmem>>) target_semaphore(%arg15 : memref<!tpu.dma_semaphore, #tpu.memory_space<semaphore_mem>>)
      } else {
      }
      %broadcast_in_dim3A_1481 = arith.constant 5 : i32
      %broadcast_in_dim3A_1482 = vector.broadcast %broadcast_in_dim3A_1481 : i32 to vector<16xi32>
      %slice3A_1483 = vector.extract_strided_slice %and3A_176 {offsets = [13], sizes = [1], strides = [1]} : vector<16xi32> to vector<1xi32>
      %squeeze3A_1484 = vector.extract %slice3A_1483[0] : i32 from vector<1xi32>
      %broadcast_in_dim3A_1485 = vector.broadcast %squeeze3A_1484 : i32 to vector<16xi32>
      %gather3A_1486 = tpu.vector_load_idx %arg10[%broadcast_in_dim3A_1482, %iota3A, %broadcast_in_dim3A_1485] : memref<8x32x128xf32, #tpu.memory_space<vmem>>[vector<16xi32>, vector<16xi32>, vector<16xi32>], vector<16xf32>,
      %gather3A_1487 = tpu.vector_load_idx %arg10[%broadcast_in_dim3A_1482, %add3A_5, %broadcast_in_dim3A_1485] : memref<8x32x128xf32, #tpu.memory_space<vmem>>[vector<16xi32>, vector<16xi32>, vector<16xi32>], vector<16xf32>,
      %swap3A_1488 = arith.constant 13 : i32
      %swap3A_1489 = arith.index_cast %swap3A_1488 : i32 to index
      %swap3A_1490 = arith.constant 0 : index
      %swap3A_1491 = tpu.vector_load %arg12[%swap3A_1489, %swap3A_1490] {strides = array<i32>} : memref<16x32xf32, #tpu.memory_space<vmem>>, vector<16xf32>,
      tpu.vector_store %arg12[%swap3A_1489, %swap3A_1490], %gather3A_1486 {strides = array<i32>} : memref<16x32xf32, #tpu.memory_space<vmem>>, vector<16xf32>,
      %swap3A_1492 = arith.constant 13 : i32
      %swap3A_1493 = arith.index_cast %swap3A_1492 : i32 to index
      %swap3A_1494 = arith.constant 16 : index
      %swap3A_1495 = tpu.vector_load %arg12[%swap3A_1493, %swap3A_1494] {strides = array<i32>} : memref<16x32xf32, #tpu.memory_space<vmem>>, vector<16xf32>,
      tpu.vector_store %arg12[%swap3A_1493, %swap3A_1494], %gather3A_1487 {strides = array<i32>} : memref<16x32xf32, #tpu.memory_space<vmem>>, vector<16xf32>,
      %dma_wait3A_1496 = arith.constant 6 : i32
      %dma_wait3A_1497 = arith.constant 0 : i32
      %dma_wait3A_1498 = arith.constant 0 : i32
      %dma_wait3A_1499 = tpu.memref_slice %arg10[%dma_wait3A_1496, %dma_wait3A_1497, %dma_wait3A_1498] : memref<8x32x128xf32, #tpu.memory_space<vmem>> -> memref<1x32x128xf32, #tpu.memory_space<vmem>>
      %dma_wait3A_1500 = tpu.memref_squeeze %dma_wait3A_1499 : memref<1x32x128xf32, #tpu.memory_space<vmem>> -> memref<32x128xf32, #tpu.memory_space<vmem>>
      %dma_wait3A_1501 = arith.constant 0 : i32
      %dma_wait3A_1502 = arith.constant 0 : i32
      %dma_wait3A_1503 = tpu.memref_slice %arg4[%dma_wait3A_1501, %dma_wait3A_1502] : memref<32x1000000xf32, #tpu.memory_space<hbm>> -> memref<32x128xf32, #tpu.memory_space<hbm>>
      %dma_wait3A_1504 = arith.constant 0 : i32
      %dma_wait3A_1505 = arith.constant 0 : i32
      %dma_wait3A_1506 = tpu.memref_slice %arg10[%dma_wait3A_1496, %dma_wait3A_1504, %dma_wait3A_1505] : memref<8x32x128xf32, #tpu.memory_space<vmem>> -> memref<1x32x128xf32, #tpu.memory_space<vmem>>
      %dma_wait3A_1507 = tpu.memref_squeeze %dma_wait3A_1506 : memref<1x32x128xf32, #tpu.memory_space<vmem>> -> memref<32x128xf32, #tpu.memory_space<vmem>>
      %dma_wait3A_1508 = arith.constant 0 : i32
      %dma_wait3A_1509 = arith.constant 0 : i32
      %dma_wait3A_1510 = tpu.memref_slice %arg4[%dma_wait3A_1508, %dma_wait3A_1509] : memref<32x1000000xf32, #tpu.memory_space<hbm>> -> memref<32x128xf32, #tpu.memory_space<hbm>>
      tpu.wait_dma2 semaphore(%arg15 : memref<!tpu.dma_semaphore, #tpu.memory_space<semaphore_mem>>) src(%dma_wait3A_1510 : memref<32x128xf32, #tpu.memory_space<hbm>>) dst(%dma_wait3A_1507 : memref<32x128xf32, #tpu.memory_space<vmem>>)
      %add3A_1511 = arith.constant 1 : i32
      %add3A_1512 = arith.addi %scan3A_152, %add3A_1511 : i32
      %lt3A_1513 = arith.constant 32 : i32
      %lt3A_1514 = arith.cmpi slt, %add3A_1512, %lt3A_1513 : i32
      %convert_element_type3A_1515 = arith.extui %lt3A_1514 : i1 to i32
      %cond3A_1516 = arith.constant 0 : i32
      %cond3A_1517 = arith.cmpi ne, %convert_element_type3A_1515, %cond3A_1516 : i32
      scf.if %cond3A_1517 {
        %add3A_2061 = arith.constant 16 : i32
        %add3A_2062 = arith.addi %multiple_of3A_156, %add3A_2061 : i32
        %get3A_2063 = arith.index_cast %add3A_2062 : i32 to index
        %get3A_2064 = tpu.vector_load %arg8[%get3A_2063] {strides = array<i32>} : memref<512xi32, #tpu.memory_space<vmem>>, vector<16xi32>,
        %and3A_2065 = arith.constant -128 : i32
        %and3A_2066 = vector.broadcast %and3A_2065 : i32 to vector<16xi32>
        %and3A_2067 = arith.andi %get3A_2064, %and3A_2066 : vector<16xi32>
        %get3A_2068 = arith.index_cast %add3A_2062 : i32 to index
        %get3A_2069 = tpu.vector_load %arg9[%get3A_2068] {strides = array<i32>} : memref<512xi32, #tpu.memory_space<vmem>>, vector<16xi32>,
        %and3A_2070 = arith.constant -128 : i32
        %and3A_2071 = vector.broadcast %and3A_2070 : i32 to vector<16xi32>
        %and3A_2072 = arith.andi %get3A_2069, %and3A_2071 : vector<16xi32>
        %slice3A_2073 = vector.extract_strided_slice %and3A_2067 {offsets = [6], sizes = [1], strides = [1]} : vector<16xi32> to vector<1xi32>
        %squeeze3A_2074 = vector.extract %slice3A_2073[0] : i32 from vector<1xi32>
        %multiple_of3A_2075 = tpu.assume_multiple %squeeze3A_2074, 128 : i32
        %dma_start3A_2076 = arith.constant 6 : i32
        %dma_start3A_2077 = arith.constant 0 : i32
        %dma_start3A_2078 = arith.constant 0 : i32
        %dma_start3A_2079 = tpu.memref_slice %arg10[%dma_start3A_2076, %dma_start3A_2077, %dma_start3A_2078] : memref<8x32x128xf32, #tpu.memory_space<vmem>> -> memref<1x32x128xf32, #tpu.memory_space<vmem>>
        %dma_start3A_2080 = tpu.memref_squeeze %dma_start3A_2079 : memref<1x32x128xf32, #tpu.memory_space<vmem>> -> memref<32x128xf32, #tpu.memory_space<vmem>>
        %dma_start3A_2081 = arith.constant 0 : i32
        %dma_start3A_2082 = tpu.memref_slice %arg4[%dma_start3A_2081, %multiple_of3A_2075] : memref<32x1000000xf32, #tpu.memory_space<hbm>> -> memref<32x128xf32, #tpu.memory_space<hbm>>
        %dma_start3A_2083 = arith.constant 0 : i32
        %dma_start3A_2084 = arith.constant 0 : i32
        %dma_start3A_2085 = tpu.memref_slice %arg10[%dma_start3A_2076, %dma_start3A_2083, %dma_start3A_2084] : memref<8x32x128xf32, #tpu.memory_space<vmem>> -> memref<1x32x128xf32, #tpu.memory_space<vmem>>
        %dma_start3A_2086 = tpu.memref_squeeze %dma_start3A_2085 : memref<1x32x128xf32, #tpu.memory_space<vmem>> -> memref<32x128xf32, #tpu.memory_space<vmem>>
        %dma_start3A_2087 = arith.constant 0 : i32
        %dma_start3A_2088 = tpu.memref_slice %arg4[%dma_start3A_2087, %multiple_of3A_2075] : memref<32x1000000xf32, #tpu.memory_space<hbm>> -> memref<32x128xf32, #tpu.memory_space<hbm>>
        tpu.enqueue_dma source(%dma_start3A_2088 : memref<32x128xf32, #tpu.memory_space<hbm>>) target(%dma_start3A_2086 : memref<32x128xf32, #tpu.memory_space<vmem>>) target_semaphore(%arg15 : memref<!tpu.dma_semaphore, #tpu.memory_space<semaphore_mem>>)
      } else {
      }
      %broadcast_in_dim3A_1518 = arith.constant 6 : i32
      %broadcast_in_dim3A_1519 = vector.broadcast %broadcast_in_dim3A_1518 : i32 to vector<16xi32>
      %slice3A_1520 = vector.extract_strided_slice %and3A_176 {offsets = [14], sizes = [1], strides = [1]} : vector<16xi32> to vector<1xi32>
      %squeeze3A_1521 = vector.extract %slice3A_1520[0] : i32 from vector<1xi32>
      %broadcast_in_dim3A_1522 = vector.broadcast %squeeze3A_1521 : i32 to vector<16xi32>
      %gather3A_1523 = tpu.vector_load_idx %arg10[%broadcast_in_dim3A_1519, %iota3A, %broadcast_in_dim3A_1522] : memref<8x32x128xf32, #tpu.memory_space<vmem>>[vector<16xi32>, vector<16xi32>, vector<16xi32>], vector<16xf32>,
      %gather3A_1524 = tpu.vector_load_idx %arg10[%broadcast_in_dim3A_1519, %add3A_5, %broadcast_in_dim3A_1522] : memref<8x32x128xf32, #tpu.memory_space<vmem>>[vector<16xi32>, vector<16xi32>, vector<16xi32>], vector<16xf32>,
      %swap3A_1525 = arith.constant 14 : i32
      %swap3A_1526 = arith.index_cast %swap3A_1525 : i32 to index
      %swap3A_1527 = arith.constant 0 : index
      %swap3A_1528 = tpu.vector_load %arg12[%swap3A_1526, %swap3A_1527] {strides = array<i32>} : memref<16x32xf32, #tpu.memory_space<vmem>>, vector<16xf32>,
      tpu.vector_store %arg12[%swap3A_1526, %swap3A_1527], %gather3A_1523 {strides = array<i32>} : memref<16x32xf32, #tpu.memory_space<vmem>>, vector<16xf32>,
      %swap3A_1529 = arith.constant 14 : i32
      %swap3A_1530 = arith.index_cast %swap3A_1529 : i32 to index
      %swap3A_1531 = arith.constant 16 : index
      %swap3A_1532 = tpu.vector_load %arg12[%swap3A_1530, %swap3A_1531] {strides = array<i32>} : memref<16x32xf32, #tpu.memory_space<vmem>>, vector<16xf32>,
      tpu.vector_store %arg12[%swap3A_1530, %swap3A_1531], %gather3A_1524 {strides = array<i32>} : memref<16x32xf32, #tpu.memory_space<vmem>>, vector<16xf32>,
      %dma_wait3A_1533 = arith.constant 7 : i32
      %dma_wait3A_1534 = arith.constant 0 : i32
      %dma_wait3A_1535 = arith.constant 0 : i32
      %dma_wait3A_1536 = tpu.memref_slice %arg10[%dma_wait3A_1533, %dma_wait3A_1534, %dma_wait3A_1535] : memref<8x32x128xf32, #tpu.memory_space<vmem>> -> memref<1x32x128xf32, #tpu.memory_space<vmem>>
      %dma_wait3A_1537 = tpu.memref_squeeze %dma_wait3A_1536 : memref<1x32x128xf32, #tpu.memory_space<vmem>> -> memref<32x128xf32, #tpu.memory_space<vmem>>
      %dma_wait3A_1538 = arith.constant 0 : i32
      %dma_wait3A_1539 = arith.constant 0 : i32
      %dma_wait3A_1540 = tpu.memref_slice %arg4[%dma_wait3A_1538, %dma_wait3A_1539] : memref<32x1000000xf32, #tpu.memory_space<hbm>> -> memref<32x128xf32, #tpu.memory_space<hbm>>
      %dma_wait3A_1541 = arith.constant 0 : i32
      %dma_wait3A_1542 = arith.constant 0 : i32
      %dma_wait3A_1543 = tpu.memref_slice %arg10[%dma_wait3A_1533, %dma_wait3A_1541, %dma_wait3A_1542] : memref<8x32x128xf32, #tpu.memory_space<vmem>> -> memref<1x32x128xf32, #tpu.memory_space<vmem>>
      %dma_wait3A_1544 = tpu.memref_squeeze %dma_wait3A_1543 : memref<1x32x128xf32, #tpu.memory_space<vmem>> -> memref<32x128xf32, #tpu.memory_space<vmem>>
      %dma_wait3A_1545 = arith.constant 0 : i32
      %dma_wait3A_1546 = arith.constant 0 : i32
      %dma_wait3A_1547 = tpu.memref_slice %arg4[%dma_wait3A_1545, %dma_wait3A_1546] : memref<32x1000000xf32, #tpu.memory_space<hbm>> -> memref<32x128xf32, #tpu.memory_space<hbm>>
      tpu.wait_dma2 semaphore(%arg15 : memref<!tpu.dma_semaphore, #tpu.memory_space<semaphore_mem>>) src(%dma_wait3A_1547 : memref<32x128xf32, #tpu.memory_space<hbm>>) dst(%dma_wait3A_1544 : memref<32x128xf32, #tpu.memory_space<vmem>>)
      %add3A_1548 = arith.constant 1 : i32
      %add3A_1549 = arith.addi %scan3A_152, %add3A_1548 : i32
      %lt3A_1550 = arith.constant 32 : i32
      %lt3A_1551 = arith.cmpi slt, %add3A_1549, %lt3A_1550 : i32
      %convert_element_type3A_1552 = arith.extui %lt3A_1551 : i1 to i32
      %cond3A_1553 = arith.constant 0 : i32
      %cond3A_1554 = arith.cmpi ne, %convert_element_type3A_1552, %cond3A_1553 : i32
      scf.if %cond3A_1554 {
        %add3A_2061 = arith.constant 16 : i32
        %add3A_2062 = arith.addi %multiple_of3A_156, %add3A_2061 : i32
        %get3A_2063 = arith.index_cast %add3A_2062 : i32 to index
        %get3A_2064 = tpu.vector_load %arg8[%get3A_2063] {strides = array<i32>} : memref<512xi32, #tpu.memory_space<vmem>>, vector<16xi32>,
        %and3A_2065 = arith.constant -128 : i32
        %and3A_2066 = vector.broadcast %and3A_2065 : i32 to vector<16xi32>
        %and3A_2067 = arith.andi %get3A_2064, %and3A_2066 : vector<16xi32>
        %get3A_2068 = arith.index_cast %add3A_2062 : i32 to index
        %get3A_2069 = tpu.vector_load %arg9[%get3A_2068] {strides = array<i32>} : memref<512xi32, #tpu.memory_space<vmem>>, vector<16xi32>,
        %and3A_2070 = arith.constant -128 : i32
        %and3A_2071 = vector.broadcast %and3A_2070 : i32 to vector<16xi32>
        %and3A_2072 = arith.andi %get3A_2069, %and3A_2071 : vector<16xi32>
        %slice3A_2073 = vector.extract_strided_slice %and3A_2067 {offsets = [7], sizes = [1], strides = [1]} : vector<16xi32> to vector<1xi32>
        %squeeze3A_2074 = vector.extract %slice3A_2073[0] : i32 from vector<1xi32>
        %multiple_of3A_2075 = tpu.assume_multiple %squeeze3A_2074, 128 : i32
        %dma_start3A_2076 = arith.constant 7 : i32
        %dma_start3A_2077 = arith.constant 0 : i32
        %dma_start3A_2078 = arith.constant 0 : i32
        %dma_start3A_2079 = tpu.memref_slice %arg10[%dma_start3A_2076, %dma_start3A_2077, %dma_start3A_2078] : memref<8x32x128xf32, #tpu.memory_space<vmem>> -> memref<1x32x128xf32, #tpu.memory_space<vmem>>
        %dma_start3A_2080 = tpu.memref_squeeze %dma_start3A_2079 : memref<1x32x128xf32, #tpu.memory_space<vmem>> -> memref<32x128xf32, #tpu.memory_space<vmem>>
        %dma_start3A_2081 = arith.constant 0 : i32
        %dma_start3A_2082 = tpu.memref_slice %arg4[%dma_start3A_2081, %multiple_of3A_2075] : memref<32x1000000xf32, #tpu.memory_space<hbm>> -> memref<32x128xf32, #tpu.memory_space<hbm>>
        %dma_start3A_2083 = arith.constant 0 : i32
        %dma_start3A_2084 = arith.constant 0 : i32
        %dma_start3A_2085 = tpu.memref_slice %arg10[%dma_start3A_2076, %dma_start3A_2083, %dma_start3A_2084] : memref<8x32x128xf32, #tpu.memory_space<vmem>> -> memref<1x32x128xf32, #tpu.memory_space<vmem>>
        %dma_start3A_2086 = tpu.memref_squeeze %dma_start3A_2085 : memref<1x32x128xf32, #tpu.memory_space<vmem>> -> memref<32x128xf32, #tpu.memory_space<vmem>>
        %dma_start3A_2087 = arith.constant 0 : i32
        %dma_start3A_2088 = tpu.memref_slice %arg4[%dma_start3A_2087, %multiple_of3A_2075] : memref<32x1000000xf32, #tpu.memory_space<hbm>> -> memref<32x128xf32, #tpu.memory_space<hbm>>
        tpu.enqueue_dma source(%dma_start3A_2088 : memref<32x128xf32, #tpu.memory_space<hbm>>) target(%dma_start3A_2086 : memref<32x128xf32, #tpu.memory_space<vmem>>) target_semaphore(%arg15 : memref<!tpu.dma_semaphore, #tpu.memory_space<semaphore_mem>>)
      } else {
      }
      %broadcast_in_dim3A_1555 = arith.constant 7 : i32
      %broadcast_in_dim3A_1556 = vector.broadcast %broadcast_in_dim3A_1555 : i32 to vector<16xi32>
      %slice3A_1557 = vector.extract_strided_slice %and3A_176 {offsets = [15], sizes = [1], strides = [1]} : vector<16xi32> to vector<1xi32>
      %squeeze3A_1558 = vector.extract %slice3A_1557[0] : i32 from vector<1xi32>
      %broadcast_in_dim3A_1559 = vector.broadcast %squeeze3A_1558 : i32 to vector<16xi32>
      %gather3A_1560 = tpu.vector_load_idx %arg10[%broadcast_in_dim3A_1556, %iota3A, %broadcast_in_dim3A_1559] : memref<8x32x128xf32, #tpu.memory_space<vmem>>[vector<16xi32>, vector<16xi32>, vector<16xi32>], vector<16xf32>,
      %gather3A_1561 = tpu.vector_load_idx %arg10[%broadcast_in_dim3A_1556, %add3A_5, %broadcast_in_dim3A_1559] : memref<8x32x128xf32, #tpu.memory_space<vmem>>[vector<16xi32>, vector<16xi32>, vector<16xi32>], vector<16xf32>,
      %swap3A_1562 = arith.constant 15 : i32
      %swap3A_1563 = arith.index_cast %swap3A_1562 : i32 to index
      %swap3A_1564 = arith.constant 0 : index
      %swap3A_1565 = tpu.vector_load %arg12[%swap3A_1563, %swap3A_1564] {strides = array<i32>} : memref<16x32xf32, #tpu.memory_space<vmem>>, vector<16xf32>,
      tpu.vector_store %arg12[%swap3A_1563, %swap3A_1564], %gather3A_1560 {strides = array<i32>} : memref<16x32xf32, #tpu.memory_space<vmem>>, vector<16xf32>,
      %swap3A_1566 = arith.constant 15 : i32
      %swap3A_1567 = arith.index_cast %swap3A_1566 : i32 to index
      %swap3A_1568 = arith.constant 16 : index
      %swap3A_1569 = tpu.vector_load %arg12[%swap3A_1567, %swap3A_1568] {strides = array<i32>} : memref<16x32xf32, #tpu.memory_space<vmem>>, vector<16xf32>,
      tpu.vector_store %arg12[%swap3A_1567, %swap3A_1568], %gather3A_1561 {strides = array<i32>} : memref<16x32xf32, #tpu.memory_space<vmem>>, vector<16xf32>,
      %broadcast_in_dim3A_1570 = arith.constant 0.000000e+00 : f32
      %broadcast_in_dim3A_1571 = vector.broadcast %broadcast_in_dim3A_1570 : f32 to vector<16xf32>
      %get3A_1572 = arith.constant 0 : i32
      %get3A_1573 = arith.index_cast %get3A_1572 : i32 to index
      %get3A_1574 = arith.constant 0 : index
      %get3A_1575 = tpu.vector_load %arg11[%get3A_1573, %get3A_1574] {strides = array<i32>} : memref<16x32xf32, #tpu.memory_space<vmem>>, vector<16xf32>,
      %get3A_1576 = arith.constant 0 : i32
      %get3A_1577 = arith.index_cast %get3A_1576 : i32 to index
      %get3A_1578 = arith.constant 0 : index
      %get3A_1579 = tpu.vector_load %arg12[%get3A_1577, %get3A_1578] {strides = array<i32>} : memref<16x32xf32, #tpu.memory_space<vmem>>, vector<16xf32>,
      %mul3A_1580 = arith.mulf %get3A_1575, %get3A_1579 : vector<16xf32>
      %mul3A_1581 = arith.mulf %mul3A_1580, %get3A_6 : vector<16xf32>
      %get3A_1582 = arith.constant 0 : i32
      %get3A_1583 = arith.index_cast %get3A_1582 : i32 to index
      %get3A_1584 = arith.constant 16 : index
      %get3A_1585 = tpu.vector_load %arg11[%get3A_1583, %get3A_1584] {strides = array<i32>} : memref<16x32xf32, #tpu.memory_space<vmem>>, vector<16xf32>,
      %get3A_1586 = arith.constant 0 : i32
      %get3A_1587 = arith.index_cast %get3A_1586 : i32 to index
      %get3A_1588 = arith.constant 16 : index
      %get3A_1589 = tpu.vector_load %arg12[%get3A_1587, %get3A_1588] {strides = array<i32>} : memref<16x32xf32, #tpu.memory_space<vmem>>, vector<16xf32>,
      %mul3A_1590 = arith.mulf %get3A_1585, %get3A_1589 : vector<16xf32>
      %mul3A_1591 = arith.mulf %mul3A_1590, %get3A_8 : vector<16xf32>
      %add3A_1592 = arith.addf %mul3A_1581, %mul3A_1591 : vector<16xf32>
      %reduce_sum3A = arith.constant true
      %reduce_sum3A_1593 = vector.broadcast %reduce_sum3A : i1 to vector<16xi1>
      %reduce_sum3A_1594 = tpu.scan <sum>, %add3A_1592 masked %reduce_sum3A_1593 : vector<16xf32>, vector<16xi1> -> vector<16xf32>
      %reduce_sum3A_1595 = vector.extract %reduce_sum3A_1594[15] : f32 from vector<16xf32>
      %eq3A = arith.constant 0 : i32
      %eq3A_1596 = vector.broadcast %eq3A : i32 to vector<16xi32>
      %eq3A_1597 = arith.cmpi eq, %iota3A, %eq3A_1596 : vector<16xi32>
      %broadcast_in_dim3A_1598 = vector.broadcast %reduce_sum3A_1595 : f32 to vector<16xf32>
      %select_n3A = arith.select %eq3A_1597, %broadcast_in_dim3A_1598, %broadcast_in_dim3A_1571 : vector<16xi1>, vector<16xf32>
      %get3A_1599 = arith.constant 1 : i32
      %get3A_1600 = arith.index_cast %get3A_1599 : i32 to index
      %get3A_1601 = arith.constant 0 : index
      %get3A_1602 = tpu.vector_load %arg11[%get3A_1600, %get3A_1601] {strides = array<i32>} : memref<16x32xf32, #tpu.memory_space<vmem>>, vector<16xf32>,
      %get3A_1603 = arith.constant 1 : i32
      %get3A_1604 = arith.index_cast %get3A_1603 : i32 to index
      %get3A_1605 = arith.constant 0 : index
      %get3A_1606 = tpu.vector_load %arg12[%get3A_1604, %get3A_1605] {strides = array<i32>} : memref<16x32xf32, #tpu.memory_space<vmem>>, vector<16xf32>,
      %mul3A_1607 = arith.mulf %get3A_1602, %get3A_1606 : vector<16xf32>
      %mul3A_1608 = arith.mulf %mul3A_1607, %get3A_6 : vector<16xf32>
      %get3A_1609 = arith.constant 1 : i32
      %get3A_1610 = arith.index_cast %get3A_1609 : i32 to index
      %get3A_1611 = arith.constant 16 : index
      %get3A_1612 = tpu.vector_load %arg11[%get3A_1610, %get3A_1611] {strides = array<i32>} : memref<16x32xf32, #tpu.memory_space<vmem>>, vector<16xf32>,
      %get3A_1613 = arith.constant 1 : i32
      %get3A_1614 = arith.index_cast %get3A_1613 : i32 to index
      %get3A_1615 = arith.constant 16 : index
      %get3A_1616 = tpu.vector_load %arg12[%get3A_1614, %get3A_1615] {strides = array<i32>} : memref<16x32xf32, #tpu.memory_space<vmem>>, vector<16xf32>,
      %mul3A_1617 = arith.mulf %get3A_1612, %get3A_1616 : vector<16xf32>
      %mul3A_1618 = arith.mulf %mul3A_1617, %get3A_8 : vector<16xf32>
      %add3A_1619 = arith.addf %mul3A_1608, %mul3A_1618 : vector<16xf32>
      %reduce_sum3A_1620 = arith.constant true
      %reduce_sum3A_1621 = vector.broadcast %reduce_sum3A_1620 : i1 to vector<16xi1>
      %reduce_sum3A_1622 = tpu.scan <sum>, %add3A_1619 masked %reduce_sum3A_1621 : vector<16xf32>, vector<16xi1> -> vector<16xf32>
      %reduce_sum3A_1623 = vector.extract %reduce_sum3A_1622[15] : f32 from vector<16xf32>
      %eq3A_1624 = arith.constant 1 : i32
      %eq3A_1625 = vector.broadcast %eq3A_1624 : i32 to vector<16xi32>
      %eq3A_1626 = arith.cmpi eq, %iota3A, %eq3A_1625 : vector<16xi32>
      %broadcast_in_dim3A_1627 = vector.broadcast %reduce_sum3A_1623 : f32 to vector<16xf32>
      %select_n3A_1628 = arith.select %eq3A_1626, %broadcast_in_dim3A_1627, %select_n3A : vector<16xi1>, vector<16xf32>
      %get3A_1629 = arith.constant 2 : i32
      %get3A_1630 = arith.index_cast %get3A_1629 : i32 to index
      %get3A_1631 = arith.constant 0 : index
      %get3A_1632 = tpu.vector_load %arg11[%get3A_1630, %get3A_1631] {strides = array<i32>} : memref<16x32xf32, #tpu.memory_space<vmem>>, vector<16xf32>,
      %get3A_1633 = arith.constant 2 : i32
      %get3A_1634 = arith.index_cast %get3A_1633 : i32 to index
      %get3A_1635 = arith.constant 0 : index
      %get3A_1636 = tpu.vector_load %arg12[%get3A_1634, %get3A_1635] {strides = array<i32>} : memref<16x32xf32, #tpu.memory_space<vmem>>, vector<16xf32>,
      %mul3A_1637 = arith.mulf %get3A_1632, %get3A_1636 : vector<16xf32>
      %mul3A_1638 = arith.mulf %mul3A_1637, %get3A_6 : vector<16xf32>
      %get3A_1639 = arith.constant 2 : i32
      %get3A_1640 = arith.index_cast %get3A_1639 : i32 to index
      %get3A_1641 = arith.constant 16 : index
      %get3A_1642 = tpu.vector_load %arg11[%get3A_1640, %get3A_1641] {strides = array<i32>} : memref<16x32xf32, #tpu.memory_space<vmem>>, vector<16xf32>,
      %get3A_1643 = arith.constant 2 : i32
      %get3A_1644 = arith.index_cast %get3A_1643 : i32 to index
      %get3A_1645 = arith.constant 16 : index
      %get3A_1646 = tpu.vector_load %arg12[%get3A_1644, %get3A_1645] {strides = array<i32>} : memref<16x32xf32, #tpu.memory_space<vmem>>, vector<16xf32>,
      %mul3A_1647 = arith.mulf %get3A_1642, %get3A_1646 : vector<16xf32>
      %mul3A_1648 = arith.mulf %mul3A_1647, %get3A_8 : vector<16xf32>
      %add3A_1649 = arith.addf %mul3A_1638, %mul3A_1648 : vector<16xf32>
      %reduce_sum3A_1650 = arith.constant true
      %reduce_sum3A_1651 = vector.broadcast %reduce_sum3A_1650 : i1 to vector<16xi1>
      %reduce_sum3A_1652 = tpu.scan <sum>, %add3A_1649 masked %reduce_sum3A_1651 : vector<16xf32>, vector<16xi1> -> vector<16xf32>
      %reduce_sum3A_1653 = vector.extract %reduce_sum3A_1652[15] : f32 from vector<16xf32>
      %eq3A_1654 = arith.constant 2 : i32
      %eq3A_1655 = vector.broadcast %eq3A_1654 : i32 to vector<16xi32>
      %eq3A_1656 = arith.cmpi eq, %iota3A, %eq3A_1655 : vector<16xi32>
      %broadcast_in_dim3A_1657 = vector.broadcast %reduce_sum3A_1653 : f32 to vector<16xf32>
      %select_n3A_1658 = arith.select %eq3A_1656, %broadcast_in_dim3A_1657, %select_n3A_1628 : vector<16xi1>, vector<16xf32>
      %get3A_1659 = arith.constant 3 : i32
      %get3A_1660 = arith.index_cast %get3A_1659 : i32 to index
      %get3A_1661 = arith.constant 0 : index
      %get3A_1662 = tpu.vector_load %arg11[%get3A_1660, %get3A_1661] {strides = array<i32>} : memref<16x32xf32, #tpu.memory_space<vmem>>, vector<16xf32>,
      %get3A_1663 = arith.constant 3 : i32
      %get3A_1664 = arith.index_cast %get3A_1663 : i32 to index
      %get3A_1665 = arith.constant 0 : index
      %get3A_1666 = tpu.vector_load %arg12[%get3A_1664, %get3A_1665] {strides = array<i32>} : memref<16x32xf32, #tpu.memory_space<vmem>>, vector<16xf32>,
      %mul3A_1667 = arith.mulf %get3A_1662, %get3A_1666 : vector<16xf32>
      %mul3A_1668 = arith.mulf %mul3A_1667, %get3A_6 : vector<16xf32>
      %get3A_1669 = arith.constant 3 : i32
      %get3A_1670 = arith.index_cast %get3A_1669 : i32 to index
      %get3A_1671 = arith.constant 16 : index
      %get3A_1672 = tpu.vector_load %arg11[%get3A_1670, %get3A_1671] {strides = array<i32>} : memref<16x32xf32, #tpu.memory_space<vmem>>, vector<16xf32>,
      %get3A_1673 = arith.constant 3 : i32
      %get3A_1674 = arith.index_cast %get3A_1673 : i32 to index
      %get3A_1675 = arith.constant 16 : index
      %get3A_1676 = tpu.vector_load %arg12[%get3A_1674, %get3A_1675] {strides = array<i32>} : memref<16x32xf32, #tpu.memory_space<vmem>>, vector<16xf32>,
      %mul3A_1677 = arith.mulf %get3A_1672, %get3A_1676 : vector<16xf32>
      %mul3A_1678 = arith.mulf %mul3A_1677, %get3A_8 : vector<16xf32>
      %add3A_1679 = arith.addf %mul3A_1668, %mul3A_1678 : vector<16xf32>
      %reduce_sum3A_1680 = arith.constant true
      %reduce_sum3A_1681 = vector.broadcast %reduce_sum3A_1680 : i1 to vector<16xi1>
      %reduce_sum3A_1682 = tpu.scan <sum>, %add3A_1679 masked %reduce_sum3A_1681 : vector<16xf32>, vector<16xi1> -> vector<16xf32>
      %reduce_sum3A_1683 = vector.extract %reduce_sum3A_1682[15] : f32 from vector<16xf32>
      %eq3A_1684 = arith.constant 3 : i32
      %eq3A_1685 = vector.broadcast %eq3A_1684 : i32 to vector<16xi32>
      %eq3A_1686 = arith.cmpi eq, %iota3A, %eq3A_1685 : vector<16xi32>
      %broadcast_in_dim3A_1687 = vector.broadcast %reduce_sum3A_1683 : f32 to vector<16xf32>
      %select_n3A_1688 = arith.select %eq3A_1686, %broadcast_in_dim3A_1687, %select_n3A_1658 : vector<16xi1>, vector<16xf32>
      %get3A_1689 = arith.constant 4 : i32
      %get3A_1690 = arith.index_cast %get3A_1689 : i32 to index
      %get3A_1691 = arith.constant 0 : index
      %get3A_1692 = tpu.vector_load %arg11[%get3A_1690, %get3A_1691] {strides = array<i32>} : memref<16x32xf32, #tpu.memory_space<vmem>>, vector<16xf32>,
      %get3A_1693 = arith.constant 4 : i32
      %get3A_1694 = arith.index_cast %get3A_1693 : i32 to index
      %get3A_1695 = arith.constant 0 : index
      %get3A_1696 = tpu.vector_load %arg12[%get3A_1694, %get3A_1695] {strides = array<i32>} : memref<16x32xf32, #tpu.memory_space<vmem>>, vector<16xf32>,
      %mul3A_1697 = arith.mulf %get3A_1692, %get3A_1696 : vector<16xf32>
      %mul3A_1698 = arith.mulf %mul3A_1697, %get3A_6 : vector<16xf32>
      %get3A_1699 = arith.constant 4 : i32
      %get3A_1700 = arith.index_cast %get3A_1699 : i32 to index
      %get3A_1701 = arith.constant 16 : index
      %get3A_1702 = tpu.vector_load %arg11[%get3A_1700, %get3A_1701] {strides = array<i32>} : memref<16x32xf32, #tpu.memory_space<vmem>>, vector<16xf32>,
      %get3A_1703 = arith.constant 4 : i32
      %get3A_1704 = arith.index_cast %get3A_1703 : i32 to index
      %get3A_1705 = arith.constant 16 : index
      %get3A_1706 = tpu.vector_load %arg12[%get3A_1704, %get3A_1705] {strides = array<i32>} : memref<16x32xf32, #tpu.memory_space<vmem>>, vector<16xf32>,
      %mul3A_1707 = arith.mulf %get3A_1702, %get3A_1706 : vector<16xf32>
      %mul3A_1708 = arith.mulf %mul3A_1707, %get3A_8 : vector<16xf32>
      %add3A_1709 = arith.addf %mul3A_1698, %mul3A_1708 : vector<16xf32>
      %reduce_sum3A_1710 = arith.constant true
      %reduce_sum3A_1711 = vector.broadcast %reduce_sum3A_1710 : i1 to vector<16xi1>
      %reduce_sum3A_1712 = tpu.scan <sum>, %add3A_1709 masked %reduce_sum3A_1711 : vector<16xf32>, vector<16xi1> -> vector<16xf32>
      %reduce_sum3A_1713 = vector.extract %reduce_sum3A_1712[15] : f32 from vector<16xf32>
      %eq3A_1714 = arith.constant 4 : i32
      %eq3A_1715 = vector.broadcast %eq3A_1714 : i32 to vector<16xi32>
      %eq3A_1716 = arith.cmpi eq, %iota3A, %eq3A_1715 : vector<16xi32>
      %broadcast_in_dim3A_1717 = vector.broadcast %reduce_sum3A_1713 : f32 to vector<16xf32>
      %select_n3A_1718 = arith.select %eq3A_1716, %broadcast_in_dim3A_1717, %select_n3A_1688 : vector<16xi1>, vector<16xf32>
      %get3A_1719 = arith.constant 5 : i32
      %get3A_1720 = arith.index_cast %get3A_1719 : i32 to index
      %get3A_1721 = arith.constant 0 : index
      %get3A_1722 = tpu.vector_load %arg11[%get3A_1720, %get3A_1721] {strides = array<i32>} : memref<16x32xf32, #tpu.memory_space<vmem>>, vector<16xf32>,
      %get3A_1723 = arith.constant 5 : i32
      %get3A_1724 = arith.index_cast %get3A_1723 : i32 to index
      %get3A_1725 = arith.constant 0 : index
      %get3A_1726 = tpu.vector_load %arg12[%get3A_1724, %get3A_1725] {strides = array<i32>} : memref<16x32xf32, #tpu.memory_space<vmem>>, vector<16xf32>,
      %mul3A_1727 = arith.mulf %get3A_1722, %get3A_1726 : vector<16xf32>
      %mul3A_1728 = arith.mulf %mul3A_1727, %get3A_6 : vector<16xf32>
      %get3A_1729 = arith.constant 5 : i32
      %get3A_1730 = arith.index_cast %get3A_1729 : i32 to index
      %get3A_1731 = arith.constant 16 : index
      %get3A_1732 = tpu.vector_load %arg11[%get3A_1730, %get3A_1731] {strides = array<i32>} : memref<16x32xf32, #tpu.memory_space<vmem>>, vector<16xf32>,
      %get3A_1733 = arith.constant 5 : i32
      %get3A_1734 = arith.index_cast %get3A_1733 : i32 to index
      %get3A_1735 = arith.constant 16 : index
      %get3A_1736 = tpu.vector_load %arg12[%get3A_1734, %get3A_1735] {strides = array<i32>} : memref<16x32xf32, #tpu.memory_space<vmem>>, vector<16xf32>,
      %mul3A_1737 = arith.mulf %get3A_1732, %get3A_1736 : vector<16xf32>
      %mul3A_1738 = arith.mulf %mul3A_1737, %get3A_8 : vector<16xf32>
      %add3A_1739 = arith.addf %mul3A_1728, %mul3A_1738 : vector<16xf32>
      %reduce_sum3A_1740 = arith.constant true
      %reduce_sum3A_1741 = vector.broadcast %reduce_sum3A_1740 : i1 to vector<16xi1>
      %reduce_sum3A_1742 = tpu.scan <sum>, %add3A_1739 masked %reduce_sum3A_1741 : vector<16xf32>, vector<16xi1> -> vector<16xf32>
      %reduce_sum3A_1743 = vector.extract %reduce_sum3A_1742[15] : f32 from vector<16xf32>
      %eq3A_1744 = arith.constant 5 : i32
      %eq3A_1745 = vector.broadcast %eq3A_1744 : i32 to vector<16xi32>
      %eq3A_1746 = arith.cmpi eq, %iota3A, %eq3A_1745 : vector<16xi32>
      %broadcast_in_dim3A_1747 = vector.broadcast %reduce_sum3A_1743 : f32 to vector<16xf32>
      %select_n3A_1748 = arith.select %eq3A_1746, %broadcast_in_dim3A_1747, %select_n3A_1718 : vector<16xi1>, vector<16xf32>
      %get3A_1749 = arith.constant 6 : i32
      %get3A_1750 = arith.index_cast %get3A_1749 : i32 to index
      %get3A_1751 = arith.constant 0 : index
      %get3A_1752 = tpu.vector_load %arg11[%get3A_1750, %get3A_1751] {strides = array<i32>} : memref<16x32xf32, #tpu.memory_space<vmem>>, vector<16xf32>,
      %get3A_1753 = arith.constant 6 : i32
      %get3A_1754 = arith.index_cast %get3A_1753 : i32 to index
      %get3A_1755 = arith.constant 0 : index
      %get3A_1756 = tpu.vector_load %arg12[%get3A_1754, %get3A_1755] {strides = array<i32>} : memref<16x32xf32, #tpu.memory_space<vmem>>, vector<16xf32>,
      %mul3A_1757 = arith.mulf %get3A_1752, %get3A_1756 : vector<16xf32>
      %mul3A_1758 = arith.mulf %mul3A_1757, %get3A_6 : vector<16xf32>
      %get3A_1759 = arith.constant 6 : i32
      %get3A_1760 = arith.index_cast %get3A_1759 : i32 to index
      %get3A_1761 = arith.constant 16 : index
      %get3A_1762 = tpu.vector_load %arg11[%get3A_1760, %get3A_1761] {strides = array<i32>} : memref<16x32xf32, #tpu.memory_space<vmem>>, vector<16xf32>,
      %get3A_1763 = arith.constant 6 : i32
      %get3A_1764 = arith.index_cast %get3A_1763 : i32 to index
      %get3A_1765 = arith.constant 16 : index
      %get3A_1766 = tpu.vector_load %arg12[%get3A_1764, %get3A_1765] {strides = array<i32>} : memref<16x32xf32, #tpu.memory_space<vmem>>, vector<16xf32>,
      %mul3A_1767 = arith.mulf %get3A_1762, %get3A_1766 : vector<16xf32>
      %mul3A_1768 = arith.mulf %mul3A_1767, %get3A_8 : vector<16xf32>
      %add3A_1769 = arith.addf %mul3A_1758, %mul3A_1768 : vector<16xf32>
      %reduce_sum3A_1770 = arith.constant true
      %reduce_sum3A_1771 = vector.broadcast %reduce_sum3A_1770 : i1 to vector<16xi1>
      %reduce_sum3A_1772 = tpu.scan <sum>, %add3A_1769 masked %reduce_sum3A_1771 : vector<16xf32>, vector<16xi1> -> vector<16xf32>
      %reduce_sum3A_1773 = vector.extract %reduce_sum3A_1772[15] : f32 from vector<16xf32>
      %eq3A_1774 = arith.constant 6 : i32
      %eq3A_1775 = vector.broadcast %eq3A_1774 : i32 to vector<16xi32>
      %eq3A_1776 = arith.cmpi eq, %iota3A, %eq3A_1775 : vector<16xi32>
      %broadcast_in_dim3A_1777 = vector.broadcast %reduce_sum3A_1773 : f32 to vector<16xf32>
      %select_n3A_1778 = arith.select %eq3A_1776, %broadcast_in_dim3A_1777, %select_n3A_1748 : vector<16xi1>, vector<16xf32>
      %get3A_1779 = arith.constant 7 : i32
      %get3A_1780 = arith.index_cast %get3A_1779 : i32 to index
      %get3A_1781 = arith.constant 0 : index
      %get3A_1782 = tpu.vector_load %arg11[%get3A_1780, %get3A_1781] {strides = array<i32>} : memref<16x32xf32, #tpu.memory_space<vmem>>, vector<16xf32>,
      %get3A_1783 = arith.constant 7 : i32
      %get3A_1784 = arith.index_cast %get3A_1783 : i32 to index
      %get3A_1785 = arith.constant 0 : index
      %get3A_1786 = tpu.vector_load %arg12[%get3A_1784, %get3A_1785] {strides = array<i32>} : memref<16x32xf32, #tpu.memory_space<vmem>>, vector<16xf32>,
      %mul3A_1787 = arith.mulf %get3A_1782, %get3A_1786 : vector<16xf32>
      %mul3A_1788 = arith.mulf %mul3A_1787, %get3A_6 : vector<16xf32>
      %get3A_1789 = arith.constant 7 : i32
      %get3A_1790 = arith.index_cast %get3A_1789 : i32 to index
      %get3A_1791 = arith.constant 16 : index
      %get3A_1792 = tpu.vector_load %arg11[%get3A_1790, %get3A_1791] {strides = array<i32>} : memref<16x32xf32, #tpu.memory_space<vmem>>, vector<16xf32>,
      %get3A_1793 = arith.constant 7 : i32
      %get3A_1794 = arith.index_cast %get3A_1793 : i32 to index
      %get3A_1795 = arith.constant 16 : index
      %get3A_1796 = tpu.vector_load %arg12[%get3A_1794, %get3A_1795] {strides = array<i32>} : memref<16x32xf32, #tpu.memory_space<vmem>>, vector<16xf32>,
      %mul3A_1797 = arith.mulf %get3A_1792, %get3A_1796 : vector<16xf32>
      %mul3A_1798 = arith.mulf %mul3A_1797, %get3A_8 : vector<16xf32>
      %add3A_1799 = arith.addf %mul3A_1788, %mul3A_1798 : vector<16xf32>
      %reduce_sum3A_1800 = arith.constant true
      %reduce_sum3A_1801 = vector.broadcast %reduce_sum3A_1800 : i1 to vector<16xi1>
      %reduce_sum3A_1802 = tpu.scan <sum>, %add3A_1799 masked %reduce_sum3A_1801 : vector<16xf32>, vector<16xi1> -> vector<16xf32>
      %reduce_sum3A_1803 = vector.extract %reduce_sum3A_1802[15] : f32 from vector<16xf32>
      %eq3A_1804 = arith.constant 7 : i32
      %eq3A_1805 = vector.broadcast %eq3A_1804 : i32 to vector<16xi32>
      %eq3A_1806 = arith.cmpi eq, %iota3A, %eq3A_1805 : vector<16xi32>
      %broadcast_in_dim3A_1807 = vector.broadcast %reduce_sum3A_1803 : f32 to vector<16xf32>
      %select_n3A_1808 = arith.select %eq3A_1806, %broadcast_in_dim3A_1807, %select_n3A_1778 : vector<16xi1>, vector<16xf32>
      %get3A_1809 = arith.constant 8 : i32
      %get3A_1810 = arith.index_cast %get3A_1809 : i32 to index
      %get3A_1811 = arith.constant 0 : index
      %get3A_1812 = tpu.vector_load %arg11[%get3A_1810, %get3A_1811] {strides = array<i32>} : memref<16x32xf32, #tpu.memory_space<vmem>>, vector<16xf32>,
      %get3A_1813 = arith.constant 8 : i32
      %get3A_1814 = arith.index_cast %get3A_1813 : i32 to index
      %get3A_1815 = arith.constant 0 : index
      %get3A_1816 = tpu.vector_load %arg12[%get3A_1814, %get3A_1815] {strides = array<i32>} : memref<16x32xf32, #tpu.memory_space<vmem>>, vector<16xf32>,
      %mul3A_1817 = arith.mulf %get3A_1812, %get3A_1816 : vector<16xf32>
      %mul3A_1818 = arith.mulf %mul3A_1817, %get3A_6 : vector<16xf32>
      %get3A_1819 = arith.constant 8 : i32
      %get3A_1820 = arith.index_cast %get3A_1819 : i32 to index
      %get3A_1821 = arith.constant 16 : index
      %get3A_1822 = tpu.vector_load %arg11[%get3A_1820, %get3A_1821] {strides = array<i32>} : memref<16x32xf32, #tpu.memory_space<vmem>>, vector<16xf32>,
      %get3A_1823 = arith.constant 8 : i32
      %get3A_1824 = arith.index_cast %get3A_1823 : i32 to index
      %get3A_1825 = arith.constant 16 : index
      %get3A_1826 = tpu.vector_load %arg12[%get3A_1824, %get3A_1825] {strides = array<i32>} : memref<16x32xf32, #tpu.memory_space<vmem>>, vector<16xf32>,
      %mul3A_1827 = arith.mulf %get3A_1822, %get3A_1826 : vector<16xf32>
      %mul3A_1828 = arith.mulf %mul3A_1827, %get3A_8 : vector<16xf32>
      %add3A_1829 = arith.addf %mul3A_1818, %mul3A_1828 : vector<16xf32>
      %reduce_sum3A_1830 = arith.constant true
      %reduce_sum3A_1831 = vector.broadcast %reduce_sum3A_1830 : i1 to vector<16xi1>
      %reduce_sum3A_1832 = tpu.scan <sum>, %add3A_1829 masked %reduce_sum3A_1831 : vector<16xf32>, vector<16xi1> -> vector<16xf32>
      %reduce_sum3A_1833 = vector.extract %reduce_sum3A_1832[15] : f32 from vector<16xf32>
      %eq3A_1834 = arith.constant 8 : i32
      %eq3A_1835 = vector.broadcast %eq3A_1834 : i32 to vector<16xi32>
      %eq3A_1836 = arith.cmpi eq, %iota3A, %eq3A_1835 : vector<16xi32>
      %broadcast_in_dim3A_1837 = vector.broadcast %reduce_sum3A_1833 : f32 to vector<16xf32>
      %select_n3A_1838 = arith.select %eq3A_1836, %broadcast_in_dim3A_1837, %select_n3A_1808 : vector<16xi1>, vector<16xf32>
      %get3A_1839 = arith.constant 9 : i32
      %get3A_1840 = arith.index_cast %get3A_1839 : i32 to index
      %get3A_1841 = arith.constant 0 : index
      %get3A_1842 = tpu.vector_load %arg11[%get3A_1840, %get3A_1841] {strides = array<i32>} : memref<16x32xf32, #tpu.memory_space<vmem>>, vector<16xf32>,
      %get3A_1843 = arith.constant 9 : i32
      %get3A_1844 = arith.index_cast %get3A_1843 : i32 to index
      %get3A_1845 = arith.constant 0 : index
      %get3A_1846 = tpu.vector_load %arg12[%get3A_1844, %get3A_1845] {strides = array<i32>} : memref<16x32xf32, #tpu.memory_space<vmem>>, vector<16xf32>,
      %mul3A_1847 = arith.mulf %get3A_1842, %get3A_1846 : vector<16xf32>
      %mul3A_1848 = arith.mulf %mul3A_1847, %get3A_6 : vector<16xf32>
      %get3A_1849 = arith.constant 9 : i32
      %get3A_1850 = arith.index_cast %get3A_1849 : i32 to index
      %get3A_1851 = arith.constant 16 : index
      %get3A_1852 = tpu.vector_load %arg11[%get3A_1850, %get3A_1851] {strides = array<i32>} : memref<16x32xf32, #tpu.memory_space<vmem>>, vector<16xf32>,
      %get3A_1853 = arith.constant 9 : i32
      %get3A_1854 = arith.index_cast %get3A_1853 : i32 to index
      %get3A_1855 = arith.constant 16 : index
      %get3A_1856 = tpu.vector_load %arg12[%get3A_1854, %get3A_1855] {strides = array<i32>} : memref<16x32xf32, #tpu.memory_space<vmem>>, vector<16xf32>,
      %mul3A_1857 = arith.mulf %get3A_1852, %get3A_1856 : vector<16xf32>
      %mul3A_1858 = arith.mulf %mul3A_1857, %get3A_8 : vector<16xf32>
      %add3A_1859 = arith.addf %mul3A_1848, %mul3A_1858 : vector<16xf32>
      %reduce_sum3A_1860 = arith.constant true
      %reduce_sum3A_1861 = vector.broadcast %reduce_sum3A_1860 : i1 to vector<16xi1>
      %reduce_sum3A_1862 = tpu.scan <sum>, %add3A_1859 masked %reduce_sum3A_1861 : vector<16xf32>, vector<16xi1> -> vector<16xf32>
      %reduce_sum3A_1863 = vector.extract %reduce_sum3A_1862[15] : f32 from vector<16xf32>
      %eq3A_1864 = arith.constant 9 : i32
      %eq3A_1865 = vector.broadcast %eq3A_1864 : i32 to vector<16xi32>
      %eq3A_1866 = arith.cmpi eq, %iota3A, %eq3A_1865 : vector<16xi32>
      %broadcast_in_dim3A_1867 = vector.broadcast %reduce_sum3A_1863 : f32 to vector<16xf32>
      %select_n3A_1868 = arith.select %eq3A_1866, %broadcast_in_dim3A_1867, %select_n3A_1838 : vector<16xi1>, vector<16xf32>
      %get3A_1869 = arith.constant 10 : i32
      %get3A_1870 = arith.index_cast %get3A_1869 : i32 to index
      %get3A_1871 = arith.constant 0 : index
      %get3A_1872 = tpu.vector_load %arg11[%get3A_1870, %get3A_1871] {strides = array<i32>} : memref<16x32xf32, #tpu.memory_space<vmem>>, vector<16xf32>,
      %get3A_1873 = arith.constant 10 : i32
      %get3A_1874 = arith.index_cast %get3A_1873 : i32 to index
      %get3A_1875 = arith.constant 0 : index
      %get3A_1876 = tpu.vector_load %arg12[%get3A_1874, %get3A_1875] {strides = array<i32>} : memref<16x32xf32, #tpu.memory_space<vmem>>, vector<16xf32>,
      %mul3A_1877 = arith.mulf %get3A_1872, %get3A_1876 : vector<16xf32>
      %mul3A_1878 = arith.mulf %mul3A_1877, %get3A_6 : vector<16xf32>
      %get3A_1879 = arith.constant 10 : i32
      %get3A_1880 = arith.index_cast %get3A_1879 : i32 to index
      %get3A_1881 = arith.constant 16 : index
      %get3A_1882 = tpu.vector_load %arg11[%get3A_1880, %get3A_1881] {strides = array<i32>} : memref<16x32xf32, #tpu.memory_space<vmem>>, vector<16xf32>,
      %get3A_1883 = arith.constant 10 : i32
      %get3A_1884 = arith.index_cast %get3A_1883 : i32 to index
      %get3A_1885 = arith.constant 16 : index
      %get3A_1886 = tpu.vector_load %arg12[%get3A_1884, %get3A_1885] {strides = array<i32>} : memref<16x32xf32, #tpu.memory_space<vmem>>, vector<16xf32>,
      %mul3A_1887 = arith.mulf %get3A_1882, %get3A_1886 : vector<16xf32>
      %mul3A_1888 = arith.mulf %mul3A_1887, %get3A_8 : vector<16xf32>
      %add3A_1889 = arith.addf %mul3A_1878, %mul3A_1888 : vector<16xf32>
      %reduce_sum3A_1890 = arith.constant true
      %reduce_sum3A_1891 = vector.broadcast %reduce_sum3A_1890 : i1 to vector<16xi1>
      %reduce_sum3A_1892 = tpu.scan <sum>, %add3A_1889 masked %reduce_sum3A_1891 : vector<16xf32>, vector<16xi1> -> vector<16xf32>
      %reduce_sum3A_1893 = vector.extract %reduce_sum3A_1892[15] : f32 from vector<16xf32>
      %eq3A_1894 = arith.constant 10 : i32
      %eq3A_1895 = vector.broadcast %eq3A_1894 : i32 to vector<16xi32>
      %eq3A_1896 = arith.cmpi eq, %iota3A, %eq3A_1895 : vector<16xi32>
      %broadcast_in_dim3A_1897 = vector.broadcast %reduce_sum3A_1893 : f32 to vector<16xf32>
      %select_n3A_1898 = arith.select %eq3A_1896, %broadcast_in_dim3A_1897, %select_n3A_1868 : vector<16xi1>, vector<16xf32>
      %get3A_1899 = arith.constant 11 : i32
      %get3A_1900 = arith.index_cast %get3A_1899 : i32 to index
      %get3A_1901 = arith.constant 0 : index
      %get3A_1902 = tpu.vector_load %arg11[%get3A_1900, %get3A_1901] {strides = array<i32>} : memref<16x32xf32, #tpu.memory_space<vmem>>, vector<16xf32>,
      %get3A_1903 = arith.constant 11 : i32
      %get3A_1904 = arith.index_cast %get3A_1903 : i32 to index
      %get3A_1905 = arith.constant 0 : index
      %get3A_1906 = tpu.vector_load %arg12[%get3A_1904, %get3A_1905] {strides = array<i32>} : memref<16x32xf32, #tpu.memory_space<vmem>>, vector<16xf32>,
      %mul3A_1907 = arith.mulf %get3A_1902, %get3A_1906 : vector<16xf32>
      %mul3A_1908 = arith.mulf %mul3A_1907, %get3A_6 : vector<16xf32>
      %get3A_1909 = arith.constant 11 : i32
      %get3A_1910 = arith.index_cast %get3A_1909 : i32 to index
      %get3A_1911 = arith.constant 16 : index
      %get3A_1912 = tpu.vector_load %arg11[%get3A_1910, %get3A_1911] {strides = array<i32>} : memref<16x32xf32, #tpu.memory_space<vmem>>, vector<16xf32>,
      %get3A_1913 = arith.constant 11 : i32
      %get3A_1914 = arith.index_cast %get3A_1913 : i32 to index
      %get3A_1915 = arith.constant 16 : index
      %get3A_1916 = tpu.vector_load %arg12[%get3A_1914, %get3A_1915] {strides = array<i32>} : memref<16x32xf32, #tpu.memory_space<vmem>>, vector<16xf32>,
      %mul3A_1917 = arith.mulf %get3A_1912, %get3A_1916 : vector<16xf32>
      %mul3A_1918 = arith.mulf %mul3A_1917, %get3A_8 : vector<16xf32>
      %add3A_1919 = arith.addf %mul3A_1908, %mul3A_1918 : vector<16xf32>
      %reduce_sum3A_1920 = arith.constant true
      %reduce_sum3A_1921 = vector.broadcast %reduce_sum3A_1920 : i1 to vector<16xi1>
      %reduce_sum3A_1922 = tpu.scan <sum>, %add3A_1919 masked %reduce_sum3A_1921 : vector<16xf32>, vector<16xi1> -> vector<16xf32>
      %reduce_sum3A_1923 = vector.extract %reduce_sum3A_1922[15] : f32 from vector<16xf32>
      %eq3A_1924 = arith.constant 11 : i32
      %eq3A_1925 = vector.broadcast %eq3A_1924 : i32 to vector<16xi32>
      %eq3A_1926 = arith.cmpi eq, %iota3A, %eq3A_1925 : vector<16xi32>
      %broadcast_in_dim3A_1927 = vector.broadcast %reduce_sum3A_1923 : f32 to vector<16xf32>
      %select_n3A_1928 = arith.select %eq3A_1926, %broadcast_in_dim3A_1927, %select_n3A_1898 : vector<16xi1>, vector<16xf32>
      %get3A_1929 = arith.constant 12 : i32
      %get3A_1930 = arith.index_cast %get3A_1929 : i32 to index
      %get3A_1931 = arith.constant 0 : index
      %get3A_1932 = tpu.vector_load %arg11[%get3A_1930, %get3A_1931] {strides = array<i32>} : memref<16x32xf32, #tpu.memory_space<vmem>>, vector<16xf32>,
      %get3A_1933 = arith.constant 12 : i32
      %get3A_1934 = arith.index_cast %get3A_1933 : i32 to index
      %get3A_1935 = arith.constant 0 : index
      %get3A_1936 = tpu.vector_load %arg12[%get3A_1934, %get3A_1935] {strides = array<i32>} : memref<16x32xf32, #tpu.memory_space<vmem>>, vector<16xf32>,
      %mul3A_1937 = arith.mulf %get3A_1932, %get3A_1936 : vector<16xf32>
      %mul3A_1938 = arith.mulf %mul3A_1937, %get3A_6 : vector<16xf32>
      %get3A_1939 = arith.constant 12 : i32
      %get3A_1940 = arith.index_cast %get3A_1939 : i32 to index
      %get3A_1941 = arith.constant 16 : index
      %get3A_1942 = tpu.vector_load %arg11[%get3A_1940, %get3A_1941] {strides = array<i32>} : memref<16x32xf32, #tpu.memory_space<vmem>>, vector<16xf32>,
      %get3A_1943 = arith.constant 12 : i32
      %get3A_1944 = arith.index_cast %get3A_1943 : i32 to index
      %get3A_1945 = arith.constant 16 : index
      %get3A_1946 = tpu.vector_load %arg12[%get3A_1944, %get3A_1945] {strides = array<i32>} : memref<16x32xf32, #tpu.memory_space<vmem>>, vector<16xf32>,
      %mul3A_1947 = arith.mulf %get3A_1942, %get3A_1946 : vector<16xf32>
      %mul3A_1948 = arith.mulf %mul3A_1947, %get3A_8 : vector<16xf32>
      %add3A_1949 = arith.addf %mul3A_1938, %mul3A_1948 : vector<16xf32>
      %reduce_sum3A_1950 = arith.constant true
      %reduce_sum3A_1951 = vector.broadcast %reduce_sum3A_1950 : i1 to vector<16xi1>
      %reduce_sum3A_1952 = tpu.scan <sum>, %add3A_1949 masked %reduce_sum3A_1951 : vector<16xf32>, vector<16xi1> -> vector<16xf32>
      %reduce_sum3A_1953 = vector.extract %reduce_sum3A_1952[15] : f32 from vector<16xf32>
      %eq3A_1954 = arith.constant 12 : i32
      %eq3A_1955 = vector.broadcast %eq3A_1954 : i32 to vector<16xi32>
      %eq3A_1956 = arith.cmpi eq, %iota3A, %eq3A_1955 : vector<16xi32>
      %broadcast_in_dim3A_1957 = vector.broadcast %reduce_sum3A_1953 : f32 to vector<16xf32>
      %select_n3A_1958 = arith.select %eq3A_1956, %broadcast_in_dim3A_1957, %select_n3A_1928 : vector<16xi1>, vector<16xf32>
      %get3A_1959 = arith.constant 13 : i32
      %get3A_1960 = arith.index_cast %get3A_1959 : i32 to index
      %get3A_1961 = arith.constant 0 : index
      %get3A_1962 = tpu.vector_load %arg11[%get3A_1960, %get3A_1961] {strides = array<i32>} : memref<16x32xf32, #tpu.memory_space<vmem>>, vector<16xf32>,
      %get3A_1963 = arith.constant 13 : i32
      %get3A_1964 = arith.index_cast %get3A_1963 : i32 to index
      %get3A_1965 = arith.constant 0 : index
      %get3A_1966 = tpu.vector_load %arg12[%get3A_1964, %get3A_1965] {strides = array<i32>} : memref<16x32xf32, #tpu.memory_space<vmem>>, vector<16xf32>,
      %mul3A_1967 = arith.mulf %get3A_1962, %get3A_1966 : vector<16xf32>
      %mul3A_1968 = arith.mulf %mul3A_1967, %get3A_6 : vector<16xf32>
      %get3A_1969 = arith.constant 13 : i32
      %get3A_1970 = arith.index_cast %get3A_1969 : i32 to index
      %get3A_1971 = arith.constant 16 : index
      %get3A_1972 = tpu.vector_load %arg11[%get3A_1970, %get3A_1971] {strides = array<i32>} : memref<16x32xf32, #tpu.memory_space<vmem>>, vector<16xf32>,
      %get3A_1973 = arith.constant 13 : i32
      %get3A_1974 = arith.index_cast %get3A_1973 : i32 to index
      %get3A_1975 = arith.constant 16 : index
      %get3A_1976 = tpu.vector_load %arg12[%get3A_1974, %get3A_1975] {strides = array<i32>} : memref<16x32xf32, #tpu.memory_space<vmem>>, vector<16xf32>,
      %mul3A_1977 = arith.mulf %get3A_1972, %get3A_1976 : vector<16xf32>
      %mul3A_1978 = arith.mulf %mul3A_1977, %get3A_8 : vector<16xf32>
      %add3A_1979 = arith.addf %mul3A_1968, %mul3A_1978 : vector<16xf32>
      %reduce_sum3A_1980 = arith.constant true
      %reduce_sum3A_1981 = vector.broadcast %reduce_sum3A_1980 : i1 to vector<16xi1>
      %reduce_sum3A_1982 = tpu.scan <sum>, %add3A_1979 masked %reduce_sum3A_1981 : vector<16xf32>, vector<16xi1> -> vector<16xf32>
      %reduce_sum3A_1983 = vector.extract %reduce_sum3A_1982[15] : f32 from vector<16xf32>
      %eq3A_1984 = arith.constant 13 : i32
      %eq3A_1985 = vector.broadcast %eq3A_1984 : i32 to vector<16xi32>
      %eq3A_1986 = arith.cmpi eq, %iota3A, %eq3A_1985 : vector<16xi32>
      %broadcast_in_dim3A_1987 = vector.broadcast %reduce_sum3A_1983 : f32 to vector<16xf32>
      %select_n3A_1988 = arith.select %eq3A_1986, %broadcast_in_dim3A_1987, %select_n3A_1958 : vector<16xi1>, vector<16xf32>
      %get3A_1989 = arith.constant 14 : i32
      %get3A_1990 = arith.index_cast %get3A_1989 : i32 to index
      %get3A_1991 = arith.constant 0 : index
      %get3A_1992 = tpu.vector_load %arg11[%get3A_1990, %get3A_1991] {strides = array<i32>} : memref<16x32xf32, #tpu.memory_space<vmem>>, vector<16xf32>,
      %get3A_1993 = arith.constant 14 : i32
      %get3A_1994 = arith.index_cast %get3A_1993 : i32 to index
      %get3A_1995 = arith.constant 0 : index
      %get3A_1996 = tpu.vector_load %arg12[%get3A_1994, %get3A_1995] {strides = array<i32>} : memref<16x32xf32, #tpu.memory_space<vmem>>, vector<16xf32>,
      %mul3A_1997 = arith.mulf %get3A_1992, %get3A_1996 : vector<16xf32>
      %mul3A_1998 = arith.mulf %mul3A_1997, %get3A_6 : vector<16xf32>
      %get3A_1999 = arith.constant 14 : i32
      %get3A_2000 = arith.index_cast %get3A_1999 : i32 to index
      %get3A_2001 = arith.constant 16 : index
      %get3A_2002 = tpu.vector_load %arg11[%get3A_2000, %get3A_2001] {strides = array<i32>} : memref<16x32xf32, #tpu.memory_space<vmem>>, vector<16xf32>,
      %get3A_2003 = arith.constant 14 : i32
      %get3A_2004 = arith.index_cast %get3A_2003 : i32 to index
      %get3A_2005 = arith.constant 16 : index
      %get3A_2006 = tpu.vector_load %arg12[%get3A_2004, %get3A_2005] {strides = array<i32>} : memref<16x32xf32, #tpu.memory_space<vmem>>, vector<16xf32>,
      %mul3A_2007 = arith.mulf %get3A_2002, %get3A_2006 : vector<16xf32>
      %mul3A_2008 = arith.mulf %mul3A_2007, %get3A_8 : vector<16xf32>
      %add3A_2009 = arith.addf %mul3A_1998, %mul3A_2008 : vector<16xf32>
      %reduce_sum3A_2010 = arith.constant true
      %reduce_sum3A_2011 = vector.broadcast %reduce_sum3A_2010 : i1 to vector<16xi1>
      %reduce_sum3A_2012 = tpu.scan <sum>, %add3A_2009 masked %reduce_sum3A_2011 : vector<16xf32>, vector<16xi1> -> vector<16xf32>
      %reduce_sum3A_2013 = vector.extract %reduce_sum3A_2012[15] : f32 from vector<16xf32>
      %eq3A_2014 = arith.constant 14 : i32
      %eq3A_2015 = vector.broadcast %eq3A_2014 : i32 to vector<16xi32>
      %eq3A_2016 = arith.cmpi eq, %iota3A, %eq3A_2015 : vector<16xi32>
      %broadcast_in_dim3A_2017 = vector.broadcast %reduce_sum3A_2013 : f32 to vector<16xf32>
      %select_n3A_2018 = arith.select %eq3A_2016, %broadcast_in_dim3A_2017, %select_n3A_1988 : vector<16xi1>, vector<16xf32>
      %get3A_2019 = arith.constant 15 : i32
      %get3A_2020 = arith.index_cast %get3A_2019 : i32 to index
      %get3A_2021 = arith.constant 0 : index
      %get3A_2022 = tpu.vector_load %arg11[%get3A_2020, %get3A_2021] {strides = array<i32>} : memref<16x32xf32, #tpu.memory_space<vmem>>, vector<16xf32>,
      %get3A_2023 = arith.constant 15 : i32
      %get3A_2024 = arith.index_cast %get3A_2023 : i32 to index
      %get3A_2025 = arith.constant 0 : index
      %get3A_2026 = tpu.vector_load %arg12[%get3A_2024, %get3A_2025] {strides = array<i32>} : memref<16x32xf32, #tpu.memory_space<vmem>>, vector<16xf32>,
      %mul3A_2027 = arith.mulf %get3A_2022, %get3A_2026 : vector<16xf32>
      %mul3A_2028 = arith.mulf %mul3A_2027, %get3A_6 : vector<16xf32>
      %get3A_2029 = arith.constant 15 : i32
      %get3A_2030 = arith.index_cast %get3A_2029 : i32 to index
      %get3A_2031 = arith.constant 16 : index
      %get3A_2032 = tpu.vector_load %arg11[%get3A_2030, %get3A_2031] {strides = array<i32>} : memref<16x32xf32, #tpu.memory_space<vmem>>, vector<16xf32>,
      %get3A_2033 = arith.constant 15 : i32
      %get3A_2034 = arith.index_cast %get3A_2033 : i32 to index
      %get3A_2035 = arith.constant 16 : index
      %get3A_2036 = tpu.vector_load %arg12[%get3A_2034, %get3A_2035] {strides = array<i32>} : memref<16x32xf32, #tpu.memory_space<vmem>>, vector<16xf32>,
      %mul3A_2037 = arith.mulf %get3A_2032, %get3A_2036 : vector<16xf32>
      %mul3A_2038 = arith.mulf %mul3A_2037, %get3A_8 : vector<16xf32>
      %add3A_2039 = arith.addf %mul3A_2028, %mul3A_2038 : vector<16xf32>
      %reduce_sum3A_2040 = arith.constant true
      %reduce_sum3A_2041 = vector.broadcast %reduce_sum3A_2040 : i1 to vector<16xi1>
      %reduce_sum3A_2042 = tpu.scan <sum>, %add3A_2039 masked %reduce_sum3A_2041 : vector<16xf32>, vector<16xi1> -> vector<16xf32>
      %reduce_sum3A_2043 = vector.extract %reduce_sum3A_2042[15] : f32 from vector<16xf32>
      %eq3A_2044 = arith.constant 15 : i32
      %eq3A_2045 = vector.broadcast %eq3A_2044 : i32 to vector<16xi32>
      %eq3A_2046 = arith.cmpi eq, %iota3A, %eq3A_2045 : vector<16xi32>
      %broadcast_in_dim3A_2047 = vector.broadcast %reduce_sum3A_2043 : f32 to vector<16xf32>
      %select_n3A_2048 = arith.select %eq3A_2046, %broadcast_in_dim3A_2047, %select_n3A_2018 : vector<16xi1>, vector<16xf32>
      %add3A_2049 = vector.broadcast %squeeze3A : f32 to vector<16xf32>
      %add3A_2050 = arith.addf %select_n3A_2048, %add3A_2049 : vector<16xf32>
      %neg3A = arith.constant 0.000000e+00 : f32
      %neg3A_2051 = vector.broadcast %neg3A : f32 to vector<16xf32>
      %neg3A_2052 = arith.subf %neg3A_2051, %add3A_2050 : vector<16xf32>
      %exp3A = math.exp %neg3A_2052 : vector<16xf32>
      %add3A_2053 = arith.constant 1.000000e+00 : f32
      %add3A_2054 = vector.broadcast %add3A_2053 : f32 to vector<16xf32>
      %add3A_2055 = arith.addf %add3A_2054, %exp3A : vector<16xf32>
      %div3A = arith.constant 1.000000e+00 : f32
      %div3A_2056 = vector.broadcast %div3A : f32 to vector<16xf32>
      %div3A_2057 = arith.divf %div3A_2056, %add3A_2055 : vector<16xf32>
      %swap3A_2058 = arith.index_cast %multiple_of3A_156 : i32 to index
      %swap3A_2059 = tpu.vector_load %arg14[%swap3A_2058] {strides = array<i32>} : memref<512xf32, #tpu.memory_space<vmem>>, vector<16xf32>,
      tpu.vector_store %arg14[%swap3A_2058], %div3A_2057 {strides = array<i32>} : memref<512xf32, #tpu.memory_space<vmem>>, vector<16xf32>,
      %scan3A_2060 = arith.constant 0 : i32
      scf.yield %scan3A_2060 : i32
    }
    %scan3A_151 = arith.constant 32 : i32
    "tpu.region"() ({
      %run_scoped3A = tpu.sem_alloc : memref<!tpu.dma_semaphore, #tpu.memory_space<semaphore_mem>>
      %dma_start3A_152 = tpu.memref_slice %arg7[%mul3A_2] : memref<16384xf32, #tpu.memory_space<hbm>> -> memref<512xf32, #tpu.memory_space<hbm>>
      %dma_start3A_153 = tpu.memref_slice %arg7[%mul3A_2] : memref<16384xf32, #tpu.memory_space<hbm>> -> memref<512xf32, #tpu.memory_space<hbm>>
      tpu.enqueue_dma source(%arg14 : memref<512xf32, #tpu.memory_space<vmem>>) target(%dma_start3A_153 : memref<512xf32, #tpu.memory_space<hbm>>) target_semaphore(%run_scoped3A : memref<!tpu.dma_semaphore, #tpu.memory_space<semaphore_mem>>)
      %dma_wait3A = tpu.memref_slice %arg7[%mul3A_2] : memref<16384xf32, #tpu.memory_space<hbm>> -> memref<512xf32, #tpu.memory_space<hbm>>
      %dma_wait3A_154 = tpu.memref_slice %arg7[%mul3A_2] : memref<16384xf32, #tpu.memory_space<hbm>> -> memref<512xf32, #tpu.memory_space<hbm>>
      tpu.wait_dma2 semaphore(%run_scoped3A : memref<!tpu.dma_semaphore, #tpu.memory_space<semaphore_mem>>) src(%arg14 : memref<512xf32, #tpu.memory_space<vmem>>) dst(%dma_wait3A_154 : memref<512xf32, #tpu.memory_space<hbm>>)
      tpu.yield
    }) : () -> ()
    return
  }
}

</mosaic_0001>

<sc_bundles>
// kernel: kernel.3.cloned.1.call-start
scs
__scs_entry_jumppad:
0x0: {  	(pc) =	sbr.rel $0x88, $3  }
0x1: {  	(tag) =	ssettag $0x0;
	lr =	simm.s32 $0x1  }
0x2: {  	[smem:$0x3F9B] =	sst lr;
	_ =	strace $0xD0000000  }
0x3: {  	_ = 	snop  }
0x4: {  	_ = 	snop  }
0x5: {  	_ = 	snop  }
0x6: {  	_ = 	snop  }
0x7: {  	_ = 	snop  }
__scs_overlays_trampoline_lowered:
0x8: {  	[smem:$0x3FAA] =	sst s0  }
0x9: {  	[smem:$0x3FAB] =	sst s1  }
0xa: {  	[smem:$0x3FAC] =	sst s2  }
0xb: {  	[smem:$0x3FAD] =	sst s3  }
0xc: {  	[smem:$0x3FAE] =	sst s4  }
0xd: {  	[smem:$0x3FAF] =	sst s5  }
0xe: {  	[smem:$0x3FB0] =	sst s6  }
0xf: {  	[smem:$0x3FB1] =	sst s7  }
0x10: {  	[smem:$0x3FB2] =	sst s8  }
0x11: {  	[smem:$0x3FB3] =	sst s9;
	s0 =	simm.s32 @!p0 $0x0  }
0x12: {  	s1 =	sld [smem:$0x3F99];
	s0 =	simm.s32 @p0 $0x1  }
0x13: {  	[smem:$0x3FB4] =	sst s0;
	s0 =	simm.s32 @!p1 $0x0  }
0x14: {  	s2 =	sld [smem:$0x3F98];
	s0 =	simm.s32 @p1 $0x1  }
0x15: {  	[smem:$0x3FB5] =	sst s0;
	s0 =	simm.s32 @!p2 $0x0  }
0x16: {  	s3 =	sld [smem:$0x3FDB];
	s0 =	simm.s32 @p2 $0x1  }
0x17: {  	s4 =	simm.s32 $0x1BF5;
	[smem:$0x3FB7] =	sst s0  }
0x18: {  	s0 =	sld [smem:$0x3F9A];
	_ =	swait.ge [sflag:s4], $0x0  }
0x19: {  	s7 =	sld [smem:$0x3F9B]  }
0x1a: {  	s8 =	sadd.s32 $0xFFFFE003, lr  }
0x1b: {  	s9 =	sadd.s32 $0xFFFFFEF7, lr;
	s5 =	simm.s32 $0xFFFFFFFF;
	p2 =	slt.u32 s8, $0xFFFFF086  }
0x1c: {  	p1 =	slt.u32 s9, $0xF7A;
	s5 =	simm.s32 @!p2 $0x0  }
0x1d: {  	s5 =	simm.s32 @p1 $0x1;
	p0 =	seq.s32 s7, s2  }
0x1e: {  	s7 =	smul.u32 @!p0 $0xF7A, s2;
	p2 =	seq.s32 @!p0 s5, $0x0  }
0x1f: {  	s9 =	smul.u32 $0xF7A, s1;
	s8 =	simm.s32 @!p0 $0x1BF5;
	p2 =	por !p2, p0  }
0x20: {  	[sflag:s8] =	ssyncset.s32 @!p0 $0xFFFFF086;
	s6 =	sadd.s32 @!p0 s3, s7;
	s7 =	simm.s32 @!p0 $0x108  }
0x21: {  	s3 =	sadd.s32 s3, s9;
	s6 =	sadd.s32 @!p0 $0x88, s6;
	s7 =	simm.s32 @p2 $0x1082  }
0x22: {  	[simem:s7], [sflag:s8] =	dma.local @!p0 [hbm:s6], $0xF7A  }
0x23: {  	s9 =	sor.u32 $0xD0000000, s2;
	s6 =	simm.s32 $0x108;
	_ =	swait.ge @!p0 [sflag:s8], $0x0  }
0x24: {  	s3 =	sadd.s32 $0x88, s3;
	s6 =	simm.s32 @!p1 $0x1082;
	[sflag:s4] =	ssyncset.s32 $0xFFFFF086  }
0x25: {  	[simem:s6], [sflag:s4] =	dma.local [hbm:s3], $0xF7A  }
0x26: {  	[smem:$0x3F9B] =	sst s1;
	(tag) =	ssettag s2;
	_ =	strace s9  }
0x27: {  	s1 =	sld [smem:$0x3FAB]  }
0x28: {  	s2 =	sld [smem:$0x3FAC]  }
0x29: {  	s4 =	sld [smem:$0x3FAE]  }
0x2a: {  	p0 =	seq.s32 s5, $0x0;
	s5 =	sld [smem:$0x3FAF]  }
0x2b: {  	s6 =	sld [smem:$0x3FB0]  }
0x2c: {  	s7 =	sld [smem:$0x3FB1]  }
0x2d: {  	s3 =	simm.s32 $0x108;
	s8 =	sld [smem:$0x3FB2]  }
0x2e: {  	s3 =	simm.s32 @!p0 $0x1082;
	s9 =	sld [smem:$0x3FB3]  }
0x2f: {  	lr =	sadd.s32 s0, s3;
	s0 =	sld [smem:$0x3FAA]  }
0x30: {  	s3 =	sld [smem:$0x3FAD]  }
0x31: {  	[smem:$0x3FB6] =	sst s10  }
0x32: {  	s10 =	sld [smem:$0x3FB4];
	_ =	sdelay $0x3  }
0x33: {  	p0 =	seq.s32 s10, $0x1;
	s10 =	sld [smem:$0x3FB6];
	_ =	sdelay $0x3  }
0x34: {  	[smem:$0x3FB6] =	sst s10  }
0x35: {  	s10 =	sld [smem:$0x3FB5];
	_ =	sdelay $0x3  }
0x36: {  	p1 =	seq.s32 s10, $0x1;
	s10 =	sld [smem:$0x3FB6];
	_ =	sdelay $0x3  }
0x37: {  	[smem:$0x3FB6] =	sst s10  }
0x38: {  	s10 =	sld [smem:$0x3FB7]  }
0x39: {  	_ = 	snop;
	(pc) =	sbr.ind lr, $3  }
0x3a: {  	_ = 	snop  }
0x3b: {  	_ = 	snop  }
0x3c: {  	p2 =	seq.s32 s10, $0x1;
	s10 =	sld [smem:$0x3FB6]  }
0x3d: {  	_ =	shalt  }
0x3e: {  	_ =	shalt  }
0x3f: {  	_ =	shalt  }
0x40: {  	_ =	shalt  }
0x41: {  	_ =	shalt  }
0x42: {  	_ =	shalt  }
0x43: {  	_ =	shalt  }
0x44: {  	_ =	shalt  }
0x45: {  	_ =	shalt  }
0x46: {  	_ =	shalt  }
0x47: {  	_ =	shalt  }
0x48: {  	_ =	shalt  }
0x49: {  	_ =	shalt  }
0x4a: {  	_ =	shalt  }
0x4b: {  	_ =	shalt  }
0x4c: {  	_ =	shalt  }
0x4d: {  	_ =	shalt  }
0x4e: {  	_ =	shalt  }
0x4f: {  	_ =	shalt  }
0x50: {  	_ =	shalt  }
0x51: {  	_ =	shalt  }
0x52: {  	_ =	shalt  }
0x53: {  	_ =	shalt  }
0x54: {  	_ =	shalt  }
0x55: {  	_ =	shalt  }
0x56: {  	_ =	shalt  }
0x57: {  	_ =	shalt  }
0x58: {  	_ =	shalt  }
0x59: {  	_ =	shalt  }
0x5a: {  	_ =	shalt  }
0x5b: {  	_ =	shalt  }
0x5c: {  	_ =	shalt  }
0x5d: {  	_ =	shalt  }
0x5e: {  	_ =	shalt  }
0x5f: {  	_ =	shalt  }
0x60: {  	_ =	shalt  }
0x61: {  	_ =	shalt  }
0x62: {  	_ =	shalt  }
0x63: {  	_ =	shalt  }
0x64: {  	_ =	shalt  }
0x65: {  	_ =	shalt  }
0x66: {  	_ =	shalt  }
0x67: {  	_ =	shalt  }
0x68: {  	_ =	shalt  }
0x69: {  	_ =	shalt  }
0x6a: {  	_ =	shalt  }
0x6b: {  	_ =	shalt  }
0x6c: {  	_ =	shalt  }
0x6d: {  	_ =	shalt  }
0x6e: {  	_ =	shalt  }
0x6f: {  	_ =	shalt  }
0x70: {  	_ =	shalt  }
0x71: {  	_ =	shalt  }
0x72: {  	_ =	shalt  }
0x73: {  	_ =	shalt  }
0x74: {  	_ =	shalt  }
0x75: {  	_ =	shalt  }
0x76: {  	_ =	shalt  }
0x77: {  	_ =	shalt  }
0x78: {  	_ =	shalt  }
0x79: {  	_ =	shalt  }
0x7a: {  	_ =	shalt  }
0x7b: {  	_ =	shalt  }
0x7c: {  	_ =	shalt  }
0x7d: {  	_ =	shalt  }
0x7e: {  	_ =	shalt  }
0x7f: {  	_ =	shalt  }
0x80: {  	_ =	shalt  }
0x81: {  	_ =	shalt  }
0x82: {  	_ =	shalt  }
0x83: {  	_ =	shalt  }
0x84: {  	_ =	shalt  }
0x85: {  	_ =	shalt  }
0x86: {  	_ =	shalt  }
0x87: {  	_ =	shalt  }
.Lfunc_end0:
.L_simem_size_0:
called_computation_lowered:
.L_overlay_start_0:
0x88: {  	s2 =	sld [smem:$0x3FD9]  }
0x89: {  	s3 =	sld [smem:$0x3FFE];
	_ =	sdelay $0x1  }
0x8a: {  	s1 =	srdreg.scid  }
0x8b: {  	s0 =	sand.u32 $0x1, s1  }
0x8c: {  	s17 =	sshll.u32 s0, $0xA;
	s2 =	sadd.s32 s3, s2  }
0x8d: {  	s2 =	sadd.s32 s2, s17  }
0x8e: {  	[smem:$0x3FC2] =	sst s2  }
0x8f: {  	_ = 	snop  }
0x90: {  	s2 =	sld [smem:$0x3FC9]  }
0x91: {  	s18 =	sld [smem:$0x3FC8]  }
0x92: {  	s4 =	sld [smem:$0x3FC7]  }
0x93: {  	s5 =	sld [smem:$0x3FC6]  }
0x94: {  	s6 =	sld [smem:$0x3FD0];
	(tm) =	ssettm $0x1  }
0x95: {  	s7 =	sld [smem:$0x3FFB];
	_ =	sdelay $0x3  }
0x96: {  	_ =	strace s7  }
0x97: {  	s7 =	sld [smem:$0x3FFC];
	_ =	sdelay $0x3  }
0x98: {  	_ =	strace s7  }
0x99: {  	s7 =	sld [smem:$0x3FFD];
	_ =	sdelay $0x3  }
0x9a: {  	_ =	strace s7  }
0x9b: {  	_ =	strace $0x8FFFFFFF  }
0x9c: {  	s19 =	sld [smem:$0x3FDB];
	_ =	sdelay $0x1  }
0x9d: {  	s8 =	simm.s32 $_scs_section_size  }
0x9e: {  	s9 =	simm.s32 $_size__tile_overlayer_lowered;
	s10 =	simm.s32 $_tile_overlayer_lowered  }
0x9f: {  	s22 =	simm.s32 $0x1BFF;
	s21 =	sshll.u32 s10, $0x1;
	s7 =	sadd.s32 s8, s19  }
0xa0: {  	s11 =	simm.s32 $0x0;
	s20 =	sshll.u32 s9, $0x1;
	s9 =	sadd.s32 s21, s7  }
0xa1: {  	[timem:s11], [sflag:s22] =	dma.local [hbm:s9], s20  }
0xa2: {  	_ =	swait.ge [sflag:s22], s20  }
0xa3: {  	s8 =	ssub.s32 $0x0, s20;
	[sflag:s22] =	ssyncset.done $0x0  }
0xa4: {  	[sflag:s22] =	ssyncadd.s32 s8;
	_ =	sdelay $0x1  }
0xa5: {  	s23 =	simm.s32 $0x1B8B  }
0xa6: {  	_ =	swait.ge [sflag:s23], $0x1  }
0xa7: {  	[sflag:s23] =	ssyncset.done $0x0  }
0xa8: {  	s25 =	simm.s32 $0x1B8E;
	s24 =	sld [smem:$0x3FFE];
	[sflag:s23] =	ssyncadd.s32 $0xFFFFFFFF  }
0xa9: {  	s26 =	simm.s32 $execute0_lowered;
	[smem:$0x3FD2] =	sst s25  }
0xaa: {  	s9 =	sshll.u32 s26, $0x1;
	_ =	strace $0x80000046;
	[dreg:$0x1] =	wrdreg $0xFFFFFFFF  }
0xab: {  	s28 =	simm.s32 $_size_execute0_lowered;
	s7 =	sadd.s32 s7, s9;
	[dreg:$0x0] =	wrdreg $0x0  }
0xac: {  	s9 =	sshll.u32 s28, $0x1;
	[dreg:$0x2] =	wrdreg s7  }
0xad: {  	[dreg:$0x3] =	wrdreg s9  }
0xae: {  	[dreg:$0x4] =	wrdreg $0xC0  }
0xaf: {  	_ =	task [dreg:s11], $0x5FFFF  }
0xb0: {  	[dreg:$0x1] =	wrdreg $0xFFFFFFFF  }
0xb1: {  	[dreg:$0x0] =	wrdreg $0x60  }
0xb2: {  	[dreg:$0x2] =	wrdreg s2  }
0xb3: {  	[dreg:$0x3] =	wrdreg s18  }
0xb4: {  	[dreg:$0x4] =	wrdreg s4  }
0xb5: {  	[dreg:$0x5] =	wrdreg s5  }
0xb6: {  	[dreg:$0x6] =	wrdreg s24  }
0xb7: {  	[dreg:$0x7] =	wrdreg s6  }
0xb8: {  	[dreg:$0x8] =	wrdreg $0x9  }
0xb9: {  	_ =	task.clear_ibuf [dreg:s11], $0x9FFFF;
	_ =	strace $0x90000046  }
0xba: {  	s29 =	simm.s32 $0x9;
	_ =	strace $0x80000048  }
0xbb: {  	_ =	swait.ge [sflag:s29], $0x1  }
0xbc: {  	[sflag:s29] =	ssyncadd.s32 $0xFFFFFFFF  }
0xbd: {  	_ =	strace $0x90000048  }
0xbe: {  	_ =	sfence  }
0xbf: {  	s30 =	sld [smem:$0x0];
	_ =	sdelay $0x2  }
0xc0: {  	s31 =	sshll.u32 s1, $0xD;
	s1 =	sshrl.u32 s1, $0x2  }
0xc1: {  	s3 =	sand.u32 $0x4000, s31;
	s1 =	sadd.s32 s1, s30  }
0xc2: {  	s0 =	sor.u32 s3, s0;
	s1 =	sshll.u32 s1, $0x11  }
0xc3: {  	s0 =	sor.u32 s1, s0  }
0xc4: {  	s0 =	sadd.s32 $0x8F2B, s0  }
0xc5: {  	[sflag:s0] =	ssyncadd.remote.s32 $0x1  }
0xc6: {  	_ =	sfence.sel $0xFFFF  }
0xc7: {  	[dreg:$0x0] =	wrdreg $0xFFFFFFFF;
	(pc) =	sbr.abs _section_cstart, $3  }
0xc8: {  	[dreg:$0x1] =	wrdreg $0xFFFFFFFF  }
0xc9: {  	_ =	task.clear_ibuf [dreg:s11], $0x2FFFF;
	_ =	strace $0x9FFFFFFF  }
0xca: {  	(tm) =	ssettm $0x7FFFFFFF  }
0xcb: {  	_ =	shalt  }
tec
execute0_lowered:
.L_overlay_start_1:
0x0: {  	(tag) =	ssettag $0x1  }
0x1: {  	s1 =	rddreg [dreg:$0x0]  }
0x2: {  	s6 =	rddreg [dreg:$0x1]  }
0x3: {  	s0 =	rddreg [dreg:$0x2]  }
0x4: {  	s2 =	rddreg [dreg:$0x3]  }
0x5: {  	s4 =	rddreg [dreg:$0x4]  }
0x6: {  	v0 =	vlaneseq.u32;
	s7 =	rddreg [dreg:$0x5];
	s3 =	simm.s32 $0x0;
	s5 =	srdreg.scid;
	vm0 =	vmmov $0x1  }
0x7: {  	s31 =	stileid.u32;
	s11 =	simm.s32 $0x9400;
	vm1 =	vmmov $0x3;
	vm2 =	vmmov $0x7;
	s12 =	simm.s32 $0x7A1400;
	vm3 =	vmmov $0xf  }
0x8: {  	s13 =	simm.s32 $0x400;
	s14 =	simm.s32 $0x1400;
	vm4 =	vmmov $0x1f;
	vm5 =	vmmov $0x3f;
	s15 =	simm.s32 $0x2400;
	vm6 =	vmmov $0x7f  }
0x9: {  	s16 =	simm.s32 $0x3400;
	s17 =	simm.s32 $0x4400;
	vm7 =	vmmov $0xff;
	vm8 =	vmmov $0x1ff;
	s18 =	simm.s32 $0x5400;
	vm9 =	vmmov $0x3ff  }
0xa: {  	s19 =	simm.s32 $0x6400;
	s20 =	simm.s32 $0x7400;
	vm10 =	vmmov $0x7ff;
	vm11 =	vmmov $0xfff;
	s21 =	simm.s32 $0x1;
	v0 =	vmul.u32 $0x80, v0  }
0xb: {  	vm12 =	vmmov $0x1fff;
	vm13 =	vmmov $0x3fff;
	vm14 =	vmmov $0x7fff;
	s22 =	simm.s32 $0x9480;
	s23 =	simm.s32 $0x0;
	[dreg:$0x7] =	wrdreg s2  }
0xc: {  	[smem:$0x7FF] =	sst s3;
	s5 =	sand.u32 $0x1, s5;
	s9 =	sshll.u32 s31, $0x7;
	v1 =	vor.u32 $0x800, v0;
	v2 =	vor.u32 $0x1000, v0;
	v3 =	vor.u32 $0x1800, v0  }
0xd: {  	s4 =	sadd.s32 $0x600, s4;
	s8 =	ssub.s32 $0x2, s5;
	s5 =	sshll.u32 s5, $0x6;
	v4 =	vor.u32 $0x2000, v0;
	v5 =	vor.u32 $0x2800, v0;
	v6 =	vor.u32 $0x3000, v0  }
0xe: {  	_ =	strace $0x80000047;
	s10 =	sshrl.u32 s8, $0x1;
	s9 =	sor.u32 s5, s9;
	v7 =	vor.u32 $0x3800, v0;
	v8 =	vor.u32 $0x4000, v0;
	v9 =	vor.u32 $0x4800, v0  }
0xf: {  	v10 =	vor.u32 $0x5000, v0;
	v11 =	vor.u32 $0x5800, v0;
	v12 =	vor.u32 $0x6000, v0;
	s8 =	ssub.s32 s8, s10;
	s5 =	sadd.s32 s1, s9;
	s6 =	sadd.s32 s6, s9  }
0x10: {  	v13 =	vor.u32 $0x6800, v0;
	v14 =	vor.u32 $0x7000, v0;
	v15 =	vor.u32 $0x7800, v0;
	s7 =	sadd.s32 s7, s9;
	s9 =	simm.s32 $0x2;
	s8 =	smax.u32 s8, $0x1  }
.LBB2_1:
0x11: {  	[tilespmem:s3], [sflag:$0x2] =	stream.linear.gather [hbm4b:s5+s3], $0x200, $0x38;
	[tilespmem:$0x9680] =	vst v63  }
0x12: {  	_ =	swait.ge [sflag:s9], $0x200  }
0x13: {  	[sflag:s9] =	ssyncset.done $0x0  }
0x14: {  	s1 =	simm.s32 $0x200;
	[sflag:s9] =	ssyncadd.s32 $0xFFFFFE00  }
0x15: {  	[tilespmem:s1], [sflag:$0x2] =	stream.linear.gather [hbm4b:s6+s3], $0x200, $0x38;
	[tilespmem:$0x9680] =	vst v63  }
0x16: {  	_ =	swait.ge [sflag:s9], $0x200  }
0x17: {  	[sflag:s9] =	ssyncset.done $0x0  }
0x18: {  	[sflag:s9] =	ssyncadd.s32 $0xFFFFFE00  }
0x19: {  	[tilespmem:s11], [sflag:$0x2] =	stream.linear.gather [hbm4b:s4+s3], $0x80, $0x38;
	[tilespmem:$0x9680] =	vst v63  }
0x1a: {  	_ =	swait.ge [sflag:s9], $0x80  }
0x1b: {  	[sflag:s9] =	ssyncset.done $0x0  }
0x1c: {  	[sflag:s9] =	ssyncadd.s32 $0xFFFFFF80  }
0x1d: {  	v16 =	vld [tilespmem:$0x0];
	_ =	sdelay $0x4  }
0x1e: {  	v16 =	vand.u32 $0xFFFFFF80, v16  }
0x1f: {  	v18 =	vadd.s32 s0, v16  }
0x20: {  	(v2sf) =	vpush v18, $0x0;
	_ =	sdelay $0x1  }
0x21: {  	(v2sf) =	vpush v18, $0x1;
	_ =	sdelay $0x1  }
0x22: {  	(v2sf) =	vpush v18, $0x2;
	_ =	sdelay $0x1  }
0x23: {  	(v2sf) =	vpush v18, $0x3;
	_ =	sdelay $0x1  }
0x24: {  	(v2sf) =	vpush v18, $0x4;
	_ =	sdelay $0x1  }
0x25: {  	(v2sf) =	vpush v18, $0x5;
	_ =	sdelay $0x1  }
0x26: {  	(v2sf) =	vpush v18, $0x6;
	_ =	sdelay $0x1  }
0x27: {  	v17 =	vld [tilespmem:$0x9410];
	(v2sf) =	vpush v18, $0x7  }
0x28: {  	v16 =	vld [tilespmem:$0x9400];
	s10 =	spop (v2sf)  }
0x29: {  	v18 =	vld.msk [tilespmem:$0x9420 ss:$0x0], $0xffff;
	[tilespmem:s13], [sflag:$0x1] =	stream.strided.gather [hbm4b:s10+s13], $0x1000, s12, s13, $0x38  }
0x2a: {  	s24 =	spop (v2sf)  }
0x2b: {  	[tilespmem:s14], [sflag:$0x1] =	stream.strided.gather [hbm4b:s24+s13], $0x1000, s12, s13, $0x38;
	[tilespmem:$0x9680] =	vst v63  }
0x2c: {  	s25 =	spop (v2sf)  }
0x2d: {  	[tilespmem:s15], [sflag:$0x1] =	stream.strided.gather [hbm4b:s25+s13], $0x1000, s12, s13, $0x38;
	[tilespmem:$0x9680] =	vst v63  }
0x2e: {  	s26 =	spop (v2sf)  }
0x2f: {  	[tilespmem:s16], [sflag:$0x1] =	stream.strided.gather [hbm4b:s26+s13], $0x1000, s12, s13, $0x38;
	[tilespmem:$0x9680] =	vst v63  }
0x30: {  	s28 =	spop (v2sf)  }
0x31: {  	[tilespmem:s17], [sflag:$0x1] =	stream.strided.gather [hbm4b:s28+s13], $0x1000, s12, s13, $0x38;
	[tilespmem:$0x9680] =	vst v63  }
0x32: {  	s29 =	spop (v2sf)  }
0x33: {  	[tilespmem:s18], [sflag:$0x1] =	stream.strided.gather [hbm4b:s29+s13], $0x1000, s12, s13, $0x38;
	[tilespmem:$0x9680] =	vst v63  }
0x34: {  	s30 =	spop (v2sf)  }
0x35: {  	[tilespmem:s19], [sflag:$0x1] =	stream.strided.gather [hbm4b:s30+s13], $0x1000, s12, s13, $0x38;
	[tilespmem:$0x9680] =	vst v63  }
0x36: {  	s24 =	simm.s32 $0x0;
	s31 =	spop (v2sf)  }
0x37: {  	[tilespmem:s20], [sflag:$0x1] =	stream.strided.gather [hbm4b:s31+s13], $0x1000, s12, s13, $0x38;
	[tilespmem:$0x9680] =	vst v63  }
.LBB2_2:
0x38: {  	s25 =	sshra.s32 s24, $0x2  }
0x39: {  	v20 =	vld [tilespmem:s25+$0x0];
	_ =	sdelay $0x4  }
0x3a: {  	v21 =	vand.u32 $0xFFFFFF80, v20  }
0x3b: {  	v19 =	vld [tilespmem:s25+$0x200];
	_ =	swait.ge [sflag:s21], $0x1000;
	v21 =	vadd.s32 s0, v21  }
0x3c: {  	(v2sf) =	vpush v21, $0x8;
	_ =	sdelay $0x8  }
0x3d: {  	v20 =	vand.u32 $0x7F, v20  }
0x3e: {  	v22 =	vbroadcast v20, $0x0;
	_ =	sdelay $0x1  }
0x3f: {  	v23 =	vor.u32 v0, v22  }
0x40: {  	v22 =	vor.u32 v1, v22  }
0x41: {  	[sflag:s21] =	ssyncset.done $0x0  }
0x42: {  	[sflag:s21] =	ssyncadd.s32 $0xFFFFF000;
	s1 =	spop (v2sf)  }
0x43: {  	[tilespmem:s13], [sflag:$0x1] =	stream.strided.gather [hbm4b:s1+s13], $0x1000, s12, s13, $0x38;
	[tilespmem:$0x9680] =	vst v63  }
0x44: {  	v23 =	vld.idx.msk [tilespmem:v23+s13+$0x0], $0xffff  }
0x45: {  	v22 =	vld.idx.msk [tilespmem:v22+s13+$0x0], $0xffff;
	_ =	sdelay $0x3  }
0x46: {  	[tilespmem:$0x8400] =	vst v23  }
0x47: {  	[tilespmem:$0x8410] =	vst v22  }
0x48: {  	_ =	swait.ge [sflag:s21], $0x1000  }
0x49: {  	(v2sf) =	vpush v21, $0x9;
	_ =	sdelay $0x9  }
0x4a: {  	v54 =	vbroadcast v20, $0x1;
	_ =	sdelay $0x1  }
0x4b: {  	v55 =	vor.u32 v2, v54  }
0x4c: {  	v22 =	vor.u32 v3, v54  }
0x4d: {  	[sflag:s21] =	ssyncset.done $0x0  }
0x4e: {  	[sflag:s21] =	ssyncadd.s32 $0xFFFFF000;
	s29 =	spop (v2sf)  }
0x4f: {  	[tilespmem:s14], [sflag:$0x1] =	stream.strided.gather [hbm4b:s29+s13], $0x1000, s12, s13, $0x38;
	[tilespmem:$0x9680] =	vst v63  }
0x50: {  	v23 =	vld.idx.msk [tilespmem:v55+s13+$0x0], $0xffff  }
0x51: {  	v22 =	vld.idx.msk [tilespmem:v22+s13+$0x0], $0xffff;
	_ =	sdelay $0x3  }
0x52: {  	[tilespmem:$0x8480] =	vst v23  }
0x53: {  	[tilespmem:$0x8490] =	vst v22  }
0x54: {  	_ =	swait.ge [sflag:s21], $0x1000  }
0x55: {  	(v2sf) =	vpush v21, $0xA;
	_ =	sdelay $0x9  }
0x56: {  	v56 =	vbroadcast v20, $0x2;
	_ =	sdelay $0x1  }
0x57: {  	v57 =	vor.u32 v4, v56  }
0x58: {  	v22 =	vor.u32 v5, v56  }
0x59: {  	[sflag:s21] =	ssyncset.done $0x0  }
0x5a: {  	[sflag:s21] =	ssyncadd.s32 $0xFFFFF000;
	s30 =	spop (v2sf)  }
0x5b: {  	[tilespmem:s15], [sflag:$0x1] =	stream.strided.gather [hbm4b:s30+s13], $0x1000, s12, s13, $0x38;
	[tilespmem:$0x9680] =	vst v63  }
0x5c: {  	v23 =	vld.idx.msk [tilespmem:v57+s13+$0x0], $0xffff  }
0x5d: {  	v22 =	vld.idx.msk [tilespmem:v22+s13+$0x0], $0xffff;
	_ =	sdelay $0x3  }
0x5e: {  	[tilespmem:$0x8500] =	vst v23  }
0x5f: {  	[tilespmem:$0x8510] =	vst v22  }
0x60: {  	_ =	swait.ge [sflag:s21], $0x1000  }
0x61: {  	(v2sf) =	vpush v21, $0xB;
	_ =	sdelay $0x9  }
0x62: {  	v58 =	vbroadcast v20, $0x3;
	_ =	sdelay $0x1  }
0x63: {  	v59 =	vor.u32 v6, v58  }
0x64: {  	v22 =	vor.u32 v7, v58  }
0x65: {  	[sflag:s21] =	ssyncset.done $0x0  }
0x66: {  	[sflag:s21] =	ssyncadd.s32 $0xFFFFF000;
	s31 =	spop (v2sf)  }
0x67: {  	[tilespmem:s16], [sflag:$0x1] =	stream.strided.gather [hbm4b:s31+s13], $0x1000, s12, s13, $0x38;
	[tilespmem:$0x9680] =	vst v63  }
0x68: {  	v23 =	vld.idx.msk [tilespmem:v59+s13+$0x0], $0xffff  }
0x69: {  	v22 =	vld.idx.msk [tilespmem:v22+s13+$0x0], $0xffff;
	_ =	sdelay $0x3  }
0x6a: {  	[tilespmem:$0x8580] =	vst v23  }
0x6b: {  	[tilespmem:$0x8590] =	vst v22  }
0x6c: {  	_ =	swait.ge [sflag:s21], $0x1000  }
0x6d: {  	(v2sf) =	vpush v21, $0xC;
	_ =	sdelay $0x9  }
0x6e: {  	v60 =	vbroadcast v20, $0x4;
	_ =	sdelay $0x1  }
0x6f: {  	v61 =	vor.u32 v8, v60  }
0x70: {  	v22 =	vor.u32 v9, v60  }
0x71: {  	[sflag:s21] =	ssyncset.done $0x0  }
0x72: {  	[sflag:s21] =	ssyncadd.s32 $0xFFFFF000;
	s2 =	spop (v2sf)  }
0x73: {  	[tilespmem:s17], [sflag:$0x1] =	stream.strided.gather [hbm4b:s2+s13], $0x1000, s12, s13, $0x38;
	[tilespmem:$0x9680] =	vst v63  }
0x74: {  	v23 =	vld.idx.msk [tilespmem:v61+s13+$0x0], $0xffff  }
0x75: {  	v22 =	vld.idx.msk [tilespmem:v22+s13+$0x0], $0xffff;
	_ =	sdelay $0x3  }
0x76: {  	[tilespmem:$0x8600] =	vst v23  }
0x77: {  	[tilespmem:$0x8610] =	vst v22  }
0x78: {  	_ =	swait.ge [sflag:s21], $0x1000  }
0x79: {  	(v2sf) =	vpush v21, $0xD;
	_ =	sdelay $0x9  }
0x7a: {  	v62 =	vbroadcast v20, $0x5;
	_ =	sdelay $0x1  }
0x7b: {  	v63 =	vor.u32 v10, v62  }
0x7c: {  	v22 =	vor.u32 v11, v62  }
0x7d: {  	[sflag:s21] =	ssyncset.done $0x0  }
0x7e: {  	[sflag:s21] =	ssyncadd.s32 $0xFFFFF000;
	s10 =	spop (v2sf)  }
0x7f: {  	[tilespmem:s18], [sflag:$0x1] =	stream.strided.gather [hbm4b:s10+s13], $0x1000, s12, s13, $0x38;
	[tilespmem:$0x9680] =	vst v63  }
0x80: {  	v23 =	vld.idx.msk [tilespmem:v63+s13+$0x0], $0xffff  }
0x81: {  	v22 =	vld.idx.msk [tilespmem:v22+s13+$0x0], $0xffff;
	_ =	sdelay $0x3  }
0x82: {  	[tilespmem:$0x8680] =	vst v23  }
0x83: {  	[tilespmem:$0x8690] =	vst v22  }
0x84: {  	_ =	swait.ge [sflag:s21], $0x1000  }
0x85: {  	(v2sf) =	vpush v21, $0xE;
	_ =	sdelay $0x9  }
0x86: {  	v24 =	vbroadcast v20, $0x6;
	_ =	sdelay $0x1  }
0x87: {  	v25 =	vor.u32 v12, v24  }
0x88: {  	v22 =	vor.u32 v13, v24  }
0x89: {  	[sflag:s21] =	ssyncset.done $0x0  }
0x8a: {  	[sflag:s21] =	ssyncadd.s32 $0xFFFFF000;
	s26 =	spop (v2sf)  }
0x8b: {  	[tilespmem:s19], [sflag:$0x1] =	stream.strided.gather [hbm4b:s26+s13], $0x1000, s12, s13, $0x38;
	[tilespmem:$0x9680] =	vst v63  }
0x8c: {  	v23 =	vld.idx.msk [tilespmem:v25+s13+$0x0], $0xffff  }
0x8d: {  	v22 =	vld.idx.msk [tilespmem:v22+s13+$0x0], $0xffff;
	_ =	sdelay $0x3  }
0x8e: {  	[tilespmem:$0x8700] =	vst v23  }
0x8f: {  	[tilespmem:$0x8710] =	vst v22  }
0x90: {  	_ =	swait.ge [sflag:s21], $0x1000  }
0x91: {  	(v2sf) =	vpush v21, $0xF;
	_ =	sdelay $0x9  }
0x92: {  	v26 =	vbroadcast v20, $0x7;
	_ =	sdelay $0x1  }
0x93: {  	v27 =	vor.u32 v14, v26  }
0x94: {  	v21 =	vor.u32 v15, v26  }
0x95: {  	[sflag:s21] =	ssyncset.done $0x0  }
0x96: {  	[sflag:s21] =	ssyncadd.s32 $0xFFFFF000;
	s28 =	spop (v2sf)  }
0x97: {  	[tilespmem:s20], [sflag:$0x1] =	stream.strided.gather [hbm4b:s28+s13], $0x1000, s12, s13, $0x38;
	[tilespmem:$0x9680] =	vst v63  }
0x98: {  	v22 =	vld.idx.msk [tilespmem:v27+s13+$0x0], $0xffff  }
0x99: {  	v21 =	vld.idx.msk [tilespmem:v21+s13+$0x0], $0xffff;
	_ =	sdelay $0x3  }
0x9a: {  	[tilespmem:$0x8780] =	vst v22  }
0x9b: {  	[tilespmem:$0x8790] =	vst v21  }
0x9c: {  	_ =	swait.ge [sflag:s21], $0x1000  }
0x9d: {  	v28 =	vand.u32 $0xFFFFFF80, v19;
	s29 =	rddreg [dreg:$0x7]  }
0x9e: {  	v21 =	vadd.s32 s29, v28  }
0x9f: {  	(v2sf) =	vpush v21, $0x0;
	_ =	sdelay $0x9  }
0xa0: {  	v29 =	vbroadcast v20, $0x8;
	_ =	sdelay $0x1  }
0xa1: {  	v30 =	vor.u32 v0, v29  }
0xa2: {  	v22 =	vor.u32 v1, v29  }
0xa3: {  	[sflag:s21] =	ssyncset.done $0x0  }
0xa4: {  	[sflag:s21] =	ssyncadd.s32 $0xFFFFF000;
	s30 =	spop (v2sf)  }
0xa5: {  	[tilespmem:s13], [sflag:$0x1] =	stream.strided.gather [hbm4b:s30+s13], $0x1000, s12, s13, $0x38;
	[tilespmem:$0x9680] =	vst v63  }
0xa6: {  	v23 =	vld.idx.msk [tilespmem:v30+s13+$0x0], $0xffff  }
0xa7: {  	v22 =	vld.idx.msk [tilespmem:v22+s13+$0x0], $0xffff;
	_ =	sdelay $0x3  }
0xa8: {  	[tilespmem:$0x8800] =	vst v23  }
0xa9: {  	[tilespmem:$0x8810] =	vst v22  }
0xaa: {  	_ =	swait.ge [sflag:s21], $0x1000  }
0xab: {  	(v2sf) =	vpush v21, $0x1;
	_ =	sdelay $0x9  }
0xac: {  	v31 =	vbroadcast v20, $0x9;
	_ =	sdelay $0x1  }
0xad: {  	v32 =	vor.u32 v2, v31  }
0xae: {  	v22 =	vor.u32 v3, v31  }
0xaf: {  	[sflag:s21] =	ssyncset.done $0x0  }
0xb0: {  	[sflag:s21] =	ssyncadd.s32 $0xFFFFF000;
	s31 =	spop (v2sf)  }
0xb1: {  	[tilespmem:s14], [sflag:$0x1] =	stream.strided.gather [hbm4b:s31+s13], $0x1000, s12, s13, $0x38;
	[tilespmem:$0x9680] =	vst v63  }
0xb2: {  	v23 =	vld.idx.msk [tilespmem:v32+s13+$0x0], $0xffff  }
0xb3: {  	v22 =	vld.idx.msk [tilespmem:v22+s13+$0x0], $0xffff;
	_ =	sdelay $0x3  }
0xb4: {  	[tilespmem:$0x8880] =	vst v23  }
0xb5: {  	[tilespmem:$0x8890] =	vst v22  }
0xb6: {  	_ =	swait.ge [sflag:s21], $0x1000  }
0xb7: {  	(v2sf) =	vpush v21, $0x2;
	_ =	sdelay $0x9  }
0xb8: {  	v33 =	vbroadcast v20, $0xA;
	_ =	sdelay $0x1  }
0xb9: {  	v34 =	vor.u32 v4, v33  }
0xba: {  	v22 =	vor.u32 v5, v33  }
0xbb: {  	[sflag:s21] =	ssyncset.done $0x0  }
0xbc: {  	[sflag:s21] =	ssyncadd.s32 $0xFFFFF000;
	s2 =	spop (v2sf)  }
0xbd: {  	[tilespmem:s15], [sflag:$0x1] =	stream.strided.gather [hbm4b:s2+s13], $0x1000, s12, s13, $0x38;
	[tilespmem:$0x9680] =	vst v63  }
0xbe: {  	v23 =	vld.idx.msk [tilespmem:v34+s13+$0x0], $0xffff  }
0xbf: {  	v22 =	vld.idx.msk [tilespmem:v22+s13+$0x0], $0xffff;
	_ =	sdelay $0x3  }
0xc0: {  	[tilespmem:$0x8900] =	vst v23  }
0xc1: {  	[tilespmem:$0x8910] =	vst v22  }
0xc2: {  	_ =	swait.ge [sflag:s21], $0x1000  }
0xc3: {  	(v2sf) =	vpush v21, $0x3;
	_ =	sdelay $0x9  }
0xc4: {  	v35 =	vbroadcast v20, $0xB;
	_ =	sdelay $0x1  }
0xc5: {  	v36 =	vor.u32 v6, v35  }
0xc6: {  	v22 =	vor.u32 v7, v35  }
0xc7: {  	[sflag:s21] =	ssyncset.done $0x0  }
0xc8: {  	[sflag:s21] =	ssyncadd.s32 $0xFFFFF000;
	s10 =	spop (v2sf)  }
0xc9: {  	[tilespmem:s16], [sflag:$0x1] =	stream.strided.gather [hbm4b:s10+s13], $0x1000, s12, s13, $0x38;
	[tilespmem:$0x9680] =	vst v63  }
0xca: {  	v23 =	vld.idx.msk [tilespmem:v36+s13+$0x0], $0xffff  }
0xcb: {  	v22 =	vld.idx.msk [tilespmem:v22+s13+$0x0], $0xffff;
	_ =	sdelay $0x3  }
0xcc: {  	[tilespmem:$0x8980] =	vst v23  }
0xcd: {  	[tilespmem:$0x8990] =	vst v22  }
0xce: {  	_ =	swait.ge [sflag:s21], $0x1000  }
0xcf: {  	(v2sf) =	vpush v21, $0x4;
	_ =	sdelay $0x9  }
0xd0: {  	v37 =	vbroadcast v20, $0xC;
	_ =	sdelay $0x1  }
0xd1: {  	v38 =	vor.u32 v8, v37  }
0xd2: {  	v22 =	vor.u32 v9, v37  }
0xd3: {  	[sflag:s21] =	ssyncset.done $0x0  }
0xd4: {  	[sflag:s21] =	ssyncadd.s32 $0xFFFFF000;
	s26 =	spop (v2sf)  }
0xd5: {  	[tilespmem:s17], [sflag:$0x1] =	stream.strided.gather [hbm4b:s26+s13], $0x1000, s12, s13, $0x38;
	[tilespmem:$0x9680] =	vst v63  }
0xd6: {  	v23 =	vld.idx.msk [tilespmem:v38+s13+$0x0], $0xffff  }
0xd7: {  	v22 =	vld.idx.msk [tilespmem:v22+s13+$0x0], $0xffff;
	_ =	sdelay $0x3  }
0xd8: {  	[tilespmem:$0x8A00] =	vst v23  }
0xd9: {  	[tilespmem:$0x8A10] =	vst v22  }
0xda: {  	_ =	swait.ge [sflag:s21], $0x1000  }
0xdb: {  	(v2sf) =	vpush v21, $0x5;
	_ =	sdelay $0x9  }
0xdc: {  	v39 =	vbroadcast v20, $0xD;
	_ =	sdelay $0x1  }
0xdd: {  	v40 =	vor.u32 v10, v39  }
0xde: {  	v22 =	vor.u32 v11, v39  }
0xdf: {  	[sflag:s21] =	ssyncset.done $0x0  }
0xe0: {  	[sflag:s21] =	ssyncadd.s32 $0xFFFFF000;
	s28 =	spop (v2sf)  }
0xe1: {  	[tilespmem:s18], [sflag:$0x1] =	stream.strided.gather [hbm4b:s28+s13], $0x1000, s12, s13, $0x38;
	[tilespmem:$0x9680] =	vst v63  }
0xe2: {  	v23 =	vld.idx.msk [tilespmem:v40+s13+$0x0], $0xffff  }
0xe3: {  	v22 =	vld.idx.msk [tilespmem:v22+s13+$0x0], $0xffff;
	_ =	sdelay $0x3  }
0xe4: {  	[tilespmem:$0x8A80] =	vst v23  }
0xe5: {  	[tilespmem:$0x8A90] =	vst v22  }
0xe6: {  	_ =	swait.ge [sflag:s21], $0x1000  }
0xe7: {  	(v2sf) =	vpush v21, $0x6;
	_ =	sdelay $0x9  }
0xe8: {  	v41 =	vbroadcast v20, $0xE;
	_ =	sdelay $0x1  }
0xe9: {  	v42 =	vor.u32 v12, v41  }
0xea: {  	v22 =	vor.u32 v13, v41  }
0xeb: {  	[sflag:s21] =	ssyncset.done $0x0  }
0xec: {  	[sflag:s21] =	ssyncadd.s32 $0xFFFFF000;
	s29 =	spop (v2sf)  }
0xed: {  	[tilespmem:s19], [sflag:$0x1] =	stream.strided.gather [hbm4b:s29+s13], $0x1000, s12, s13, $0x38;
	[tilespmem:$0x9680] =	vst v63  }
0xee: {  	v23 =	vld.idx.msk [tilespmem:v42+s13+$0x0], $0xffff  }
0xef: {  	v22 =	vld.idx.msk [tilespmem:v22+s13+$0x0], $0xffff;
	_ =	sdelay $0x3  }
0xf0: {  	[tilespmem:$0x8B00] =	vst v23  }
0xf1: {  	[tilespmem:$0x8B10] =	vst v22  }
0xf2: {  	_ =	swait.ge [sflag:s21], $0x1000  }
0xf3: {  	(v2sf) =	vpush v21, $0x7;
	_ =	sdelay $0x9  }
0xf4: {  	v20 =	vbroadcast v20, $0xF;
	_ =	sdelay $0x1  }
0xf5: {  	v43 =	vor.u32 v14, v20  }
0xf6: {  	v20 =	vor.u32 v15, v20  }
0xf7: {  	[sflag:s21] =	ssyncset.done $0x0  }
0xf8: {  	[sflag:s21] =	ssyncadd.s32 $0xFFFFF000;
	s30 =	spop (v2sf)  }
0xf9: {  	[tilespmem:s20], [sflag:$0x1] =	stream.strided.gather [hbm4b:s30+s13], $0x1000, s12, s13, $0x38;
	[tilespmem:$0x9680] =	vst v63  }
0xfa: {  	v22 =	vld.idx.msk [tilespmem:v43+s13+$0x0], $0xffff  }
0xfb: {  	v20 =	vld.idx.msk [tilespmem:v20+s13+$0x0], $0xffff;
	_ =	sdelay $0x3  }
0xfc: {  	[tilespmem:$0x8B80] =	vst v22  }
0xfd: {  	[tilespmem:$0x8B90] =	vst v20  }
0xfe: {  	_ =	swait.ge [sflag:s21], $0x1000  }
0xff: {  	(v2sf) =	vpush v21, $0x8;
	_ =	sdelay $0x8  }
0x100: {  	v19 =	vand.u32 $0x7F, v19  }
0x101: {  	v20 =	vbroadcast v19, $0x0;
	_ =	sdelay $0x1  }
0x102: {  	v44 =	vor.u32 v0, v20  }
0x103: {  	v20 =	vor.u32 v1, v20  }
0x104: {  	[sflag:s21] =	ssyncset.done $0x0  }
0x105: {  	[sflag:s21] =	ssyncadd.s32 $0xFFFFF000;
	s31 =	spop (v2sf)  }
0x106: {  	[tilespmem:s13], [sflag:$0x1] =	stream.strided.gather [hbm4b:s31+s13], $0x1000, s12, s13, $0x38;
	[tilespmem:$0x9680] =	vst v63  }
0x107: {  	v22 =	vld.idx.msk [tilespmem:v44+s13+$0x0], $0xffff  }
0x108: {  	v20 =	vld.idx.msk [tilespmem:v20+s13+$0x0], $0xffff;
	_ =	sdelay $0x3  }
0x109: {  	[tilespmem:$0x8C00] =	vst v22  }
0x10a: {  	[tilespmem:$0x8C10] =	vst v20  }
0x10b: {  	_ =	swait.ge [sflag:s21], $0x1000  }
0x10c: {  	(v2sf) =	vpush v21, $0x9;
	_ =	sdelay $0x9  }
0x10d: {  	v20 =	vbroadcast v19, $0x1;
	_ =	sdelay $0x1  }
0x10e: {  	v45 =	vor.u32 v2, v20  }
0x10f: {  	v20 =	vor.u32 v3, v20  }
0x110: {  	[sflag:s21] =	ssyncset.done $0x0  }
0x111: {  	[sflag:s21] =	ssyncadd.s32 $0xFFFFF000;
	s2 =	spop (v2sf)  }
0x112: {  	[tilespmem:s14], [sflag:$0x1] =	stream.strided.gather [hbm4b:s2+s13], $0x1000, s12, s13, $0x38;
	[tilespmem:$0x9680] =	vst v63  }
0x113: {  	v22 =	vld.idx.msk [tilespmem:v45+s13+$0x0], $0xffff  }
0x114: {  	v20 =	vld.idx.msk [tilespmem:v20+s13+$0x0], $0xffff;
	_ =	sdelay $0x3  }
0x115: {  	[tilespmem:$0x8C80] =	vst v22  }
0x116: {  	[tilespmem:$0x8C90] =	vst v20  }
0x117: {  	_ =	swait.ge [sflag:s21], $0x1000  }
0x118: {  	(v2sf) =	vpush v21, $0xA;
	_ =	sdelay $0x9  }
0x119: {  	v20 =	vbroadcast v19, $0x2;
	_ =	sdelay $0x1  }
0x11a: {  	v46 =	vor.u32 v4, v20  }
0x11b: {  	v20 =	vor.u32 v5, v20  }
0x11c: {  	[sflag:s21] =	ssyncset.done $0x0  }
0x11d: {  	[sflag:s21] =	ssyncadd.s32 $0xFFFFF000;
	s10 =	spop (v2sf)  }
0x11e: {  	[tilespmem:s15], [sflag:$0x1] =	stream.strided.gather [hbm4b:s10+s13], $0x1000, s12, s13, $0x38;
	[tilespmem:$0x9680] =	vst v63  }
0x11f: {  	v22 =	vld.idx.msk [tilespmem:v46+s13+$0x0], $0xffff  }
0x120: {  	v20 =	vld.idx.msk [tilespmem:v20+s13+$0x0], $0xffff;
	_ =	sdelay $0x3  }
0x121: {  	[tilespmem:$0x8D00] =	vst v22  }
0x122: {  	[tilespmem:$0x8D10] =	vst v20  }
0x123: {  	_ =	swait.ge [sflag:s21], $0x1000  }
0x124: {  	(v2sf) =	vpush v21, $0xB;
	_ =	sdelay $0x9  }
0x125: {  	v20 =	vbroadcast v19, $0x3;
	_ =	sdelay $0x1  }
0x126: {  	v47 =	vor.u32 v6, v20  }
0x127: {  	v20 =	vor.u32 v7, v20  }
0x128: {  	[sflag:s21] =	ssyncset.done $0x0  }
0x129: {  	[sflag:s21] =	ssyncadd.s32 $0xFFFFF000;
	s26 =	spop (v2sf)  }
0x12a: {  	[tilespmem:s16], [sflag:$0x1] =	stream.strided.gather [hbm4b:s26+s13], $0x1000, s12, s13, $0x38;
	[tilespmem:$0x9680] =	vst v63  }
0x12b: {  	v22 =	vld.idx.msk [tilespmem:v47+s13+$0x0], $0xffff  }
0x12c: {  	v20 =	vld.idx.msk [tilespmem:v20+s13+$0x0], $0xffff;
	_ =	sdelay $0x3  }
0x12d: {  	[tilespmem:$0x8D80] =	vst v22  }
0x12e: {  	[tilespmem:$0x8D90] =	vst v20  }
0x12f: {  	_ =	swait.ge [sflag:s21], $0x1000  }
0x130: {  	(v2sf) =	vpush v21, $0xC;
	_ =	sdelay $0x9  }
0x131: {  	v20 =	vbroadcast v19, $0x4;
	_ =	sdelay $0x1  }
0x132: {  	v48 =	vor.u32 v8, v20  }
0x133: {  	v20 =	vor.u32 v9, v20  }
0x134: {  	[sflag:s21] =	ssyncset.done $0x0  }
0x135: {  	[sflag:s21] =	ssyncadd.s32 $0xFFFFF000;
	s28 =	spop (v2sf)  }
0x136: {  	[tilespmem:s17], [sflag:$0x1] =	stream.strided.gather [hbm4b:s28+s13], $0x1000, s12, s13, $0x38;
	[tilespmem:$0x9680] =	vst v63  }
0x137: {  	v22 =	vld.idx.msk [tilespmem:v48+s13+$0x0], $0xffff  }
0x138: {  	v20 =	vld.idx.msk [tilespmem:v20+s13+$0x0], $0xffff;
	_ =	sdelay $0x3  }
0x139: {  	[tilespmem:$0x8E00] =	vst v22  }
0x13a: {  	[tilespmem:$0x8E10] =	vst v20  }
0x13b: {  	_ =	swait.ge [sflag:s21], $0x1000  }
0x13c: {  	(v2sf) =	vpush v21, $0xD;
	_ =	sdelay $0x9  }
0x13d: {  	v20 =	vbroadcast v19, $0x5;
	_ =	sdelay $0x1  }
0x13e: {  	v49 =	vor.u32 v10, v20  }
0x13f: {  	v20 =	vor.u32 v11, v20  }
0x140: {  	[sflag:s21] =	ssyncset.done $0x0  }
0x141: {  	[sflag:s21] =	ssyncadd.s32 $0xFFFFF000;
	s29 =	spop (v2sf)  }
0x142: {  	[tilespmem:s18], [sflag:$0x1] =	stream.strided.gather [hbm4b:s29+s13], $0x1000, s12, s13, $0x38;
	[tilespmem:$0x9680] =	vst v63  }
0x143: {  	v22 =	vld.idx.msk [tilespmem:v49+s13+$0x0], $0xffff  }
0x144: {  	v20 =	vld.idx.msk [tilespmem:v20+s13+$0x0], $0xffff;
	_ =	sdelay $0x3  }
0x145: {  	[tilespmem:$0x8E80] =	vst v22  }
0x146: {  	[tilespmem:$0x8E90] =	vst v20  }
0x147: {  	_ =	swait.ge [sflag:s21], $0x1000  }
0x148: {  	(v2sf) =	vpush v21, $0xE;
	_ =	sdelay $0x9  }
0x149: {  	v20 =	vbroadcast v19, $0x6;
	_ =	sdelay $0x1  }
0x14a: {  	v50 =	vor.u32 v12, v20  }
0x14b: {  	v20 =	vor.u32 v13, v20  }
0x14c: {  	[sflag:s21] =	ssyncset.done $0x0  }
0x14d: {  	[sflag:s21] =	ssyncadd.s32 $0xFFFFF000;
	s30 =	spop (v2sf)  }
0x14e: {  	[tilespmem:s19], [sflag:$0x1] =	stream.strided.gather [hbm4b:s30+s13], $0x1000, s12, s13, $0x38;
	[tilespmem:$0x9680] =	vst v63  }
0x14f: {  	v22 =	vld.idx.msk [tilespmem:v50+s13+$0x0], $0xffff  }
0x150: {  	v20 =	vld.idx.msk [tilespmem:v20+s13+$0x0], $0xffff;
	_ =	sdelay $0x3  }
0x151: {  	[tilespmem:$0x8F00] =	vst v22  }
0x152: {  	[tilespmem:$0x8F10] =	vst v20  }
0x153: {  	_ =	swait.ge [sflag:s21], $0x1000  }
0x154: {  	(v2sf) =	vpush v21, $0xF;
	_ =	sdelay $0x9  }
0x155: {  	v20 =	vbroadcast v19, $0x7;
	_ =	sdelay $0x1  }
0x156: {  	v51 =	vor.u32 v14, v20  }
0x157: {  	v20 =	vor.u32 v15, v20  }
0x158: {  	[sflag:s21] =	ssyncset.done $0x0  }
0x159: {  	[sflag:s21] =	ssyncadd.s32 $0xFFFFF000;
	s31 =	spop (v2sf)  }
0x15a: {  	[tilespmem:s20], [sflag:$0x1] =	stream.strided.gather [hbm4b:s31+s13], $0x1000, s12, s13, $0x38;
	[tilespmem:$0x9680] =	vst v63  }
0x15b: {  	p0 =	seq.s32 s24, $0x7C0;
	v21 =	vld.idx.msk [tilespmem:v51+s13+$0x0], $0xffff  }
0x15c: {  	v52 =	vld.idx.msk [tilespmem:v20+s13+$0x0], $0xffff;
	v20 =	vlaneseq.u32 @p0  }
0x15d: {  	v20 =	vmul.u32 @p0 $0x80, v20  }
0x15e: {  	v23 =	vbroadcast @p0 v19, $0x8  }
0x15f: {  	v24 =	vor.u32 @p0 $0x800, v20  }
0x160: {  	v22 =	vor.u32 @p0 v24, v23;
	[tilespmem:$0x8F80] =	vst v21  }
0x161: {  	v21 =	vor.u32 @p0 v20, v23;
	[tilespmem:$0x8F90] =	vst v52  }
0x162: {  	_ =	swait.ge [sflag:s21], $0x1000  }
0x163: {  	[sflag:s21] =	ssyncset.done $0x0  }
0x164: {  	s30 =	simm.s32 @p0 $0x400;
	[sflag:s21] =	ssyncadd.s32 $0xFFFFF000  }
0x165: {  	v22 =	vld.idx.msk @p0 [tilespmem:v22+s30+$0x0], $0xffff  }
0x166: {  	v21 =	vld.idx.msk @p0 [tilespmem:v21+s30+$0x0], $0xffff;
	_ =	sdelay $0x3  }
0x167: {  	[tilespmem:$0x9010] =	vst @p0 v22  }
0x168: {  	s31 =	simm.s32 @p0 $0x1;
	[tilespmem:$0x9000] =	vst @p0 v21  }
0x169: {  	_ =	swait.ge @p0 [sflag:s31], $0x1000  }
0x16a: {  	[sflag:s31] =	ssyncset.done @p0 $0x0  }
0x16b: {  	s26 =	sshra.s32 @!p0 s24, $0x2;
	[sflag:s31] =	ssyncadd.s32 @p0 $0xFFFFF000  }
0x16c: {  	v21 =	vld @!p0 [tilespmem:s26+$0x10];
	_ =	sdelay $0x4  }
0x16d: {  	(v2sf) =	vpush @!p0 v21, $0x0;
	_ =	sdelay $0xa  }
0x16e: {  	v21 =	vlaneseq.u32 @!p0  }
0x16f: {  	v22 =	vbroadcast @!p0 v19, $0x8;
	v21 =	vmul.u32 @!p0 $0x80, v21;
	_ =	sdelay $0x1  }
0x170: {  	v23 =	vor.u32 @!p0 v21, v22;
	v24 =	vor.u32 @!p0 $0x800, v21  }
0x171: {  	v22 =	vor.u32 @!p0 v24, v22;
	s1 =	spop @!p0 (v2sf)  }
0x172: {  	s1 =	sand.u32 @!p0 $0xFFFFF80, s1  }
0x173: {  	s28 =	simm.s32 @!p0 $0x7A1400;
	s29 =	simm.s32 @!p0 $0x400;
	s1 =	sadd.s32 @!p0 s0, s1  }
0x174: {  	[tilespmem:s29], [sflag:$0x1] =	stream.strided.gather @!p0 [hbm4b:s1+s29], $0x1000, s28, s29, $0x38;
	[tilespmem:$0x9680] =	vst v63  }
0x175: {  	v23 =	vld.idx.msk @!p0 [tilespmem:v23+s29+$0x0], $0xffff  }
0x176: {  	v22 =	vld.idx.msk @!p0 [tilespmem:v22+s29+$0x0], $0xffff;
	_ =	sdelay $0x3  }
0x177: {  	[tilespmem:$0x9000] =	vst @!p0 v23  }
0x178: {  	s1 =	simm.s32 @!p0 $0x1;
	[tilespmem:$0x9010] =	vst @!p0 v22  }
0x179: {  	_ =	swait.ge @!p0 [sflag:s1], $0x1000  }
0x17a: {  	[sflag:s1] =	ssyncset.done @!p0 $0x0  }
0x17b: {  	[sflag:s1] =	ssyncadd.s32 @!p0 $0xFFFFF000  }
0x17c: {  	v22 =	vld @!p0 [tilespmem:s26+$0x10];
	_ =	sdelay $0x4  }
0x17d: {  	(v2sf) =	vpush @!p0 v22, $0x1;
	_ =	sdelay $0xb  }
0x17e: {  	v53 =	vbroadcast v19, $0x9;
	_ =	sdelay $0x1  }
0x17f: {  	v54 =	vor.u32 v2, v53  }
0x180: {  	v22 =	vor.u32 v3, v53;
	s2 =	spop @!p0 (v2sf)  }
0x181: {  	s2 =	sand.u32 @!p0 $0xFFFFF80, s2  }
0x182: {  	s10 =	simm.s32 @!p0 $0x1400;
	s2 =	sadd.s32 @!p0 s0, s2  }
0x183: {  	[tilespmem:s10], [sflag:$0x1] =	stream.strided.gather @!p0 [hbm4b:s2+s29], $0x1000, s28, s29, $0x38;
	[tilespmem:$0x9680] =	vst v63  }
0x184: {  	v23 =	vld.idx.msk [tilespmem:v54+s13+$0x0], $0xffff  }
0x185: {  	v22 =	vld.idx.msk [tilespmem:v22+s13+$0x0], $0xffff;
	_ =	sdelay $0x1  }
0x186: {  	v24 =	vbroadcast @p0 v19, $0xA  }
0x187: {  	v25 =	vor.u32 @p0 $0x2000, v20  }
0x188: {  	[tilespmem:$0x9080] =	vst v23;
	v23 =	vor.u32 @p0 v25, v24;
	v25 =	vor.u32 @p0 $0x2800, v20  }
0x189: {  	[tilespmem:$0x9090] =	vst v22;
	v22 =	vor.u32 @p0 v25, v24  }
0x18a: {  	_ =	swait.ge [sflag:s21], $0x1000  }
0x18b: {  	[sflag:s21] =	ssyncset.done $0x0  }
0x18c: {  	[sflag:s21] =	ssyncadd.s32 $0xFFFFF000  }
0x18d: {  	v23 =	vld.idx.msk @p0 [tilespmem:v23+s30+$0x0], $0xffff  }
0x18e: {  	v22 =	vld.idx.msk @p0 [tilespmem:v22+s30+$0x0], $0xffff;
	_ =	sdelay $0x3  }
0x18f: {  	[tilespmem:$0x9100] =	vst @p0 v23  }
0x190: {  	[tilespmem:$0x9110] =	vst @p0 v22  }
0x191: {  	_ =	swait.ge @p0 [sflag:s31], $0x1000  }
0x192: {  	[sflag:s31] =	ssyncset.done @p0 $0x0  }
0x193: {  	[sflag:s31] =	ssyncadd.s32 @p0 $0xFFFFF000  }
0x194: {  	v22 =	vld @!p0 [tilespmem:s26+$0x10];
	_ =	sdelay $0x4  }
0x195: {  	(v2sf) =	vpush @!p0 v22, $0x2;
	_ =	sdelay $0xb  }
0x196: {  	v22 =	vbroadcast @!p0 v19, $0xA  }
0x197: {  	v23 =	vor.u32 @!p0 $0x2000, v21  }
0x198: {  	v24 =	vor.u32 @!p0 $0x2800, v21;
	v23 =	vor.u32 @!p0 v23, v22  }
0x199: {  	v22 =	vor.u32 @!p0 v24, v22;
	s2 =	spop @!p0 (v2sf)  }
0x19a: {  	s2 =	sand.u32 @!p0 $0xFFFFF80, s2  }
0x19b: {  	s10 =	simm.s32 @!p0 $0x2400;
	s2 =	sadd.s32 @!p0 s0, s2  }
0x19c: {  	[tilespmem:s10], [sflag:$0x1] =	stream.strided.gather @!p0 [hbm4b:s2+s29], $0x1000, s28, s29, $0x38;
	[tilespmem:$0x9680] =	vst v63  }
0x19d: {  	v23 =	vld.idx.msk @!p0 [tilespmem:v23+s29+$0x0], $0xffff  }
0x19e: {  	v22 =	vld.idx.msk @!p0 [tilespmem:v22+s29+$0x0], $0xffff;
	_ =	sdelay $0x3  }
0x19f: {  	[tilespmem:$0x9100] =	vst @!p0 v23  }
0x1a0: {  	[tilespmem:$0x9110] =	vst @!p0 v22  }
0x1a1: {  	_ =	swait.ge @!p0 [sflag:s1], $0x1000  }
0x1a2: {  	[sflag:s1] =	ssyncset.done @!p0 $0x0  }
0x1a3: {  	[sflag:s1] =	ssyncadd.s32 @!p0 $0xFFFFF000  }
0x1a4: {  	v22 =	vld @!p0 [tilespmem:s26+$0x10];
	_ =	sdelay $0x4  }
0x1a5: {  	(v2sf) =	vpush @!p0 v22, $0x3;
	_ =	sdelay $0xb  }
0x1a6: {  	v55 =	vbroadcast v19, $0xB;
	_ =	sdelay $0x1  }
0x1a7: {  	v56 =	vor.u32 v6, v55  }
0x1a8: {  	v22 =	vor.u32 v7, v55;
	s2 =	spop @!p0 (v2sf)  }
0x1a9: {  	s2 =	sand.u32 @!p0 $0xFFFFF80, s2  }
0x1aa: {  	s10 =	simm.s32 @!p0 $0x3400;
	s2 =	sadd.s32 @!p0 s0, s2  }
0x1ab: {  	[tilespmem:s10], [sflag:$0x1] =	stream.strided.gather @!p0 [hbm4b:s2+s29], $0x1000, s28, s29, $0x38;
	[tilespmem:$0x9680] =	vst v63  }
0x1ac: {  	v23 =	vld.idx.msk [tilespmem:v56+s13+$0x0], $0xffff  }
0x1ad: {  	v22 =	vld.idx.msk [tilespmem:v22+s13+$0x0], $0xffff;
	_ =	sdelay $0x1  }
0x1ae: {  	v24 =	vbroadcast @p0 v19, $0xC  }
0x1af: {  	v25 =	vor.u32 @p0 $0x4000, v20  }
0x1b0: {  	[tilespmem:$0x9180] =	vst v23;
	v23 =	vor.u32 @p0 v25, v24;
	v25 =	vor.u32 @p0 $0x4800, v20  }
0x1b1: {  	[tilespmem:$0x9190] =	vst v22;
	v22 =	vor.u32 @p0 v25, v24  }
0x1b2: {  	_ =	swait.ge [sflag:s21], $0x1000  }
0x1b3: {  	[sflag:s21] =	ssyncset.done $0x0  }
0x1b4: {  	[sflag:s21] =	ssyncadd.s32 $0xFFFFF000  }
0x1b5: {  	v23 =	vld.idx.msk @p0 [tilespmem:v23+s30+$0x0], $0xffff  }
0x1b6: {  	v22 =	vld.idx.msk @p0 [tilespmem:v22+s30+$0x0], $0xffff;
	_ =	sdelay $0x3  }
0x1b7: {  	[tilespmem:$0x9200] =	vst @p0 v23  }
0x1b8: {  	[tilespmem:$0x9210] =	vst @p0 v22  }
0x1b9: {  	_ =	swait.ge @p0 [sflag:s31], $0x1000  }
0x1ba: {  	[sflag:s31] =	ssyncset.done @p0 $0x0  }
0x1bb: {  	[sflag:s31] =	ssyncadd.s32 @p0 $0xFFFFF000  }
0x1bc: {  	v22 =	vld @!p0 [tilespmem:s26+$0x10];
	_ =	sdelay $0x4  }
0x1bd: {  	(v2sf) =	vpush @!p0 v22, $0x4;
	_ =	sdelay $0xb  }
0x1be: {  	v22 =	vbroadcast @!p0 v19, $0xC  }
0x1bf: {  	v23 =	vor.u32 @!p0 $0x4000, v21  }
0x1c0: {  	v24 =	vor.u32 @!p0 $0x4800, v21;
	v23 =	vor.u32 @!p0 v23, v22  }
0x1c1: {  	v22 =	vor.u32 @!p0 v24, v22;
	s2 =	spop @!p0 (v2sf)  }
0x1c2: {  	s2 =	sand.u32 @!p0 $0xFFFFF80, s2  }
0x1c3: {  	s10 =	simm.s32 @!p0 $0x4400;
	s2 =	sadd.s32 @!p0 s0, s2  }
0x1c4: {  	[tilespmem:s10], [sflag:$0x1] =	stream.strided.gather @!p0 [hbm4b:s2+s29], $0x1000, s28, s29, $0x38;
	[tilespmem:$0x9680] =	vst v63  }
0x1c5: {  	v23 =	vld.idx.msk @!p0 [tilespmem:v23+s29+$0x0], $0xffff  }
0x1c6: {  	v22 =	vld.idx.msk @!p0 [tilespmem:v22+s29+$0x0], $0xffff;
	_ =	sdelay $0x3  }
0x1c7: {  	[tilespmem:$0x9200] =	vst @!p0 v23  }
0x1c8: {  	[tilespmem:$0x9210] =	vst @!p0 v22  }
0x1c9: {  	_ =	swait.ge @!p0 [sflag:s1], $0x1000  }
0x1ca: {  	[sflag:s1] =	ssyncset.done @!p0 $0x0  }
0x1cb: {  	[sflag:s1] =	ssyncadd.s32 @!p0 $0xFFFFF000  }
0x1cc: {  	v22 =	vld @!p0 [tilespmem:s26+$0x10];
	_ =	sdelay $0x4  }
0x1cd: {  	(v2sf) =	vpush @!p0 v22, $0x5;
	_ =	sdelay $0xb  }
0x1ce: {  	v57 =	vbroadcast v19, $0xD;
	_ =	sdelay $0x1  }
0x1cf: {  	v58 =	vor.u32 v10, v57  }
0x1d0: {  	v22 =	vor.u32 v11, v57;
	s2 =	spop @!p0 (v2sf)  }
0x1d1: {  	s2 =	sand.u32 @!p0 $0xFFFFF80, s2  }
0x1d2: {  	s10 =	simm.s32 @!p0 $0x5400;
	s2 =	sadd.s32 @!p0 s0, s2  }
0x1d3: {  	[tilespmem:s10], [sflag:$0x1] =	stream.strided.gather @!p0 [hbm4b:s2+s29], $0x1000, s28, s29, $0x38;
	[tilespmem:$0x9680] =	vst v63  }
0x1d4: {  	v23 =	vld.idx.msk [tilespmem:v58+s13+$0x0], $0xffff  }
0x1d5: {  	v22 =	vld.idx.msk [tilespmem:v22+s13+$0x0], $0xffff;
	_ =	sdelay $0x1  }
0x1d6: {  	v24 =	vbroadcast @p0 v19, $0xE  }
0x1d7: {  	v25 =	vor.u32 @p0 $0x6000, v20;
	v20 =	vor.u32 @p0 $0x6800, v20  }
0x1d8: {  	v20 =	vor.u32 @p0 v20, v24;
	[tilespmem:$0x9280] =	vst v23  }
0x1d9: {  	v23 =	vor.u32 @p0 v25, v24;
	[tilespmem:$0x9290] =	vst v22  }
0x1da: {  	_ =	swait.ge [sflag:s21], $0x1000  }
0x1db: {  	[sflag:s21] =	ssyncset.done $0x0  }
0x1dc: {  	[sflag:s21] =	ssyncadd.s32 $0xFFFFF000  }
0x1dd: {  	v20 =	vld.idx.msk @p0 [tilespmem:v20+s30+$0x0], $0xffff  }
0x1de: {  	v22 =	vld.idx.msk @p0 [tilespmem:v23+s30+$0x0], $0xffff;
	_ =	sdelay $0x3  }
0x1df: {  	[tilespmem:$0x9310] =	vst @p0 v20  }
0x1e0: {  	[tilespmem:$0x9300] =	vst @p0 v22  }
0x1e1: {  	_ =	swait.ge @p0 [sflag:s31], $0x1000  }
0x1e2: {  	[sflag:s31] =	ssyncset.done @p0 $0x0  }
0x1e3: {  	[sflag:s31] =	ssyncadd.s32 @p0 $0xFFFFF000  }
0x1e4: {  	v20 =	vld @!p0 [tilespmem:s26+$0x10];
	_ =	sdelay $0x4  }
0x1e5: {  	(v2sf) =	vpush @!p0 v20, $0x6;
	_ =	sdelay $0xb  }
0x1e6: {  	v20 =	vbroadcast @!p0 v19, $0xE  }
0x1e7: {  	v22 =	vor.u32 @!p0 $0x6000, v21  }
0x1e8: {  	v21 =	vor.u32 @!p0 $0x6800, v21;
	v22 =	vor.u32 @!p0 v22, v20  }
0x1e9: {  	v20 =	vor.u32 @!p0 v21, v20;
	s2 =	spop @!p0 (v2sf)  }
0x1ea: {  	s2 =	sand.u32 @!p0 $0xFFFFF80, s2  }
0x1eb: {  	s10 =	simm.s32 @!p0 $0x6400;
	s2 =	sadd.s32 @!p0 s0, s2  }
0x1ec: {  	[tilespmem:s10], [sflag:$0x1] =	stream.strided.gather @!p0 [hbm4b:s2+s29], $0x1000, s28, s29, $0x38;
	[tilespmem:$0x9680] =	vst v63  }
0x1ed: {  	v21 =	vld.idx.msk @!p0 [tilespmem:v22+s29+$0x0], $0xffff  }
0x1ee: {  	v20 =	vld.idx.msk @!p0 [tilespmem:v20+s29+$0x0], $0xffff;
	_ =	sdelay $0x3  }
0x1ef: {  	[tilespmem:$0x9300] =	vst @!p0 v21  }
0x1f0: {  	[tilespmem:$0x9310] =	vst @!p0 v20  }
0x1f1: {  	_ =	swait.ge @!p0 [sflag:s1], $0x1000  }
0x1f2: {  	[sflag:s1] =	ssyncset.done @!p0 $0x0  }
0x1f3: {  	[sflag:s1] =	ssyncadd.s32 @!p0 $0xFFFFF000  }
0x1f4: {  	v20 =	vld @!p0 [tilespmem:s26+$0x10];
	_ =	sdelay $0x4  }
0x1f5: {  	(v2sf) =	vpush @!p0 v20, $0x7;
	_ =	sdelay $0xe  }
0x1f6: {  	s1 =	spop @!p0 (v2sf)  }
0x1f7: {  	s1 =	sand.u32 @!p0 $0xFFFFF80, s1  }
0x1f8: {  	s2 =	simm.s32 @!p0 $0x7400;
	s1 =	sadd.s32 @!p0 s0, s1  }
0x1f9: {  	[tilespmem:s2], [sflag:$0x1] =	stream.strided.gather @!p0 [hbm4b:s1+s29], $0x1000, s28, s29, $0x38;
	[tilespmem:$0x9680] =	vst v63  }
0x1fa: {  	v20 =	vld [tilespmem:$0x8400]  }
0x1fb: {  	v59 =	vld [tilespmem:$0x8C00]  }
0x1fc: {  	v60 =	vld [tilespmem:$0x8410]  }
0x1fd: {  	v61 =	vld [tilespmem:$0x8C10]  }
0x1fe: {  	v62 =	vld [tilespmem:$0x8480]  }
0x1ff: {  	v63 =	vld [tilespmem:$0x8C80]  }
0x200: {  	v26 =	vld [tilespmem:$0x8490]  }
0x201: {  	v27 =	vld [tilespmem:$0x8C90]  }
0x202: {  	v28 =	vld [tilespmem:$0x8500]  }
0x203: {  	v29 =	vld [tilespmem:$0x8D00]  }
0x204: {  	v30 =	vld [tilespmem:$0x8510]  }
0x205: {  	v31 =	vld [tilespmem:$0x8D10]  }
0x206: {  	v32 =	vld [tilespmem:$0x8580]  }
0x207: {  	v33 =	vld [tilespmem:$0x8D80]  }
0x208: {  	v34 =	vld [tilespmem:$0x8590]  }
0x209: {  	v35 =	vld [tilespmem:$0x8D90]  }
0x20a: {  	v36 =	vld [tilespmem:$0x8600]  }
0x20b: {  	v37 =	vld [tilespmem:$0x8E00]  }
0x20c: {  	v38 =	vld [tilespmem:$0x8610]  }
0x20d: {  	v39 =	vld [tilespmem:$0x8E10]  }
0x20e: {  	v40 =	vld [tilespmem:$0x8680]  }
0x20f: {  	v41 =	vld [tilespmem:$0x8E80]  }
0x210: {  	v42 =	vld [tilespmem:$0x8690]  }
0x211: {  	v43 =	vld [tilespmem:$0x8E90]  }
0x212: {  	v44 =	vld [tilespmem:$0x8700]  }
0x213: {  	v45 =	vld [tilespmem:$0x8F00]  }
0x214: {  	v46 =	vld [tilespmem:$0x8710]  }
0x215: {  	v47 =	vld [tilespmem:$0x8F10]  }
0x216: {  	v48 =	vld [tilespmem:$0x8780]  }
0x217: {  	v49 =	vld [tilespmem:$0x8F80]  }
0x218: {  	v50 =	vld [tilespmem:$0x8790]  }
0x219: {  	v22 =	vld [tilespmem:$0x8F90]  }
0x21a: {  	v51 =	vld [tilespmem:$0x9000]  }
0x21b: {  	v52 =	vld [tilespmem:$0x8810]  }
0x21c: {  	v53 =	vld [tilespmem:$0x8880]  }
0x21d: {  	v54 =	vld [tilespmem:$0x8890]  }
0x21e: {  	v19 =	vbroadcast v19, $0xF;
	v55 =	vld [tilespmem:$0x9090];
	v20 =	vmul.f32 v59, v20  }
0x21f: {  	v56 =	vld [tilespmem:$0x8900];
	v59 =	vmul.f32 v61, v60;
	v24 =	vmul.f32 v63, v62  }
0x220: {  	v58 =	vld [tilespmem:$0x9190];
	v61 =	vmul.f32 v27, v26;
	v62 =	vmul.f32 v29, v28  }
0x221: {  	v60 =	vld [tilespmem:$0x8800];
	v28 =	vmul.f32 v31, v30;
	v63 =	vmul.f32 v33, v32  }
0x222: {  	v26 =	vld [tilespmem:$0x9100];
	v31 =	vmul.f32 v35, v34;
	v33 =	vmul.f32 v37, v36  }
0x223: {  	v29 =	vld [tilespmem:$0x8910];
	v34 =	vmul.f32 v39, v38;
	v36 =	vmul.f32 v41, v40  }
0x224: {  	v32 =	vld [tilespmem:$0x9110];
	v20 =	vmul.f32 v20, v16;
	v21 =	vmul.f32 v59, v17  }
0x225: {  	v35 =	vld [tilespmem:$0x8980];
	v37 =	vmul.f32 v43, v42;
	v39 =	vmul.f32 v45, v44  }
0x226: {  	v38 =	vld [tilespmem:$0x9180];
	v41 =	vmul.f32 v47, v46;
	v43 =	vmul.f32 v49, v48;
	v20 =	vadd.f32 v21, v20  }
0x227: {  	v40 =	vld [tilespmem:$0x8990];
	v22 =	vmul.f32 v22, v50;
	v49 =	vmul.f32 v55, v54  }
0x228: {  	v50 =	vld [tilespmem:$0x8A80];
	v24 =	vmul.f32 v24, v16;
	v25 =	vmul.f32 v61, v17;
	(xrf2) =	vadd.scan.msk.f32 $0xffff, v20  }
0x229: {  	v55 =	vld [tilespmem:$0x9290];
	v27 =	vmul.f32 v62, v16;
	v28 =	vmul.f32 v28, v17  }
0x22a: {  	v59 =	vld [tilespmem:$0x8A00];
	v30 =	vmul.f32 v63, v16;
	v54 =	vmul.f32 v33, v16  }
0x22b: {  	v63 =	vld [tilespmem:$0x9280];
	v36 =	vmul.f32 v36, v16;
	v46 =	vmul.f32 v41, v17  }
0x22c: {  	v48 =	vmul.f32 v43, v16;
	v22 =	vmul.f32 v22, v17;
	v21 =	vld [tilespmem:$0x9010]  }
0x22d: {  	v23 =	vmul.f32 v51, v60;
	v26 =	vmul.f32 v26, v56;
	v20 =	vld [tilespmem:$0x9080]  }
0x22e: {  	v60 =	vld [tilespmem:$0x9200];
	v29 =	vmul.f32 v32, v29;
	v32 =	vmul.f32 v38, v35  }
0x22f: {  	v61 =	vld [tilespmem:$0x8A10];
	v56 =	vmul.f32 v34, v17;
	v34 =	vmul.f32 v58, v40  }
0x230: {  	v62 =	vld [tilespmem:$0x9210];
	v24 =	vadd.f32 v25, v24;
	v63 =	vmul.f32 v63, v50;
	v23 =	vmul.f32 v23, v16  }
0x231: {  	v45 =	vld [tilespmem:$0x8B10];
	v27 =	vadd.f32 v28, v27;
	v50 =	vmul.f32 v49, v17;
	v21 =	vmul.f32 v21, v52  }
0x232: {  	v22 =	vadd.f32 v22, v48;
	v52 =	vmul.f32 v31, v17;
	v20 =	vmul.f32 v20, v53;
	v53 =	vld [tilespmem:$0x8A90];
	v57, _, _ =	vpop (xrf2)  }
0x233: {  	v58 =	vld [tilespmem:$0x8B00];
	v38 =	vmul.f32 v60, v59;
	v42 =	vbroadcast v57, $0xF;
	v57 =	vor.u32 v14, v19  }
0x234: {  	(xrf2) =	vadd.scan.msk.f32 $0xffff, v24;
	v59 =	vmul.f32 v37, v17;
	v60 =	vld [tilespmem:$0x9300];
	v25 =	vadd.f32 v52, v30;
	v19 =	vor.u32 v15, v19  }
0x235: {  	v47 =	vld [tilespmem:$0x9310];
	(xrf2) =	vadd.scan.msk.f32 $0xffff, v27;
	v37 =	vmul.f32 v62, v61;
	v61 =	vadd.f32 v56, v54;
	v62 =	vmul.f32 v39, v16  }
0x236: {  	v51 =	vmul.f32 v26, v16;
	v56 =	vld [tilespmem:$0x8B90];
	v21 =	vmul.f32 v21, v17;
	v24 =	vadd.f32 v59, v36;
	(xrf2) =	vadd.scan.msk.f32 $0xffff, v25  }
0x237: {  	v54 =	vmul.f32 v29, v17;
	v25 =	vadd.f32 v46, v62;
	v31 =	vmul.f32 v55, v53;
	(xrf2) =	vadd.scan.msk.f32 $0xffff, v61;
	v53 =	vld [tilespmem:$0x8B80]  }
0x238: {  	v20 =	vmul.f32 v20, v16;
	v21 =	vadd.f32 v21, v23;
	(xrf2) =	vadd.scan.msk.f32 $0xffff, v24;
	v35 =	vld.idx.msk [tilespmem:v57+s13+$0x0], $0xffff  }
0x239: {  	v52 =	vmul.f32 v60, v58;
	v58 =	vmul.f32 v34, v17;
	(xrf2) =	vadd.scan.msk.f32 $0xffff, v25;
	v19 =	vld.idx.msk [tilespmem:v19+s13+$0x0], $0xffff  }
0x23a: {  	v20 =	vadd.f32 v50, v20;
	v60 =	vmul.f32 v38, v16;
	(xrf2) =	vadd.scan.msk.f32 $0xffff, v22;
	v57 =	vmul.f32 v32, v16  }
0x23b: {  	v59 =	vadd.f32 v54, v51;
	v55 =	vmul.f32 v47, v45;
	v61 =	vmul.f32 v37, v17;
	(xrf2) =	vadd.scan.msk.f32 $0xffff, v21  }
0x23c: {  	v62 =	vmul.f32 v63, v16;
	v63 =	vmul.f32 v31, v17;
	(xrf2) =	vadd.scan.msk.f32 $0xffff, v20;
	v20 =	vadd.f32 v58, v57  }
0x23d: {  	v34 =	vmul.f32 v52, v16;
	v25 =	vmul.f32 v55, v17;
	(xrf2) =	vadd.scan.msk.f32 $0xffff, v59;
	v32 =	vadd.f32 v61, v60  }
0x23e: {  	v33, _, _ =	vpop (xrf2);
	(xrf2) =	vadd.scan.msk.f32 $0xffff, v20;
	v20 =	vadd.f32 v63, v62;
	v37 =	vmul.f32 v53, v35;
	v38 =	vmul.f32 v56, v19  }
0x23f: {  	v36, _, _ =	vpop (xrf2);
	v39 =	vbroadcast v33, $0xF;
	(xrf2) =	vadd.scan.msk.f32 $0xffff, v32  }
0x240: {  	v40 =	vadd.f32 v25, v34;
	v41, _, _ =	vpop (xrf2);
	(xrf2) =	vadd.scan.msk.f32 $0xffff, v20;
	v20 =	vmul.f32 v37, v16;
	v43 =	vmul.f32 v38, v17  }
0x241: {  	v22 =	vbroadcast v36, $0xF  }
0x242: {  	v21 =	vsel vm0, v42, v39;
	v24 =	vbroadcast v41, $0xF;
	v44, _, _ =	vpop (xrf2);
	(xrf2) =	vadd.scan.msk.f32 $0xffff, v40;
	v20 =	vadd.f32 v43, v20  }
0x243: {  	v21 =	vsel vm1, v21, v22;
	v45, _, _ =	vpop (xrf2);
	v46 =	vbroadcast v44, $0xF  }
0x244: {  	v21 =	vsel vm2, v21, v24;
	v47, _, _ =	vpop (xrf2);
	v23 =	vbroadcast v45, $0xF  }
0x245: {  	v21 =	vsel vm3, v21, v46;
	v48 =	vbroadcast v47, $0xF;
	v49, _, _ =	vpop (xrf2);
	(xrf2) =	vadd.scan.msk.f32 $0xffff, v20  }
0x246: {  	v21 =	vsel vm4, v21, v23;
	v50 =	vbroadcast v49, $0xF;
	v20, _, _ =	vpop (xrf2)  }
0x247: {  	v21 =	vsel vm5, v21, v48;
	v51, _, _ =	vpop (xrf2);
	v20 =	vbroadcast v20, $0xF  }
0x248: {  	v21 =	vsel vm6, v21, v50;
	v52, _, _ =	vpop (xrf2);
	v53 =	vbroadcast v51, $0xF  }
0x249: {  	v54, _, _ =	vpop (xrf2);
	v20 =	vsel vm7, v21, v20;
	v55 =	vbroadcast v52, $0xF  }
0x24a: {  	v56, _, _ =	vpop (xrf2);
	v20 =	vsel vm8, v20, v53;
	v57 =	vbroadcast v54, $0xF  }
0x24b: {  	v58, _, _ =	vpop (xrf2);
	v20 =	vsel vm9, v20, v55;
	v59 =	vbroadcast v56, $0xF  }
0x24c: {  	v60, _, _ =	vpop (xrf2);
	v20 =	vsel vm10, v20, v57;
	v61 =	vbroadcast v58, $0xF  }
0x24d: {  	v20 =	vsel vm11, v20, v59;
	v62 =	vbroadcast v60, $0xF  }
0x24e: {  	v20 =	vsel vm12, v20, v61  }
0x24f: {  	v63, _, _ =	vpop (xrf2);
	v20 =	vsel vm13, v20, v62  }
0x250: {  	v20 =	vsel vm14, v20, v63  }
0x251: {  	v20 =	vadd.f32 v20, v18;
	_ =	sdelay $0x1  }
0x252: {  	v20 =	vsub.f32 $0.0e+00, v20;
	_ =	sdelay $0x1  }
0x253: {  	v20 =	vmul.f32 $1.442695020e+00, v20;
	_ =	sdelay $0x1  }
0x254: {  	(erf) = vpow2.f32 v20;
	_ =	sdelay $0x8  }
0x255: {  	v20 =	vpop (erf)  }
0x256: {  	v20 =	vadd.f32 $1.000000000e+00, v20;
	_ =	sdelay $0x1  }
0x257: {  	(erf) = vrcp.f32 v20;
	_ =	sdelay $0x3  }
0x258: {  	s24 =	sadd.s32 $0x40, s24  }
0x259: {  	p0 =	sne.s32 s24, $0x800  }
.Ltmp0:
0x25a: {  	_ = 	snop;
	(pc) =	sbr.rel @p0 .LBB2_2-.Ltmp0, $4  }
0x25b: {  	_ = 	snop  }
0x25c: {  	[tilespmem:$0x9380] =	vst v35  }
0x25d: {  	[tilespmem:$0x9390] =	vst v19;
	v19 =	vpop (erf)  }
0x25e: {  	[tilespmem:s25+$0x9480] =	vst v19  }
0x25f: {  	s23 =	sadd.s32 $0x1, s23  }
0x260: {  	p0 =	sne.s32 s23, s8  }
.Ltmp1:
0x261: {  	_ = 	snop;
	(pc) =	sbr.rel @p0 .LBB2_1-.Ltmp1, $4  }
0x262: {  	[hbm4b:s7+s3] =	stream.linear.scatter [tilespmem:s22], [sflag:$0x2], $0x200, $0x38;
	[tilespmem:$0x9680] =	vst v63  }
0x263: {  	_ =	swait.ge [sflag:s9], $0x200  }
0x264: {  	[sflag:s9] =	ssyncset.done $0x0  }
0x265: {  	[sflag:s9] =	ssyncadd.s32 $0xFFFFFE00  }
0x266: {  	_ =	sfence.sel $0x180000  }
0x267: {  	[bflag:$0x0] =	sbarrier.arrive $0xFFFF  }
0x268: {  	_ =	strace $0x90000047  }
0x269: {  	s0 =	stileid.u32;
	[bflag:$0x2] =	sbarrier.arrive $0xFFFF  }
0x26a: {  	p0 =	sne.s32 s0, $0x0;
	s0 =	rddreg [dreg:$0x6]  }
0x26b: {  	s0 =	sadd.s32 @!p0 $0x100000, s0  }
0x26c: {  	[sflag:s0] =	ssyncadd.tile.s32 @!p0 $0x1;
	_ =	shalt  }
.Lfunc_end2:
_tile_overlayer_lowered:
.L_overlay_start_2:
0x26d: {  	(tag) =	ssettag $0x2  }
0x26e: {  	s0 =	rddreg [dreg:$0x0];
	s2 =	stileid.u32  }
0x26f: {  	s1 =	rddreg [dreg:$0x1];
	p0 =	sne.s32 s2, $0x0  }
0x270: {  	s3 =	rddreg [dreg:$0x2];
	[bflag:$0x3] =	sbarrier.arrive $0xFFFF;
	s2 =	simm.s32 @!p0 $0x1C02  }
0x271: {  	[timem:s3], [sflag:s2] =	dma.local @!p0 [hbm:s0], s1  }
0x272: {  	s0 =	simm.s32 @!p0 $0x2  }
0x273: {  	_ =	swait.ge @!p0 [sflag:s0], s1  }
0x274: {  	s1 =	ssub.s32 @!p0 $0x0, s1;
	[sflag:s0] =	ssyncset.done @!p0 $0x0  }
0x275: {  	[sflag:s0] =	ssyncadd.s32 @!p0 s1  }
0x276: {  	[bflag:$0x3] =	sbarrier.arrive $0xFFFF  }
0x277: {  	_ =	shalt  }

</sc_bundles>
